<compile_context>
chip_gen: v7x
topology: tpu7x:2x2x1
jax: 0.10.2.dev20260603
libtpu: 0.0.44.dev20260713+nightly
codegen_flags: <defaults>
</compile_context>

<pallas_src>
import functools

import jax
import jax.numpy as jnp
from jax import lax
from jax.experimental import pallas as pl
from jax.experimental.pallas import tpu as pltpu
from jax.experimental.pallas import tpu_sc as plsc

N = 10000
E = 320000
D_IN = 128
D_HID = 16
D_OUT = 64
MU = 0.1
P = 2.0

NS = 16
CH = 512
NCH = E // CH
CH_W = 40
NCH_P = NS * CH_W
SL = 640
NP = NS * SL
G = 2
M = CH_W // G

C0 = 2.0 * MU / P
C1 = 4.0 * MU / P


def _rsqrt16(x):
    i = lax.bitcast_convert_type(x, jnp.int32)
    i = jnp.int32(0x5F3759DF) - (i >> 1)
    y = lax.bitcast_convert_type(i, jnp.float32)
    for _ in range(4):
        y = y * (1.5 - 0.5 * x * y * y)
    return y




def _edge_pass(src, t_sh, ridx, cidx, rows, sgA, sgB, ssA, ssB):

    def issue_g(m, base, sem):
        for i in range(G):
            pltpu.async_copy(src.at[ridx.at[m * G + i]], rows.at[base + i],
                             sem)

    def drain_g(m, base, sem):
        for i in range(G):
            pltpu.make_async_copy(src.at[ridx.at[m * G + i]],
                                  rows.at[base + i], sem).wait()

    def issue_s(m, base, sem):
        for i in range(G):
            pltpu.async_copy(rows.at[base + i], t_sh.at[cidx.at[m * G + i]],
                             sem, add=True)

    def drain_s(m, base, sem):
        for i in range(G):
            pltpu.make_async_copy(rows.at[base + i],
                                  t_sh.at[cidx.at[m * G + i]], sem).wait()

    issue_g(0, 0, sgA)

    def body(k, _):
        mA = 2 * k
        mB = 2 * k + 1
        issue_g(mB, G, sgB)
        drain_g(mA, 0, sgA)
        issue_s(mA, 0, ssA)
        drain_s(mA, 0, ssA)

        @pl.when(k < M // 2 - 1)
        def _():
            issue_g(mA + 2, 0, sgA)

        drain_g(mB, G, sgB)
        issue_s(mB, G, ssB)
        drain_s(mB, G, ssB)
        return 0
    lax.fori_loop(0, M // 2, body, 0)


def _coeffs(d16):
    pos = d16 > 0.0
    dis = jnp.where(pos, _rsqrt16(d16), 0.0)
    alpha = 1.0 / (dis * dis * d16 + C0)
    beta = C1 * alpha
    return pos, dis, alpha, beta


def _main_body(h_p, row2d, col2d, out2,
               t_sh, s_sh, ridx, cidx, rows, tv, degv, hv,
               sgA, sgB, ssA, ssB):
    w = lax.axis_index("s")
    n0 = w * SL
    e0 = w * CH_W

    pltpu.sync_copy(row2d.at[pl.ds(e0, CH_W)], ridx)
    pltpu.sync_copy(col2d.at[pl.ds(e0, CH_W)], cidx)
    pltpu.sync_copy(h_p.at[pl.ds(n0, SL)], hv)

    ones_rows = rows.at[0]

    def _fill(i, _):
        ones_rows[i] = jnp.ones((16,), jnp.float32)
        tv[i] = jnp.zeros((16,), jnp.float32)
        return 0
    lax.fori_loop(0, CH, _fill, 0)

    def _fill2(i, _):
        tv[CH + i] = jnp.zeros((16,), jnp.float32)
        return 0
    lax.fori_loop(0, SL - CH, _fill2, 0)
    pltpu.sync_copy(tv, t_sh.at[pl.ds(n0, SL)])
    plsc.subcore_barrier()

    def _dchunk(k, _):
        for b in range(8):
            pltpu.async_copy(ones_rows, t_sh.at[cidx.at[8 * k + b]],
                             ssA, add=True)
        for b in range(8):
            pltpu.make_async_copy(ones_rows, t_sh.at[cidx.at[8 * k + b]],
                                  ssA).wait()
        return 0
    lax.fori_loop(0, CH_W // 8, _dchunk, 0)
    plsc.subcore_barrier()

    pltpu.sync_copy(t_sh.at[pl.ds(n0, SL)], degv)

    def _s1(i, _):
        _, dis, alpha, _ = _coeffs(degv[i])
        tv[i] = (alpha * dis) * hv[i]
        return 0
    lax.fori_loop(0, SL, _s1, 0)
    pltpu.sync_copy(tv, s_sh.at[pl.ds(n0, SL)])

    def _uoc(i, _):
        _, dis, _, beta = _coeffs(degv[i])
        d16 = degv[i]
        tv[i] = beta * d16 * dis * hv[i]
        return 0
    lax.fori_loop(0, SL, _uoc, 0)
    pltpu.sync_copy(tv, t_sh.at[pl.ds(n0, SL)])
    plsc.subcore_barrier()

    _edge_pass(s_sh, t_sh, ridx, cidx, rows, sgA, sgB, ssA, ssB)
    plsc.subcore_barrier()

    pltpu.sync_copy(t_sh.at[pl.ds(n0, SL)], tv)

    def _s2(i, _):
        _, dis, alpha, _ = _coeffs(degv[i])
        tv[i] = (alpha * dis * dis) * tv[i]
        return 0
    lax.fori_loop(0, SL, _s2, 0)
    pltpu.sync_copy(tv, s_sh.at[pl.ds(n0, SL)])

    def _uoc2(i, _):
        _, dis, _, beta = _coeffs(degv[i])
        d16 = degv[i]
        tv[i] = beta * d16 * dis * hv[i]
        return 0
    lax.fori_loop(0, SL, _uoc2, 0)
    pltpu.sync_copy(tv, t_sh.at[pl.ds(n0, SL)])
    plsc.subcore_barrier()

    _edge_pass(s_sh, t_sh, ridx, cidx, rows, sgA, sgB, ssA, ssB)
    plsc.subcore_barrier()

    pltpu.sync_copy(t_sh.at[pl.ds(n0, SL)], tv)

    def _fin(i, _):
        pos, dis, _, beta = _coeffs(degv[i])
        tv[i] = jnp.where(pos, dis * tv[i], beta * hv[i])
        return 0
    lax.fori_loop(0, SL, _fin, 0)
    pltpu.sync_copy(tv, out2.at[pl.ds(n0, SL)])


@functools.lru_cache(maxsize=None)
def _get_sc_main():
    mesh = plsc.VectorSubcoreMesh(
        core_axis_name="c", subcore_axis_name="s",
        num_cores=1, num_subcores=NS)
    return pl.kernel(
        _main_body,
        out_type=jax.ShapeDtypeStruct((NP, D_HID), jnp.float32),
        mesh=mesh,
        compiler_params=pltpu.CompilerParams(use_tc_tiling_on_sc=False),
        scratch_types=[
            pltpu.VMEM_SHARED((NP, D_HID), jnp.float32),
            pltpu.VMEM_SHARED((NP, D_HID), jnp.float32),
            pltpu.VMEM((CH_W, CH), jnp.int32),
            pltpu.VMEM((CH_W, CH), jnp.int32),
            pltpu.VMEM((2 * G, CH, D_HID), jnp.float32),
            pltpu.VMEM((SL, D_HID), jnp.float32),
            pltpu.VMEM((SL, D_HID), jnp.float32),
            pltpu.VMEM((SL, D_HID), jnp.float32),
            pltpu.SemaphoreType.DMA,
            pltpu.SemaphoreType.DMA,
            pltpu.SemaphoreType.DMA,
            pltpu.SemaphoreType.DMA,
        ],
    )


def _pre_body(x_ref, w1_ref, b1_ref, h_ref):
    h_ref[...] = jnp.maximum(
        jnp.dot(x_ref[...], w1_ref[...],
                preferred_element_type=jnp.float32) + b1_ref[...], 0.0)


_tc_pre = pl.pallas_call(
    _pre_body,
    out_shape=jax.ShapeDtypeStruct((N, D_HID), jnp.float32),
)


def _post_body(o_ref, w2_ref, b2_ref, out_ref):
    logits = jnp.dot(o_ref[...], w2_ref[...],
                     preferred_element_type=jnp.float32) + b2_ref[...]
    m = jnp.max(logits, axis=1, keepdims=True)
    lse = jnp.log(jnp.sum(jnp.exp(logits - m), axis=1, keepdims=True)) + m
    out_ref[...] = logits - lse


_tc_post = pl.pallas_call(
    _post_body,
    out_shape=jax.ShapeDtypeStruct((N, D_OUT), jnp.float32),
)


def kernel(x, W1, b1, W2, b2, edge_index):
    epad = ((0, NCH_P - NCH), (0, 0))
    row2d = jnp.pad(edge_index[0].reshape(NCH, CH), epad,
                    constant_values=NP - 1)
    col2d = jnp.pad(edge_index[1].reshape(NCH, CH), epad,
                    constant_values=NP - 1)

    h = _tc_pre(x, W1, b1.reshape(1, D_HID))
    h_p = jnp.pad(h, ((0, NP - N), (0, 0)))

    out2 = _get_sc_main()(h_p, row2d, col2d)

    return _tc_post(out2[:N], W2, b2.reshape(1, D_OUT))

# --- scband reference (transcript-rebuilt; emitter-appended) ---
"""Pipeline reference for scband-p-gnn-58858231824471 (READ-ONLY COPY).

The authoritative reference and input builder live on the scoring server;
editing this copy changes nothing except your own understanding.
"""

import jax, jax.numpy as jnp
import numpy as np

N = 10000
E = 320000
D_IN = 128
D_HID = 16
D_OUT = 64
MU = 0.1
P = 2.0
K_ITERS = 2


def _pgnn_forward(x, W1, b1, W2, b2, edge_index):
    # lin1 + relu (dropout is identity in eval mode)
    h = jax.nn.relu(x @ W1 + b1)
    row = edge_index[0]
    col = edge_index[1]
    # pgnn_norm: edge_weight = ones, deg over col, deg_inv_sqrt with inf->0
    ew = jnp.ones((E,), dtype=jnp.float32)
    deg = jax.ops.segment_sum(ew, col, num_segments=N)
    deg_inv_sqrt = jnp.where(deg > 0, deg ** -0.5, 0.0)
    out = h
    for _ in range(K_ITERS):
        # calc_M
        graph_grad = jnp.sqrt(ew)[:, None] * (
            deg_inv_sqrt[row][:, None] * out[row] - deg_inv_sqrt[col][:, None] * out[col]
        )
        graph_grad = jnp.linalg.norm(graph_grad, axis=1) ** (P - 2.0)
        M = ew * graph_grad
        M = jnp.where(jnp.isinf(M), 0.0, M)
        alpha = 1.0 / (deg_inv_sqrt ** 2 * jax.ops.segment_sum(M, col, num_segments=N) + 2.0 * MU / P)
        beta = 4.0 * MU / P * alpha
        M_ = alpha[row] * deg_inv_sqrt[row] * M * deg_inv_sqrt[col]
        # propagate (aggr='add'): message = edge_weight * x_j, aggregate at col
        out = jax.ops.segment_sum(M_[:, None] * out[row], col, num_segments=N) + beta[:, None] * h
    out = out @ W2 + b2
    return jax.nn.log_softmax(out, axis=1)


def setup_inputs(seed: int = 0) -> dict:
    key = jax.random.key(seed)
    k1, k2, k3, k4, k5, k6 = jax.random.split(key, 6)
    x = jax.random.normal(k1, (N, D_IN), dtype=jnp.float32)
    edge_index = jax.random.randint(k2, (2, E), 0, N, dtype=jnp.int32)
    W1 = jax.random.normal(k3, (D_IN, D_HID), dtype=jnp.float32) * (1.0 / np.sqrt(D_IN))
    b1 = jnp.zeros((D_HID,), dtype=jnp.float32)
    W2 = jax.random.normal(k4, (D_HID, D_OUT), dtype=jnp.float32) * (1.0 / np.sqrt(D_HID))
    b2 = jnp.zeros((D_OUT,), dtype=jnp.float32)
    return {"x": x, "W1": W1, "b1": b1, "W2": W2, "b2": b2, "edge_index": edge_index}


def reference(x, W1, b1, W2, b2, edge_index):
    return _pgnn_forward(x, W1, b1, W2, b2, edge_index)

if __name__ == "__main__":
    import jax
    _d = setup_inputs()
    print(jax.jit(kernel)(*tuple(_d.values())))

</pallas_src>

<mosaic_0001>
#map = affine_map<(d0, d1) -> (0, 0)>
module attributes {stable_mosaic.version = 14 : i64} {
  func.func @_main_body(%arg0: i32, %arg1: i32, %arg2: memref<10240x16xf32, #tpu.memory_space<hbm>>, %arg3: memref<640x512xi32, #tpu.memory_space<hbm>>, %arg4: memref<640x512xi32, #tpu.memory_space<hbm>>, %arg5: memref<10240x16xf32, #tpu.memory_space<hbm>>, %arg6: memref<10240x16xf32, #tpu.memory_space<vmem_shared>>, %arg7: memref<10240x16xf32, #tpu.memory_space<vmem_shared>>, %arg8: memref<40x512xi32, #tpu.memory_space<vmem>>, %arg9: memref<40x512xi32, #tpu.memory_space<vmem>>, %arg10: memref<4x512x16xf32, #tpu.memory_space<vmem>>, %arg11: memref<640x16xf32, #tpu.memory_space<vmem>>, %arg12: memref<640x16xf32, #tpu.memory_space<vmem>>, %arg13: memref<640x16xf32, #tpu.memory_space<vmem>>, %arg14: memref<!tpu.dma_semaphore, #tpu.memory_space<semaphore_mem>>, %arg15: memref<!tpu.dma_semaphore, #tpu.memory_space<semaphore_mem>>, %arg16: memref<!tpu.dma_semaphore, #tpu.memory_space<semaphore_mem>>, %arg17: memref<!tpu.dma_semaphore, #tpu.memory_space<semaphore_mem>>) attributes {dimension_semantics = [#tpu.dimension_semantics<core_parallel>, #tpu.dimension_semantics<subcore_parallel>], iteration_bounds = array<i64: 1, 16>, scalar_prefetch = 0 : i64, scratch_operands = 12 : i64, tpu.core_type = #tpu.core_type<sc_vector_subcore>, window_params = [{transform_indices = #map}, {transform_indices = #map}, {transform_indices = #map}, {transform_indices = #map}]} {
    %mul3A = arith.constant 640 : i32
    %mul3A_0 = arith.muli %arg1, %mul3A : i32
    %mul3A_1 = arith.constant 40 : i32
    %mul3A_2 = arith.muli %arg1, %mul3A_1 : i32
    "tpu.region"() ({
      %run_scoped3A = tpu.sem_alloc : memref<!tpu.dma_semaphore, #tpu.memory_space<semaphore_mem>>
      %dma_start3A_126 = arith.constant 0 : i32
      %dma_start3A_127 = tpu.memref_slice %arg3[%mul3A_2, %dma_start3A_126] : memref<640x512xi32, #tpu.memory_space<hbm>> -> memref<40x512xi32, #tpu.memory_space<hbm>>
      %dma_start3A_128 = arith.constant 0 : i32
      %dma_start3A_129 = tpu.memref_slice %arg3[%mul3A_2, %dma_start3A_128] : memref<640x512xi32, #tpu.memory_space<hbm>> -> memref<40x512xi32, #tpu.memory_space<hbm>>
      tpu.enqueue_dma source(%dma_start3A_129 : memref<40x512xi32, #tpu.memory_space<hbm>>) target(%arg8 : memref<40x512xi32, #tpu.memory_space<vmem>>) target_semaphore(%run_scoped3A : memref<!tpu.dma_semaphore, #tpu.memory_space<semaphore_mem>>)
      %dma_wait3A = arith.constant 0 : i32
      %dma_wait3A_130 = tpu.memref_slice %arg3[%mul3A_2, %dma_wait3A] : memref<640x512xi32, #tpu.memory_space<hbm>> -> memref<40x512xi32, #tpu.memory_space<hbm>>
      %dma_wait3A_131 = arith.constant 0 : i32
      %dma_wait3A_132 = tpu.memref_slice %arg3[%mul3A_2, %dma_wait3A_131] : memref<640x512xi32, #tpu.memory_space<hbm>> -> memref<40x512xi32, #tpu.memory_space<hbm>>
      tpu.wait_dma2 semaphore(%run_scoped3A : memref<!tpu.dma_semaphore, #tpu.memory_space<semaphore_mem>>) src(%dma_wait3A_132 : memref<40x512xi32, #tpu.memory_space<hbm>>) dst(%arg8 : memref<40x512xi32, #tpu.memory_space<vmem>>)
      tpu.yield
    }) : () -> ()
    "tpu.region"() ({
      %run_scoped3A = tpu.sem_alloc : memref<!tpu.dma_semaphore, #tpu.memory_space<semaphore_mem>>
      %dma_start3A_126 = arith.constant 0 : i32
      %dma_start3A_127 = tpu.memref_slice %arg4[%mul3A_2, %dma_start3A_126] : memref<640x512xi32, #tpu.memory_space<hbm>> -> memref<40x512xi32, #tpu.memory_space<hbm>>
      %dma_start3A_128 = arith.constant 0 : i32
      %dma_start3A_129 = tpu.memref_slice %arg4[%mul3A_2, %dma_start3A_128] : memref<640x512xi32, #tpu.memory_space<hbm>> -> memref<40x512xi32, #tpu.memory_space<hbm>>
      tpu.enqueue_dma source(%dma_start3A_129 : memref<40x512xi32, #tpu.memory_space<hbm>>) target(%arg9 : memref<40x512xi32, #tpu.memory_space<vmem>>) target_semaphore(%run_scoped3A : memref<!tpu.dma_semaphore, #tpu.memory_space<semaphore_mem>>)
      %dma_wait3A = arith.constant 0 : i32
      %dma_wait3A_130 = tpu.memref_slice %arg4[%mul3A_2, %dma_wait3A] : memref<640x512xi32, #tpu.memory_space<hbm>> -> memref<40x512xi32, #tpu.memory_space<hbm>>
      %dma_wait3A_131 = arith.constant 0 : i32
      %dma_wait3A_132 = tpu.memref_slice %arg4[%mul3A_2, %dma_wait3A_131] : memref<640x512xi32, #tpu.memory_space<hbm>> -> memref<40x512xi32, #tpu.memory_space<hbm>>
      tpu.wait_dma2 semaphore(%run_scoped3A : memref<!tpu.dma_semaphore, #tpu.memory_space<semaphore_mem>>) src(%dma_wait3A_132 : memref<40x512xi32, #tpu.memory_space<hbm>>) dst(%arg9 : memref<40x512xi32, #tpu.memory_space<vmem>>)
      tpu.yield
    }) : () -> ()
    "tpu.region"() ({
      %run_scoped3A = tpu.sem_alloc : memref<!tpu.dma_semaphore, #tpu.memory_space<semaphore_mem>>
      %dma_start3A_126 = arith.constant 0 : i32
      %dma_start3A_127 = tpu.memref_slice %arg2[%mul3A_0, %dma_start3A_126] : memref<10240x16xf32, #tpu.memory_space<hbm>> -> memref<640x16xf32, #tpu.memory_space<hbm>>
      %dma_start3A_128 = arith.constant 0 : i32
      %dma_start3A_129 = tpu.memref_slice %arg2[%mul3A_0, %dma_start3A_128] : memref<10240x16xf32, #tpu.memory_space<hbm>> -> memref<640x16xf32, #tpu.memory_space<hbm>>
      tpu.enqueue_dma source(%dma_start3A_129 : memref<640x16xf32, #tpu.memory_space<hbm>>) target(%arg13 : memref<640x16xf32, #tpu.memory_space<vmem>>) target_semaphore(%run_scoped3A : memref<!tpu.dma_semaphore, #tpu.memory_space<semaphore_mem>>)
      %dma_wait3A = arith.constant 0 : i32
      %dma_wait3A_130 = tpu.memref_slice %arg2[%mul3A_0, %dma_wait3A] : memref<10240x16xf32, #tpu.memory_space<hbm>> -> memref<640x16xf32, #tpu.memory_space<hbm>>
      %dma_wait3A_131 = arith.constant 0 : i32
      %dma_wait3A_132 = tpu.memref_slice %arg2[%mul3A_0, %dma_wait3A_131] : memref<10240x16xf32, #tpu.memory_space<hbm>> -> memref<640x16xf32, #tpu.memory_space<hbm>>
      tpu.wait_dma2 semaphore(%run_scoped3A : memref<!tpu.dma_semaphore, #tpu.memory_space<semaphore_mem>>) src(%dma_wait3A_132 : memref<640x16xf32, #tpu.memory_space<hbm>>) dst(%arg13 : memref<640x16xf32, #tpu.memory_space<vmem>>)
      tpu.yield
    }) : () -> ()
    %scan3A = arith.constant 0 : i32
    %scan3A_3 = arith.constant 0 : i32
    %scan3A_4 = arith.constant 0 : i32
    %scan3A_5 = arith.constant 512 : i32
    %scan3A_6 = arith.addi %scan3A_4, %scan3A_5 : i32
    %scan3A_7 = arith.constant 1 : i32
    %scan3A_8 = scf.for %scan3A_126 = %scan3A_4 to %scan3A_6 step %scan3A_7 iter_args(%scan3A_127 = %scan3A_3) -> (i32)  : i32 {
      %broadcast_in_dim3A = arith.constant 1.000000e+00 : f32
      %broadcast_in_dim3A_128 = vector.broadcast %broadcast_in_dim3A : f32 to vector<16xf32>
      %swap3A = arith.constant 0 : i32
      %swap3A_129 = arith.constant 0 : i32
      %swap3A_130 = tpu.memref_slice %arg10[%scan3A, %swap3A, %swap3A_129] : memref<4x512x16xf32, #tpu.memory_space<vmem>> -> memref<1x512x16xf32, #tpu.memory_space<vmem>>
      %swap3A_131 = tpu.memref_squeeze %swap3A_130 : memref<1x512x16xf32, #tpu.memory_space<vmem>> -> memref<512x16xf32, #tpu.memory_space<vmem>>
      %swap3A_132 = arith.index_cast %scan3A_126 : i32 to index
      %swap3A_133 = arith.constant 0 : index
      %swap3A_134 = tpu.vector_load %swap3A_131[%swap3A_132, %swap3A_133] {strides = array<i32>} : memref<512x16xf32, #tpu.memory_space<vmem>>, vector<1x16xf32>,
      %swap3A_135 = vector.shape_cast %swap3A_134 : vector<1x16xf32> to vector<16xf32>
      %swap3A_136 = vector.shape_cast %broadcast_in_dim3A_128 : vector<16xf32> to vector<1x16xf32>
      tpu.vector_store %swap3A_131[%swap3A_132, %swap3A_133], %swap3A_136 {strides = array<i32>} : memref<512x16xf32, #tpu.memory_space<vmem>>, vector<1x16xf32>,
      %broadcast_in_dim3A_137 = arith.constant 0.000000e+00 : f32
      %broadcast_in_dim3A_138 = vector.broadcast %broadcast_in_dim3A_137 : f32 to vector<16xf32>
      %swap3A_139 = arith.index_cast %scan3A_126 : i32 to index
      %swap3A_140 = arith.constant 0 : index
      %swap3A_141 = tpu.vector_load %arg11[%swap3A_139, %swap3A_140] {strides = array<i32>} : memref<640x16xf32, #tpu.memory_space<vmem>>, vector<1x16xf32>,
      %swap3A_142 = vector.shape_cast %swap3A_141 : vector<1x16xf32> to vector<16xf32>
      %swap3A_143 = vector.shape_cast %broadcast_in_dim3A_138 : vector<16xf32> to vector<1x16xf32>
      tpu.vector_store %arg11[%swap3A_139, %swap3A_140], %swap3A_143 {strides = array<i32>} : memref<640x16xf32, #tpu.memory_space<vmem>>, vector<1x16xf32>,
      %scan3A_144 = arith.constant 0 : i32
      scf.yield %scan3A_144 : i32
    }
    %scan3A_9 = arith.constant 512 : i32
    %scan3A_10 = arith.constant 0 : i32
    %scan3A_11 = arith.constant 0 : i32
    %scan3A_12 = arith.constant 128 : i32
    %scan3A_13 = arith.addi %scan3A_11, %scan3A_12 : i32
    %scan3A_14 = arith.constant 1 : i32
    %scan3A_15 = scf.for %scan3A_126 = %scan3A_11 to %scan3A_13 step %scan3A_14 iter_args(%scan3A_127 = %scan3A_10) -> (i32)  : i32 {
      %broadcast_in_dim3A = arith.constant 0.000000e+00 : f32
      %broadcast_in_dim3A_128 = vector.broadcast %broadcast_in_dim3A : f32 to vector<16xf32>
      %add3A = arith.constant 512 : i32
      %add3A_129 = arith.addi %add3A, %scan3A_126 : i32
      %swap3A = arith.index_cast %add3A_129 : i32 to index
      %swap3A_130 = arith.constant 0 : index
      %swap3A_131 = tpu.vector_load %arg11[%swap3A, %swap3A_130] {strides = array<i32>} : memref<640x16xf32, #tpu.memory_space<vmem>>, vector<1x16xf32>,
      %swap3A_132 = vector.shape_cast %swap3A_131 : vector<1x16xf32> to vector<16xf32>
      %swap3A_133 = vector.shape_cast %broadcast_in_dim3A_128 : vector<16xf32> to vector<1x16xf32>
      tpu.vector_store %arg11[%swap3A, %swap3A_130], %swap3A_133 {strides = array<i32>} : memref<640x16xf32, #tpu.memory_space<vmem>>, vector<1x16xf32>,
      %scan3A_134 = arith.constant 0 : i32
      scf.yield %scan3A_134 : i32
    }
    %scan3A_16 = arith.constant 128 : i32
    "tpu.region"() ({
      %run_scoped3A = tpu.sem_alloc : memref<!tpu.dma_semaphore, #tpu.memory_space<semaphore_mem>>
      %dma_start3A_126 = arith.constant 0 : i32
      %dma_start3A_127 = tpu.memref_slice %arg6[%mul3A_0, %dma_start3A_126] : memref<10240x16xf32, #tpu.memory_space<vmem_shared>> -> memref<640x16xf32, #tpu.memory_space<vmem_shared>>
      %dma_start3A_128 = arith.constant 0 : i32
      %dma_start3A_129 = tpu.memref_slice %arg6[%mul3A_0, %dma_start3A_128] : memref<10240x16xf32, #tpu.memory_space<vmem_shared>> -> memref<640x16xf32, #tpu.memory_space<vmem_shared>>
      tpu.enqueue_dma source(%arg11 : memref<640x16xf32, #tpu.memory_space<vmem>>) target(%dma_start3A_129 : memref<640x16xf32, #tpu.memory_space<vmem_shared>>) target_semaphore(%run_scoped3A : memref<!tpu.dma_semaphore, #tpu.memory_space<semaphore_mem>>)
      %dma_wait3A = arith.constant 0 : i32
      %dma_wait3A_130 = tpu.memref_slice %arg6[%mul3A_0, %dma_wait3A] : memref<10240x16xf32, #tpu.memory_space<vmem_shared>> -> memref<640x16xf32, #tpu.memory_space<vmem_shared>>
      %dma_wait3A_131 = arith.constant 0 : i32
      %dma_wait3A_132 = tpu.memref_slice %arg6[%mul3A_0, %dma_wait3A_131] : memref<10240x16xf32, #tpu.memory_space<vmem_shared>> -> memref<640x16xf32, #tpu.memory_space<vmem_shared>>
      tpu.wait_dma2 semaphore(%run_scoped3A : memref<!tpu.dma_semaphore, #tpu.memory_space<semaphore_mem>>) src(%arg11 : memref<640x16xf32, #tpu.memory_space<vmem>>) dst(%dma_wait3A_132 : memref<640x16xf32, #tpu.memory_space<vmem_shared>>)
      tpu.yield
    }) : () -> ()
    %barrier3A = arith.constant 0 : index
    tpu.barrier barrier_id(%barrier3A)
    %scan3A_17 = arith.constant 0 : i32
    %scan3A_18 = arith.constant 0 : i32
    %scan3A_19 = arith.constant 0 : i32
    %scan3A_20 = arith.constant 5 : i32
    %scan3A_21 = arith.addi %scan3A_19, %scan3A_20 : i32
    %scan3A_22 = arith.constant 1 : i32
    %scan3A_23 = scf.for %scan3A_126 = %scan3A_19 to %scan3A_21 step %scan3A_22 iter_args(%scan3A_127 = %scan3A_18) -> (i32)  : i32 {
      %mul3A_128 = arith.constant 8 : i32
      %mul3A_129 = arith.muli %mul3A_128, %scan3A_126 : i32
      %add3A = arith.constant 0 : i32
      %add3A_130 = arith.addi %mul3A_129, %add3A : i32
      %dma_start3A_131 = arith.constant 0 : i32
      %dma_start3A_132 = arith.constant 0 : i32
      %dma_start3A_133 = tpu.memref_slice %arg10[%scan3A_17, %dma_start3A_131, %dma_start3A_132] : memref<4x512x16xf32, #tpu.memory_space<vmem>> -> memref<1x512x16xf32, #tpu.memory_space<vmem>>
      %dma_start3A_134 = tpu.memref_squeeze %dma_start3A_133 : memref<1x512x16xf32, #tpu.memory_space<vmem>> -> memref<512x16xf32, #tpu.memory_space<vmem>>
      %dma_start3A_135 = arith.constant 0 : i32
      %dma_start3A_136 = tpu.memref_slice %arg9[%add3A_130, %dma_start3A_135] : memref<40x512xi32, #tpu.memory_space<vmem>> -> memref<1x512xi32, #tpu.memory_space<vmem>>
      %dma_start3A_137 = tpu.memref_squeeze %dma_start3A_136 : memref<1x512xi32, #tpu.memory_space<vmem>> -> memref<512xi32, #tpu.memory_space<vmem>>
      %dma_start3A_138 = arith.constant 0 : i32
      %dma_start3A_139 = arith.constant 0 : i32
      %dma_start3A_140 = tpu.memref_slice %arg6[%dma_start3A_138, %dma_start3A_139] : memref<10240x16xf32, #tpu.memory_space<vmem_shared>> -> memref<10240x16xf32, #tpu.memory_space<vmem_shared>>
      tpu.enqueue_indirect_dma source(%dma_start3A_134 : memref<512x16xf32, #tpu.memory_space<vmem>>) target(%dma_start3A_140 : memref<10240x16xf32, #tpu.memory_space<vmem_shared>>) offsets(%dma_start3A_137 : memref<512xi32, #tpu.memory_space<vmem>>) semaphore(%arg16 : memref<!tpu.dma_semaphore, #tpu.memory_space<semaphore_mem>>) {add = true}
      %mul3A_141 = arith.constant 8 : i32
      %mul3A_142 = arith.muli %mul3A_141, %scan3A_126 : i32
      %add3A_143 = arith.constant 1 : i32
      %add3A_144 = arith.addi %mul3A_142, %add3A_143 : i32
      %dma_start3A_145 = arith.constant 0 : i32
      %dma_start3A_146 = arith.constant 0 : i32
      %dma_start3A_147 = tpu.memref_slice %arg10[%scan3A_17, %dma_start3A_145, %dma_start3A_146] : memref<4x512x16xf32, #tpu.memory_space<vmem>> -> memref<1x512x16xf32, #tpu.memory_space<vmem>>
      %dma_start3A_148 = tpu.memref_squeeze %dma_start3A_147 : memref<1x512x16xf32, #tpu.memory_space<vmem>> -> memref<512x16xf32, #tpu.memory_space<vmem>>
      %dma_start3A_149 = arith.constant 0 : i32
      %dma_start3A_150 = tpu.memref_slice %arg9[%add3A_144, %dma_start3A_149] : memref<40x512xi32, #tpu.memory_space<vmem>> -> memref<1x512xi32, #tpu.memory_space<vmem>>
      %dma_start3A_151 = tpu.memref_squeeze %dma_start3A_150 : memref<1x512xi32, #tpu.memory_space<vmem>> -> memref<512xi32, #tpu.memory_space<vmem>>
      %dma_start3A_152 = arith.constant 0 : i32
      %dma_start3A_153 = arith.constant 0 : i32
      %dma_start3A_154 = tpu.memref_slice %arg6[%dma_start3A_152, %dma_start3A_153] : memref<10240x16xf32, #tpu.memory_space<vmem_shared>> -> memref<10240x16xf32, #tpu.memory_space<vmem_shared>>
      tpu.enqueue_indirect_dma source(%dma_start3A_148 : memref<512x16xf32, #tpu.memory_space<vmem>>) target(%dma_start3A_154 : memref<10240x16xf32, #tpu.memory_space<vmem_shared>>) offsets(%dma_start3A_151 : memref<512xi32, #tpu.memory_space<vmem>>) semaphore(%arg16 : memref<!tpu.dma_semaphore, #tpu.memory_space<semaphore_mem>>) {add = true}
      %mul3A_155 = arith.constant 8 : i32
      %mul3A_156 = arith.muli %mul3A_155, %scan3A_126 : i32
      %add3A_157 = arith.constant 2 : i32
      %add3A_158 = arith.addi %mul3A_156, %add3A_157 : i32
      %dma_start3A_159 = arith.constant 0 : i32
      %dma_start3A_160 = arith.constant 0 : i32
      %dma_start3A_161 = tpu.memref_slice %arg10[%scan3A_17, %dma_start3A_159, %dma_start3A_160] : memref<4x512x16xf32, #tpu.memory_space<vmem>> -> memref<1x512x16xf32, #tpu.memory_space<vmem>>
      %dma_start3A_162 = tpu.memref_squeeze %dma_start3A_161 : memref<1x512x16xf32, #tpu.memory_space<vmem>> -> memref<512x16xf32, #tpu.memory_space<vmem>>
      %dma_start3A_163 = arith.constant 0 : i32
      %dma_start3A_164 = tpu.memref_slice %arg9[%add3A_158, %dma_start3A_163] : memref<40x512xi32, #tpu.memory_space<vmem>> -> memref<1x512xi32, #tpu.memory_space<vmem>>
      %dma_start3A_165 = tpu.memref_squeeze %dma_start3A_164 : memref<1x512xi32, #tpu.memory_space<vmem>> -> memref<512xi32, #tpu.memory_space<vmem>>
      %dma_start3A_166 = arith.constant 0 : i32
      %dma_start3A_167 = arith.constant 0 : i32
      %dma_start3A_168 = tpu.memref_slice %arg6[%dma_start3A_166, %dma_start3A_167] : memref<10240x16xf32, #tpu.memory_space<vmem_shared>> -> memref<10240x16xf32, #tpu.memory_space<vmem_shared>>
      tpu.enqueue_indirect_dma source(%dma_start3A_162 : memref<512x16xf32, #tpu.memory_space<vmem>>) target(%dma_start3A_168 : memref<10240x16xf32, #tpu.memory_space<vmem_shared>>) offsets(%dma_start3A_165 : memref<512xi32, #tpu.memory_space<vmem>>) semaphore(%arg16 : memref<!tpu.dma_semaphore, #tpu.memory_space<semaphore_mem>>) {add = true}
      %mul3A_169 = arith.constant 8 : i32
      %mul3A_170 = arith.muli %mul3A_169, %scan3A_126 : i32
      %add3A_171 = arith.constant 3 : i32
      %add3A_172 = arith.addi %mul3A_170, %add3A_171 : i32
      %dma_start3A_173 = arith.constant 0 : i32
      %dma_start3A_174 = arith.constant 0 : i32
      %dma_start3A_175 = tpu.memref_slice %arg10[%scan3A_17, %dma_start3A_173, %dma_start3A_174] : memref<4x512x16xf32, #tpu.memory_space<vmem>> -> memref<1x512x16xf32, #tpu.memory_space<vmem>>
      %dma_start3A_176 = tpu.memref_squeeze %dma_start3A_175 : memref<1x512x16xf32, #tpu.memory_space<vmem>> -> memref<512x16xf32, #tpu.memory_space<vmem>>
      %dma_start3A_177 = arith.constant 0 : i32
      %dma_start3A_178 = tpu.memref_slice %arg9[%add3A_172, %dma_start3A_177] : memref<40x512xi32, #tpu.memory_space<vmem>> -> memref<1x512xi32, #tpu.memory_space<vmem>>
      %dma_start3A_179 = tpu.memref_squeeze %dma_start3A_178 : memref<1x512xi32, #tpu.memory_space<vmem>> -> memref<512xi32, #tpu.memory_space<vmem>>
      %dma_start3A_180 = arith.constant 0 : i32
      %dma_start3A_181 = arith.constant 0 : i32
      %dma_start3A_182 = tpu.memref_slice %arg6[%dma_start3A_180, %dma_start3A_181] : memref<10240x16xf32, #tpu.memory_space<vmem_shared>> -> memref<10240x16xf32, #tpu.memory_space<vmem_shared>>
      tpu.enqueue_indirect_dma source(%dma_start3A_176 : memref<512x16xf32, #tpu.memory_space<vmem>>) target(%dma_start3A_182 : memref<10240x16xf32, #tpu.memory_space<vmem_shared>>) offsets(%dma_start3A_179 : memref<512xi32, #tpu.memory_space<vmem>>) semaphore(%arg16 : memref<!tpu.dma_semaphore, #tpu.memory_space<semaphore_mem>>) {add = true}
      %mul3A_183 = arith.constant 8 : i32
      %mul3A_184 = arith.muli %mul3A_183, %scan3A_126 : i32
      %add3A_185 = arith.constant 4 : i32
      %add3A_186 = arith.addi %mul3A_184, %add3A_185 : i32
      %dma_start3A_187 = arith.constant 0 : i32
      %dma_start3A_188 = arith.constant 0 : i32
      %dma_start3A_189 = tpu.memref_slice %arg10[%scan3A_17, %dma_start3A_187, %dma_start3A_188] : memref<4x512x16xf32, #tpu.memory_space<vmem>> -> memref<1x512x16xf32, #tpu.memory_space<vmem>>
      %dma_start3A_190 = tpu.memref_squeeze %dma_start3A_189 : memref<1x512x16xf32, #tpu.memory_space<vmem>> -> memref<512x16xf32, #tpu.memory_space<vmem>>
      %dma_start3A_191 = arith.constant 0 : i32
      %dma_start3A_192 = tpu.memref_slice %arg9[%add3A_186, %dma_start3A_191] : memref<40x512xi32, #tpu.memory_space<vmem>> -> memref<1x512xi32, #tpu.memory_space<vmem>>
      %dma_start3A_193 = tpu.memref_squeeze %dma_start3A_192 : memref<1x512xi32, #tpu.memory_space<vmem>> -> memref<512xi32, #tpu.memory_space<vmem>>
      %dma_start3A_194 = arith.constant 0 : i32
      %dma_start3A_195 = arith.constant 0 : i32
      %dma_start3A_196 = tpu.memref_slice %arg6[%dma_start3A_194, %dma_start3A_195] : memref<10240x16xf32, #tpu.memory_space<vmem_shared>> -> memref<10240x16xf32, #tpu.memory_space<vmem_shared>>
      tpu.enqueue_indirect_dma source(%dma_start3A_190 : memref<512x16xf32, #tpu.memory_space<vmem>>) target(%dma_start3A_196 : memref<10240x16xf32, #tpu.memory_space<vmem_shared>>) offsets(%dma_start3A_193 : memref<512xi32, #tpu.memory_space<vmem>>) semaphore(%arg16 : memref<!tpu.dma_semaphore, #tpu.memory_space<semaphore_mem>>) {add = true}
      %mul3A_197 = arith.constant 8 : i32
      %mul3A_198 = arith.muli %mul3A_197, %scan3A_126 : i32
      %add3A_199 = arith.constant 5 : i32
      %add3A_200 = arith.addi %mul3A_198, %add3A_199 : i32
      %dma_start3A_201 = arith.constant 0 : i32
      %dma_start3A_202 = arith.constant 0 : i32
      %dma_start3A_203 = tpu.memref_slice %arg10[%scan3A_17, %dma_start3A_201, %dma_start3A_202] : memref<4x512x16xf32, #tpu.memory_space<vmem>> -> memref<1x512x16xf32, #tpu.memory_space<vmem>>
      %dma_start3A_204 = tpu.memref_squeeze %dma_start3A_203 : memref<1x512x16xf32, #tpu.memory_space<vmem>> -> memref<512x16xf32, #tpu.memory_space<vmem>>
      %dma_start3A_205 = arith.constant 0 : i32
      %dma_start3A_206 = tpu.memref_slice %arg9[%add3A_200, %dma_start3A_205] : memref<40x512xi32, #tpu.memory_space<vmem>> -> memref<1x512xi32, #tpu.memory_space<vmem>>
      %dma_start3A_207 = tpu.memref_squeeze %dma_start3A_206 : memref<1x512xi32, #tpu.memory_space<vmem>> -> memref<512xi32, #tpu.memory_space<vmem>>
      %dma_start3A_208 = arith.constant 0 : i32
      %dma_start3A_209 = arith.constant 0 : i32
      %dma_start3A_210 = tpu.memref_slice %arg6[%dma_start3A_208, %dma_start3A_209] : memref<10240x16xf32, #tpu.memory_space<vmem_shared>> -> memref<10240x16xf32, #tpu.memory_space<vmem_shared>>
      tpu.enqueue_indirect_dma source(%dma_start3A_204 : memref<512x16xf32, #tpu.memory_space<vmem>>) target(%dma_start3A_210 : memref<10240x16xf32, #tpu.memory_space<vmem_shared>>) offsets(%dma_start3A_207 : memref<512xi32, #tpu.memory_space<vmem>>) semaphore(%arg16 : memref<!tpu.dma_semaphore, #tpu.memory_space<semaphore_mem>>) {add = true}
      %mul3A_211 = arith.constant 8 : i32
      %mul3A_212 = arith.muli %mul3A_211, %scan3A_126 : i32
      %add3A_213 = arith.constant 6 : i32
      %add3A_214 = arith.addi %mul3A_212, %add3A_213 : i32
      %dma_start3A_215 = arith.constant 0 : i32
      %dma_start3A_216 = arith.constant 0 : i32
      %dma_start3A_217 = tpu.memref_slice %arg10[%scan3A_17, %dma_start3A_215, %dma_start3A_216] : memref<4x512x16xf32, #tpu.memory_space<vmem>> -> memref<1x512x16xf32, #tpu.memory_space<vmem>>
      %dma_start3A_218 = tpu.memref_squeeze %dma_start3A_217 : memref<1x512x16xf32, #tpu.memory_space<vmem>> -> memref<512x16xf32, #tpu.memory_space<vmem>>
      %dma_start3A_219 = arith.constant 0 : i32
      %dma_start3A_220 = tpu.memref_slice %arg9[%add3A_214, %dma_start3A_219] : memref<40x512xi32, #tpu.memory_space<vmem>> -> memref<1x512xi32, #tpu.memory_space<vmem>>
      %dma_start3A_221 = tpu.memref_squeeze %dma_start3A_220 : memref<1x512xi32, #tpu.memory_space<vmem>> -> memref<512xi32, #tpu.memory_space<vmem>>
      %dma_start3A_222 = arith.constant 0 : i32
      %dma_start3A_223 = arith.constant 0 : i32
      %dma_start3A_224 = tpu.memref_slice %arg6[%dma_start3A_222, %dma_start3A_223] : memref<10240x16xf32, #tpu.memory_space<vmem_shared>> -> memref<10240x16xf32, #tpu.memory_space<vmem_shared>>
      tpu.enqueue_indirect_dma source(%dma_start3A_218 : memref<512x16xf32, #tpu.memory_space<vmem>>) target(%dma_start3A_224 : memref<10240x16xf32, #tpu.memory_space<vmem_shared>>) offsets(%dma_start3A_221 : memref<512xi32, #tpu.memory_space<vmem>>) semaphore(%arg16 : memref<!tpu.dma_semaphore, #tpu.memory_space<semaphore_mem>>) {add = true}
      %mul3A_225 = arith.constant 8 : i32
      %mul3A_226 = arith.muli %mul3A_225, %scan3A_126 : i32
      %add3A_227 = arith.constant 7 : i32
      %add3A_228 = arith.addi %mul3A_226, %add3A_227 : i32
      %dma_start3A_229 = arith.constant 0 : i32
      %dma_start3A_230 = arith.constant 0 : i32
      %dma_start3A_231 = tpu.memref_slice %arg10[%scan3A_17, %dma_start3A_229, %dma_start3A_230] : memref<4x512x16xf32, #tpu.memory_space<vmem>> -> memref<1x512x16xf32, #tpu.memory_space<vmem>>
      %dma_start3A_232 = tpu.memref_squeeze %dma_start3A_231 : memref<1x512x16xf32, #tpu.memory_space<vmem>> -> memref<512x16xf32, #tpu.memory_space<vmem>>
      %dma_start3A_233 = arith.constant 0 : i32
      %dma_start3A_234 = tpu.memref_slice %arg9[%add3A_228, %dma_start3A_233] : memref<40x512xi32, #tpu.memory_space<vmem>> -> memref<1x512xi32, #tpu.memory_space<vmem>>
      %dma_start3A_235 = tpu.memref_squeeze %dma_start3A_234 : memref<1x512xi32, #tpu.memory_space<vmem>> -> memref<512xi32, #tpu.memory_space<vmem>>
      %dma_start3A_236 = arith.constant 0 : i32
      %dma_start3A_237 = arith.constant 0 : i32
      %dma_start3A_238 = tpu.memref_slice %arg6[%dma_start3A_236, %dma_start3A_237] : memref<10240x16xf32, #tpu.memory_space<vmem_shared>> -> memref<10240x16xf32, #tpu.memory_space<vmem_shared>>
      tpu.enqueue_indirect_dma source(%dma_start3A_232 : memref<512x16xf32, #tpu.memory_space<vmem>>) target(%dma_start3A_238 : memref<10240x16xf32, #tpu.memory_space<vmem_shared>>) offsets(%dma_start3A_235 : memref<512xi32, #tpu.memory_space<vmem>>) semaphore(%arg16 : memref<!tpu.dma_semaphore, #tpu.memory_space<semaphore_mem>>) {add = true}
      %mul3A_239 = arith.constant 8 : i32
      %mul3A_240 = arith.muli %mul3A_239, %scan3A_126 : i32
      %add3A_241 = arith.constant 0 : i32
      %add3A_242 = arith.addi %mul3A_240, %add3A_241 : i32
      %dma_wait3A = arith.constant 0 : i32
      %dma_wait3A_243 = arith.constant 0 : i32
      %dma_wait3A_244 = tpu.memref_slice %arg10[%scan3A_17, %dma_wait3A, %dma_wait3A_243] : memref<4x512x16xf32, #tpu.memory_space<vmem>> -> memref<1x512x16xf32, #tpu.memory_space<vmem>>
      %dma_wait3A_245 = tpu.memref_squeeze %dma_wait3A_244 : memref<1x512x16xf32, #tpu.memory_space<vmem>> -> memref<512x16xf32, #tpu.memory_space<vmem>>
      %dma_wait3A_246 = arith.constant 0 : i32
      %dma_wait3A_247 = tpu.memref_slice %arg9[%add3A_242, %dma_wait3A_246] : memref<40x512xi32, #tpu.memory_space<vmem>> -> memref<1x512xi32, #tpu.memory_space<vmem>>
      %dma_wait3A_248 = tpu.memref_squeeze %dma_wait3A_247 : memref<1x512xi32, #tpu.memory_space<vmem>> -> memref<512xi32, #tpu.memory_space<vmem>>
      %dma_wait3A_249 = arith.constant 0 : i32
      %dma_wait3A_250 = arith.constant 0 : i32
      %dma_wait3A_251 = tpu.memref_slice %arg6[%dma_wait3A_249, %dma_wait3A_250] : memref<10240x16xf32, #tpu.memory_space<vmem_shared>> -> memref<10240x16xf32, #tpu.memory_space<vmem_shared>>
      tpu.wait_indirect_dma semaphore(%arg16 : memref<!tpu.dma_semaphore, #tpu.memory_space<semaphore_mem>>) src(%dma_wait3A_245 : memref<512x16xf32, #tpu.memory_space<vmem>>) dst(%dma_wait3A_251 : memref<10240x16xf32, #tpu.memory_space<vmem_shared>>)
      %mul3A_252 = arith.constant 8 : i32
      %mul3A_253 = arith.muli %mul3A_252, %scan3A_126 : i32
      %add3A_254 = arith.constant 1 : i32
      %add3A_255 = arith.addi %mul3A_253, %add3A_254 : i32
      %dma_wait3A_256 = arith.constant 0 : i32
      %dma_wait3A_257 = arith.constant 0 : i32
      %dma_wait3A_258 = tpu.memref_slice %arg10[%scan3A_17, %dma_wait3A_256, %dma_wait3A_257] : memref<4x512x16xf32, #tpu.memory_space<vmem>> -> memref<1x512x16xf32, #tpu.memory_space<vmem>>
      %dma_wait3A_259 = tpu.memref_squeeze %dma_wait3A_258 : memref<1x512x16xf32, #tpu.memory_space<vmem>> -> memref<512x16xf32, #tpu.memory_space<vmem>>
      %dma_wait3A_260 = arith.constant 0 : i32
      %dma_wait3A_261 = tpu.memref_slice %arg9[%add3A_255, %dma_wait3A_260] : memref<40x512xi32, #tpu.memory_space<vmem>> -> memref<1x512xi32, #tpu.memory_space<vmem>>
      %dma_wait3A_262 = tpu.memref_squeeze %dma_wait3A_261 : memref<1x512xi32, #tpu.memory_space<vmem>> -> memref<512xi32, #tpu.memory_space<vmem>>
      %dma_wait3A_263 = arith.constant 0 : i32
      %dma_wait3A_264 = arith.constant 0 : i32
      %dma_wait3A_265 = tpu.memref_slice %arg6[%dma_wait3A_263, %dma_wait3A_264] : memref<10240x16xf32, #tpu.memory_space<vmem_shared>> -> memref<10240x16xf32, #tpu.memory_space<vmem_shared>>
      tpu.wait_indirect_dma semaphore(%arg16 : memref<!tpu.dma_semaphore, #tpu.memory_space<semaphore_mem>>) src(%dma_wait3A_259 : memref<512x16xf32, #tpu.memory_space<vmem>>) dst(%dma_wait3A_265 : memref<10240x16xf32, #tpu.memory_space<vmem_shared>>)
      %mul3A_266 = arith.constant 8 : i32
      %mul3A_267 = arith.muli %mul3A_266, %scan3A_126 : i32
      %add3A_268 = arith.constant 2 : i32
      %add3A_269 = arith.addi %mul3A_267, %add3A_268 : i32
      %dma_wait3A_270 = arith.constant 0 : i32
      %dma_wait3A_271 = arith.constant 0 : i32
      %dma_wait3A_272 = tpu.memref_slice %arg10[%scan3A_17, %dma_wait3A_270, %dma_wait3A_271] : memref<4x512x16xf32, #tpu.memory_space<vmem>> -> memref<1x512x16xf32, #tpu.memory_space<vmem>>
      %dma_wait3A_273 = tpu.memref_squeeze %dma_wait3A_272 : memref<1x512x16xf32, #tpu.memory_space<vmem>> -> memref<512x16xf32, #tpu.memory_space<vmem>>
      %dma_wait3A_274 = arith.constant 0 : i32
      %dma_wait3A_275 = tpu.memref_slice %arg9[%add3A_269, %dma_wait3A_274] : memref<40x512xi32, #tpu.memory_space<vmem>> -> memref<1x512xi32, #tpu.memory_space<vmem>>
      %dma_wait3A_276 = tpu.memref_squeeze %dma_wait3A_275 : memref<1x512xi32, #tpu.memory_space<vmem>> -> memref<512xi32, #tpu.memory_space<vmem>>
      %dma_wait3A_277 = arith.constant 0 : i32
      %dma_wait3A_278 = arith.constant 0 : i32
      %dma_wait3A_279 = tpu.memref_slice %arg6[%dma_wait3A_277, %dma_wait3A_278] : memref<10240x16xf32, #tpu.memory_space<vmem_shared>> -> memref<10240x16xf32, #tpu.memory_space<vmem_shared>>
      tpu.wait_indirect_dma semaphore(%arg16 : memref<!tpu.dma_semaphore, #tpu.memory_space<semaphore_mem>>) src(%dma_wait3A_273 : memref<512x16xf32, #tpu.memory_space<vmem>>) dst(%dma_wait3A_279 : memref<10240x16xf32, #tpu.memory_space<vmem_shared>>)
      %mul3A_280 = arith.constant 8 : i32
      %mul3A_281 = arith.muli %mul3A_280, %scan3A_126 : i32
      %add3A_282 = arith.constant 3 : i32
      %add3A_283 = arith.addi %mul3A_281, %add3A_282 : i32
      %dma_wait3A_284 = arith.constant 0 : i32
      %dma_wait3A_285 = arith.constant 0 : i32
      %dma_wait3A_286 = tpu.memref_slice %arg10[%scan3A_17, %dma_wait3A_284, %dma_wait3A_285] : memref<4x512x16xf32, #tpu.memory_space<vmem>> -> memref<1x512x16xf32, #tpu.memory_space<vmem>>
      %dma_wait3A_287 = tpu.memref_squeeze %dma_wait3A_286 : memref<1x512x16xf32, #tpu.memory_space<vmem>> -> memref<512x16xf32, #tpu.memory_space<vmem>>
      %dma_wait3A_288 = arith.constant 0 : i32
      %dma_wait3A_289 = tpu.memref_slice %arg9[%add3A_283, %dma_wait3A_288] : memref<40x512xi32, #tpu.memory_space<vmem>> -> memref<1x512xi32, #tpu.memory_space<vmem>>
      %dma_wait3A_290 = tpu.memref_squeeze %dma_wait3A_289 : memref<1x512xi32, #tpu.memory_space<vmem>> -> memref<512xi32, #tpu.memory_space<vmem>>
      %dma_wait3A_291 = arith.constant 0 : i32
      %dma_wait3A_292 = arith.constant 0 : i32
      %dma_wait3A_293 = tpu.memref_slice %arg6[%dma_wait3A_291, %dma_wait3A_292] : memref<10240x16xf32, #tpu.memory_space<vmem_shared>> -> memref<10240x16xf32, #tpu.memory_space<vmem_shared>>
      tpu.wait_indirect_dma semaphore(%arg16 : memref<!tpu.dma_semaphore, #tpu.memory_space<semaphore_mem>>) src(%dma_wait3A_287 : memref<512x16xf32, #tpu.memory_space<vmem>>) dst(%dma_wait3A_293 : memref<10240x16xf32, #tpu.memory_space<vmem_shared>>)
      %mul3A_294 = arith.constant 8 : i32
      %mul3A_295 = arith.muli %mul3A_294, %scan3A_126 : i32
      %add3A_296 = arith.constant 4 : i32
      %add3A_297 = arith.addi %mul3A_295, %add3A_296 : i32
      %dma_wait3A_298 = arith.constant 0 : i32
      %dma_wait3A_299 = arith.constant 0 : i32
      %dma_wait3A_300 = tpu.memref_slice %arg10[%scan3A_17, %dma_wait3A_298, %dma_wait3A_299] : memref<4x512x16xf32, #tpu.memory_space<vmem>> -> memref<1x512x16xf32, #tpu.memory_space<vmem>>
      %dma_wait3A_301 = tpu.memref_squeeze %dma_wait3A_300 : memref<1x512x16xf32, #tpu.memory_space<vmem>> -> memref<512x16xf32, #tpu.memory_space<vmem>>
      %dma_wait3A_302 = arith.constant 0 : i32
      %dma_wait3A_303 = tpu.memref_slice %arg9[%add3A_297, %dma_wait3A_302] : memref<40x512xi32, #tpu.memory_space<vmem>> -> memref<1x512xi32, #tpu.memory_space<vmem>>
      %dma_wait3A_304 = tpu.memref_squeeze %dma_wait3A_303 : memref<1x512xi32, #tpu.memory_space<vmem>> -> memref<512xi32, #tpu.memory_space<vmem>>
      %dma_wait3A_305 = arith.constant 0 : i32
      %dma_wait3A_306 = arith.constant 0 : i32
      %dma_wait3A_307 = tpu.memref_slice %arg6[%dma_wait3A_305, %dma_wait3A_306] : memref<10240x16xf32, #tpu.memory_space<vmem_shared>> -> memref<10240x16xf32, #tpu.memory_space<vmem_shared>>
      tpu.wait_indirect_dma semaphore(%arg16 : memref<!tpu.dma_semaphore, #tpu.memory_space<semaphore_mem>>) src(%dma_wait3A_301 : memref<512x16xf32, #tpu.memory_space<vmem>>) dst(%dma_wait3A_307 : memref<10240x16xf32, #tpu.memory_space<vmem_shared>>)
      %mul3A_308 = arith.constant 8 : i32
      %mul3A_309 = arith.muli %mul3A_308, %scan3A_126 : i32
      %add3A_310 = arith.constant 5 : i32
      %add3A_311 = arith.addi %mul3A_309, %add3A_310 : i32
      %dma_wait3A_312 = arith.constant 0 : i32
      %dma_wait3A_313 = arith.constant 0 : i32
      %dma_wait3A_314 = tpu.memref_slice %arg10[%scan3A_17, %dma_wait3A_312, %dma_wait3A_313] : memref<4x512x16xf32, #tpu.memory_space<vmem>> -> memref<1x512x16xf32, #tpu.memory_space<vmem>>
      %dma_wait3A_315 = tpu.memref_squeeze %dma_wait3A_314 : memref<1x512x16xf32, #tpu.memory_space<vmem>> -> memref<512x16xf32, #tpu.memory_space<vmem>>
      %dma_wait3A_316 = arith.constant 0 : i32
      %dma_wait3A_317 = tpu.memref_slice %arg9[%add3A_311, %dma_wait3A_316] : memref<40x512xi32, #tpu.memory_space<vmem>> -> memref<1x512xi32, #tpu.memory_space<vmem>>
      %dma_wait3A_318 = tpu.memref_squeeze %dma_wait3A_317 : memref<1x512xi32, #tpu.memory_space<vmem>> -> memref<512xi32, #tpu.memory_space<vmem>>
      %dma_wait3A_319 = arith.constant 0 : i32
      %dma_wait3A_320 = arith.constant 0 : i32
      %dma_wait3A_321 = tpu.memref_slice %arg6[%dma_wait3A_319, %dma_wait3A_320] : memref<10240x16xf32, #tpu.memory_space<vmem_shared>> -> memref<10240x16xf32, #tpu.memory_space<vmem_shared>>
      tpu.wait_indirect_dma semaphore(%arg16 : memref<!tpu.dma_semaphore, #tpu.memory_space<semaphore_mem>>) src(%dma_wait3A_315 : memref<512x16xf32, #tpu.memory_space<vmem>>) dst(%dma_wait3A_321 : memref<10240x16xf32, #tpu.memory_space<vmem_shared>>)
      %mul3A_322 = arith.constant 8 : i32
      %mul3A_323 = arith.muli %mul3A_322, %scan3A_126 : i32
      %add3A_324 = arith.constant 6 : i32
      %add3A_325 = arith.addi %mul3A_323, %add3A_324 : i32
      %dma_wait3A_326 = arith.constant 0 : i32
      %dma_wait3A_327 = arith.constant 0 : i32
      %dma_wait3A_328 = tpu.memref_slice %arg10[%scan3A_17, %dma_wait3A_326, %dma_wait3A_327] : memref<4x512x16xf32, #tpu.memory_space<vmem>> -> memref<1x512x16xf32, #tpu.memory_space<vmem>>
      %dma_wait3A_329 = tpu.memref_squeeze %dma_wait3A_328 : memref<1x512x16xf32, #tpu.memory_space<vmem>> -> memref<512x16xf32, #tpu.memory_space<vmem>>
      %dma_wait3A_330 = arith.constant 0 : i32
      %dma_wait3A_331 = tpu.memref_slice %arg9[%add3A_325, %dma_wait3A_330] : memref<40x512xi32, #tpu.memory_space<vmem>> -> memref<1x512xi32, #tpu.memory_space<vmem>>
      %dma_wait3A_332 = tpu.memref_squeeze %dma_wait3A_331 : memref<1x512xi32, #tpu.memory_space<vmem>> -> memref<512xi32, #tpu.memory_space<vmem>>
      %dma_wait3A_333 = arith.constant 0 : i32
      %dma_wait3A_334 = arith.constant 0 : i32
      %dma_wait3A_335 = tpu.memref_slice %arg6[%dma_wait3A_333, %dma_wait3A_334] : memref<10240x16xf32, #tpu.memory_space<vmem_shared>> -> memref<10240x16xf32, #tpu.memory_space<vmem_shared>>
      tpu.wait_indirect_dma semaphore(%arg16 : memref<!tpu.dma_semaphore, #tpu.memory_space<semaphore_mem>>) src(%dma_wait3A_329 : memref<512x16xf32, #tpu.memory_space<vmem>>) dst(%dma_wait3A_335 : memref<10240x16xf32, #tpu.memory_space<vmem_shared>>)
      %mul3A_336 = arith.constant 8 : i32
      %mul3A_337 = arith.muli %mul3A_336, %scan3A_126 : i32
      %add3A_338 = arith.constant 7 : i32
      %add3A_339 = arith.addi %mul3A_337, %add3A_338 : i32
      %dma_wait3A_340 = arith.constant 0 : i32
      %dma_wait3A_341 = arith.constant 0 : i32
      %dma_wait3A_342 = tpu.memref_slice %arg10[%scan3A_17, %dma_wait3A_340, %dma_wait3A_341] : memref<4x512x16xf32, #tpu.memory_space<vmem>> -> memref<1x512x16xf32, #tpu.memory_space<vmem>>
      %dma_wait3A_343 = tpu.memref_squeeze %dma_wait3A_342 : memref<1x512x16xf32, #tpu.memory_space<vmem>> -> memref<512x16xf32, #tpu.memory_space<vmem>>
      %dma_wait3A_344 = arith.constant 0 : i32
      %dma_wait3A_345 = tpu.memref_slice %arg9[%add3A_339, %dma_wait3A_344] : memref<40x512xi32, #tpu.memory_space<vmem>> -> memref<1x512xi32, #tpu.memory_space<vmem>>
      %dma_wait3A_346 = tpu.memref_squeeze %dma_wait3A_345 : memref<1x512xi32, #tpu.memory_space<vmem>> -> memref<512xi32, #tpu.memory_space<vmem>>
      %dma_wait3A_347 = arith.constant 0 : i32
      %dma_wait3A_348 = arith.constant 0 : i32
      %dma_wait3A_349 = tpu.memref_slice %arg6[%dma_wait3A_347, %dma_wait3A_348] : memref<10240x16xf32, #tpu.memory_space<vmem_shared>> -> memref<10240x16xf32, #tpu.memory_space<vmem_shared>>
      tpu.wait_indirect_dma semaphore(%arg16 : memref<!tpu.dma_semaphore, #tpu.memory_space<semaphore_mem>>) src(%dma_wait3A_343 : memref<512x16xf32, #tpu.memory_space<vmem>>) dst(%dma_wait3A_349 : memref<10240x16xf32, #tpu.memory_space<vmem_shared>>)
      %scan3A_350 = arith.constant 0 : i32
      scf.yield %scan3A_350 : i32
    }
    %scan3A_24 = arith.constant 5 : i32
    %barrier3A_25 = arith.constant 0 : index
    tpu.barrier barrier_id(%barrier3A_25)
    "tpu.region"() ({
      %run_scoped3A = tpu.sem_alloc : memref<!tpu.dma_semaphore, #tpu.memory_space<semaphore_mem>>
      %dma_start3A_126 = arith.constant 0 : i32
      %dma_start3A_127 = tpu.memref_slice %arg6[%mul3A_0, %dma_start3A_126] : memref<10240x16xf32, #tpu.memory_space<vmem_shared>> -> memref<640x16xf32, #tpu.memory_space<vmem_shared>>
      %dma_start3A_128 = arith.constant 0 : i32
      %dma_start3A_129 = tpu.memref_slice %arg6[%mul3A_0, %dma_start3A_128] : memref<10240x16xf32, #tpu.memory_space<vmem_shared>> -> memref<640x16xf32, #tpu.memory_space<vmem_shared>>
      tpu.enqueue_dma source(%dma_start3A_129 : memref<640x16xf32, #tpu.memory_space<vmem_shared>>) target(%arg12 : memref<640x16xf32, #tpu.memory_space<vmem>>) target_semaphore(%run_scoped3A : memref<!tpu.dma_semaphore, #tpu.memory_space<semaphore_mem>>)
      %dma_wait3A = arith.constant 0 : i32
      %dma_wait3A_130 = tpu.memref_slice %arg6[%mul3A_0, %dma_wait3A] : memref<10240x16xf32, #tpu.memory_space<vmem_shared>> -> memref<640x16xf32, #tpu.memory_space<vmem_shared>>
      %dma_wait3A_131 = arith.constant 0 : i32
      %dma_wait3A_132 = tpu.memref_slice %arg6[%mul3A_0, %dma_wait3A_131] : memref<10240x16xf32, #tpu.memory_space<vmem_shared>> -> memref<640x16xf32, #tpu.memory_space<vmem_shared>>
      tpu.wait_dma2 semaphore(%run_scoped3A : memref<!tpu.dma_semaphore, #tpu.memory_space<semaphore_mem>>) src(%dma_wait3A_132 : memref<640x16xf32, #tpu.memory_space<vmem_shared>>) dst(%arg12 : memref<640x16xf32, #tpu.memory_space<vmem>>)
      tpu.yield
    }) : () -> ()
    %scan3A_26 = arith.constant 0 : i32
    %scan3A_27 = arith.constant 0 : i32
    %scan3A_28 = arith.constant 640 : i32
    %scan3A_29 = arith.addi %scan3A_27, %scan3A_28 : i32
    %scan3A_30 = arith.constant 1 : i32
    %scan3A_31 = scf.for %scan3A_126 = %scan3A_27 to %scan3A_29 step %scan3A_30 iter_args(%scan3A_127 = %scan3A_26) -> (i32)  : i32 {
      %get3A = arith.index_cast %scan3A_126 : i32 to index
      %get3A_128 = arith.constant 0 : index
      %get3A_129 = tpu.vector_load %arg12[%get3A, %get3A_128] {strides = array<i32>} : memref<640x16xf32, #tpu.memory_space<vmem>>, vector<1x16xf32>,
      %get3A_130 = vector.shape_cast %get3A_129 : vector<1x16xf32> to vector<16xf32>
      %gt3A = arith.constant 0.000000e+00 : f32
      %gt3A_131 = vector.broadcast %gt3A : f32 to vector<16xf32>
      %gt3A_132 = arith.cmpf ogt, %get3A_130, %gt3A_131 : vector<16xf32>
      %bitcast_convert_type3A = tpu.bitcast %get3A_130 : vector<16xf32> -> vector<16xi32>
      %shift_right_arithmetic3A = arith.constant 1 : i32
      %shift_right_arithmetic3A_133 = vector.broadcast %shift_right_arithmetic3A : i32 to vector<16xi32>
      %shift_right_arithmetic3A_134 = arith.shrsi %bitcast_convert_type3A, %shift_right_arithmetic3A_133 : vector<16xi32>
      %sub3A = arith.constant 1597463007 : i32
      %sub3A_135 = vector.broadcast %sub3A : i32 to vector<16xi32>
      %sub3A_136 = arith.subi %sub3A_135, %shift_right_arithmetic3A_134 : vector<16xi32>
      %bitcast_convert_type3A_137 = tpu.bitcast %sub3A_136 : vector<16xi32> -> vector<16xf32>
      %mul3A_138 = arith.constant 5.000000e-01 : f32
      %mul3A_139 = vector.broadcast %mul3A_138 : f32 to vector<16xf32>
      %mul3A_140 = arith.mulf %mul3A_139, %get3A_130 : vector<16xf32>
      %mul3A_141 = arith.mulf %mul3A_140, %bitcast_convert_type3A_137 : vector<16xf32>
      %mul3A_142 = arith.mulf %mul3A_141, %bitcast_convert_type3A_137 : vector<16xf32>
      %sub3A_143 = arith.constant 1.500000e+00 : f32
      %sub3A_144 = vector.broadcast %sub3A_143 : f32 to vector<16xf32>
      %sub3A_145 = arith.subf %sub3A_144, %mul3A_142 : vector<16xf32>
      %mul3A_146 = arith.mulf %bitcast_convert_type3A_137, %sub3A_145 : vector<16xf32>
      %mul3A_147 = arith.constant 5.000000e-01 : f32
      %mul3A_148 = vector.broadcast %mul3A_147 : f32 to vector<16xf32>
      %mul3A_149 = arith.mulf %mul3A_148, %get3A_130 : vector<16xf32>
      %mul3A_150 = arith.mulf %mul3A_149, %mul3A_146 : vector<16xf32>
      %mul3A_151 = arith.mulf %mul3A_150, %mul3A_146 : vector<16xf32>
      %sub3A_152 = arith.constant 1.500000e+00 : f32
      %sub3A_153 = vector.broadcast %sub3A_152 : f32 to vector<16xf32>
      %sub3A_154 = arith.subf %sub3A_153, %mul3A_151 : vector<16xf32>
      %mul3A_155 = arith.mulf %mul3A_146, %sub3A_154 : vector<16xf32>
      %mul3A_156 = arith.constant 5.000000e-01 : f32
      %mul3A_157 = vector.broadcast %mul3A_156 : f32 to vector<16xf32>
      %mul3A_158 = arith.mulf %mul3A_157, %get3A_130 : vector<16xf32>
      %mul3A_159 = arith.mulf %mul3A_158, %mul3A_155 : vector<16xf32>
      %mul3A_160 = arith.mulf %mul3A_159, %mul3A_155 : vector<16xf32>
      %sub3A_161 = arith.constant 1.500000e+00 : f32
      %sub3A_162 = vector.broadcast %sub3A_161 : f32 to vector<16xf32>
      %sub3A_163 = arith.subf %sub3A_162, %mul3A_160 : vector<16xf32>
      %mul3A_164 = arith.mulf %mul3A_155, %sub3A_163 : vector<16xf32>
      %mul3A_165 = arith.constant 5.000000e-01 : f32
      %mul3A_166 = vector.broadcast %mul3A_165 : f32 to vector<16xf32>
      %mul3A_167 = arith.mulf %mul3A_166, %get3A_130 : vector<16xf32>
      %mul3A_168 = arith.mulf %mul3A_167, %mul3A_164 : vector<16xf32>
      %mul3A_169 = arith.mulf %mul3A_168, %mul3A_164 : vector<16xf32>
      %sub3A_170 = arith.constant 1.500000e+00 : f32
      %sub3A_171 = vector.broadcast %sub3A_170 : f32 to vector<16xf32>
      %sub3A_172 = arith.subf %sub3A_171, %mul3A_169 : vector<16xf32>
      %mul3A_173 = arith.mulf %mul3A_164, %sub3A_172 : vector<16xf32>
      %jit3A = arith.constant 0.000000e+00 : f32
      %broadcast_in_dim3A = vector.broadcast %jit3A : f32 to vector<16xf32>
      %select_n3A = arith.select %gt3A_132, %mul3A_173, %broadcast_in_dim3A : vector<16xi1>, vector<16xf32>
      %mul3A_174 = arith.mulf %select_n3A, %select_n3A : vector<16xf32>
      %mul3A_175 = arith.mulf %mul3A_174, %get3A_130 : vector<16xf32>
      %add3A = arith.constant 1.000000e-01 : f32
      %add3A_176 = vector.broadcast %add3A : f32 to vector<16xf32>
      %add3A_177 = arith.addf %mul3A_175, %add3A_176 : vector<16xf32>
      %div3A = arith.constant 1.000000e+00 : f32
      %div3A_178 = vector.broadcast %div3A : f32 to vector<16xf32>
      %div3A_179 = arith.divf %div3A_178, %add3A_177 : vector<16xf32>
      %mul3A_180 = arith.constant 2.000000e-01 : f32
      %mul3A_181 = vector.broadcast %mul3A_180 : f32 to vector<16xf32>
      %mul3A_182 = arith.mulf %mul3A_181, %div3A_179 : vector<16xf32>
      %mul3A_183 = arith.mulf %div3A_179, %select_n3A : vector<16xf32>
      %get3A_184 = arith.index_cast %scan3A_126 : i32 to index
      %get3A_185 = arith.constant 0 : index
      %get3A_186 = tpu.vector_load %arg13[%get3A_184, %get3A_185] {strides = array<i32>} : memref<640x16xf32, #tpu.memory_space<vmem>>, vector<1x16xf32>,
      %get3A_187 = vector.shape_cast %get3A_186 : vector<1x16xf32> to vector<16xf32>
      %mul3A_188 = arith.mulf %mul3A_183, %get3A_187 : vector<16xf32>
      %swap3A = arith.index_cast %scan3A_126 : i32 to index
      %swap3A_189 = arith.constant 0 : index
      %swap3A_190 = tpu.vector_load %arg11[%swap3A, %swap3A_189] {strides = array<i32>} : memref<640x16xf32, #tpu.memory_space<vmem>>, vector<1x16xf32>,
      %swap3A_191 = vector.shape_cast %swap3A_190 : vector<1x16xf32> to vector<16xf32>
      %swap3A_192 = vector.shape_cast %mul3A_188 : vector<16xf32> to vector<1x16xf32>
      tpu.vector_store %arg11[%swap3A, %swap3A_189], %swap3A_192 {strides = array<i32>} : memref<640x16xf32, #tpu.memory_space<vmem>>, vector<1x16xf32>,
      %scan3A_193 = arith.constant 0 : i32
      scf.yield %scan3A_193 : i32
    }
    %scan3A_32 = arith.constant 640 : i32
    "tpu.region"() ({
      %run_scoped3A = tpu.sem_alloc : memref<!tpu.dma_semaphore, #tpu.memory_space<semaphore_mem>>
      %dma_start3A_126 = arith.constant 0 : i32
      %dma_start3A_127 = tpu.memref_slice %arg7[%mul3A_0, %dma_start3A_126] : memref<10240x16xf32, #tpu.memory_space<vmem_shared>> -> memref<640x16xf32, #tpu.memory_space<vmem_shared>>
      %dma_start3A_128 = arith.constant 0 : i32
      %dma_start3A_129 = tpu.memref_slice %arg7[%mul3A_0, %dma_start3A_128] : memref<10240x16xf32, #tpu.memory_space<vmem_shared>> -> memref<640x16xf32, #tpu.memory_space<vmem_shared>>
      tpu.enqueue_dma source(%arg11 : memref<640x16xf32, #tpu.memory_space<vmem>>) target(%dma_start3A_129 : memref<640x16xf32, #tpu.memory_space<vmem_shared>>) target_semaphore(%run_scoped3A : memref<!tpu.dma_semaphore, #tpu.memory_space<semaphore_mem>>)
      %dma_wait3A = arith.constant 0 : i32
      %dma_wait3A_130 = tpu.memref_slice %arg7[%mul3A_0, %dma_wait3A] : memref<10240x16xf32, #tpu.memory_space<vmem_shared>> -> memref<640x16xf32, #tpu.memory_space<vmem_shared>>
      %dma_wait3A_131 = arith.constant 0 : i32
      %dma_wait3A_132 = tpu.memref_slice %arg7[%mul3A_0, %dma_wait3A_131] : memref<10240x16xf32, #tpu.memory_space<vmem_shared>> -> memref<640x16xf32, #tpu.memory_space<vmem_shared>>
      tpu.wait_dma2 semaphore(%run_scoped3A : memref<!tpu.dma_semaphore, #tpu.memory_space<semaphore_mem>>) src(%arg11 : memref<640x16xf32, #tpu.memory_space<vmem>>) dst(%dma_wait3A_132 : memref<640x16xf32, #tpu.memory_space<vmem_shared>>)
      tpu.yield
    }) : () -> ()
    %scan3A_33 = arith.constant 0 : i32
    %scan3A_34 = arith.constant 0 : i32
    %scan3A_35 = arith.constant 640 : i32
    %scan3A_36 = arith.addi %scan3A_34, %scan3A_35 : i32
    %scan3A_37 = arith.constant 1 : i32
    %scan3A_38 = scf.for %scan3A_126 = %scan3A_34 to %scan3A_36 step %scan3A_37 iter_args(%scan3A_127 = %scan3A_33) -> (i32)  : i32 {
      %get3A = arith.index_cast %scan3A_126 : i32 to index
      %get3A_128 = arith.constant 0 : index
      %get3A_129 = tpu.vector_load %arg12[%get3A, %get3A_128] {strides = array<i32>} : memref<640x16xf32, #tpu.memory_space<vmem>>, vector<1x16xf32>,
      %get3A_130 = vector.shape_cast %get3A_129 : vector<1x16xf32> to vector<16xf32>
      %gt3A = arith.constant 0.000000e+00 : f32
      %gt3A_131 = vector.broadcast %gt3A : f32 to vector<16xf32>
      %gt3A_132 = arith.cmpf ogt, %get3A_130, %gt3A_131 : vector<16xf32>
      %bitcast_convert_type3A = tpu.bitcast %get3A_130 : vector<16xf32> -> vector<16xi32>
      %shift_right_arithmetic3A = arith.constant 1 : i32
      %shift_right_arithmetic3A_133 = vector.broadcast %shift_right_arithmetic3A : i32 to vector<16xi32>
      %shift_right_arithmetic3A_134 = arith.shrsi %bitcast_convert_type3A, %shift_right_arithmetic3A_133 : vector<16xi32>
      %sub3A = arith.constant 1597463007 : i32
      %sub3A_135 = vector.broadcast %sub3A : i32 to vector<16xi32>
      %sub3A_136 = arith.subi %sub3A_135, %shift_right_arithmetic3A_134 : vector<16xi32>
      %bitcast_convert_type3A_137 = tpu.bitcast %sub3A_136 : vector<16xi32> -> vector<16xf32>
      %mul3A_138 = arith.constant 5.000000e-01 : f32
      %mul3A_139 = vector.broadcast %mul3A_138 : f32 to vector<16xf32>
      %mul3A_140 = arith.mulf %mul3A_139, %get3A_130 : vector<16xf32>
      %mul3A_141 = arith.mulf %mul3A_140, %bitcast_convert_type3A_137 : vector<16xf32>
      %mul3A_142 = arith.mulf %mul3A_141, %bitcast_convert_type3A_137 : vector<16xf32>
      %sub3A_143 = arith.constant 1.500000e+00 : f32
      %sub3A_144 = vector.broadcast %sub3A_143 : f32 to vector<16xf32>
      %sub3A_145 = arith.subf %sub3A_144, %mul3A_142 : vector<16xf32>
      %mul3A_146 = arith.mulf %bitcast_convert_type3A_137, %sub3A_145 : vector<16xf32>
      %mul3A_147 = arith.constant 5.000000e-01 : f32
      %mul3A_148 = vector.broadcast %mul3A_147 : f32 to vector<16xf32>
      %mul3A_149 = arith.mulf %mul3A_148, %get3A_130 : vector<16xf32>
      %mul3A_150 = arith.mulf %mul3A_149, %mul3A_146 : vector<16xf32>
      %mul3A_151 = arith.mulf %mul3A_150, %mul3A_146 : vector<16xf32>
      %sub3A_152 = arith.constant 1.500000e+00 : f32
      %sub3A_153 = vector.broadcast %sub3A_152 : f32 to vector<16xf32>
      %sub3A_154 = arith.subf %sub3A_153, %mul3A_151 : vector<16xf32>
      %mul3A_155 = arith.mulf %mul3A_146, %sub3A_154 : vector<16xf32>
      %mul3A_156 = arith.constant 5.000000e-01 : f32
      %mul3A_157 = vector.broadcast %mul3A_156 : f32 to vector<16xf32>
      %mul3A_158 = arith.mulf %mul3A_157, %get3A_130 : vector<16xf32>
      %mul3A_159 = arith.mulf %mul3A_158, %mul3A_155 : vector<16xf32>
      %mul3A_160 = arith.mulf %mul3A_159, %mul3A_155 : vector<16xf32>
      %sub3A_161 = arith.constant 1.500000e+00 : f32
      %sub3A_162 = vector.broadcast %sub3A_161 : f32 to vector<16xf32>
      %sub3A_163 = arith.subf %sub3A_162, %mul3A_160 : vector<16xf32>
      %mul3A_164 = arith.mulf %mul3A_155, %sub3A_163 : vector<16xf32>
      %mul3A_165 = arith.constant 5.000000e-01 : f32
      %mul3A_166 = vector.broadcast %mul3A_165 : f32 to vector<16xf32>
      %mul3A_167 = arith.mulf %mul3A_166, %get3A_130 : vector<16xf32>
      %mul3A_168 = arith.mulf %mul3A_167, %mul3A_164 : vector<16xf32>
      %mul3A_169 = arith.mulf %mul3A_168, %mul3A_164 : vector<16xf32>
      %sub3A_170 = arith.constant 1.500000e+00 : f32
      %sub3A_171 = vector.broadcast %sub3A_170 : f32 to vector<16xf32>
      %sub3A_172 = arith.subf %sub3A_171, %mul3A_169 : vector<16xf32>
      %mul3A_173 = arith.mulf %mul3A_164, %sub3A_172 : vector<16xf32>
      %jit3A = arith.constant 0.000000e+00 : f32
      %broadcast_in_dim3A = vector.broadcast %jit3A : f32 to vector<16xf32>
      %select_n3A = arith.select %gt3A_132, %mul3A_173, %broadcast_in_dim3A : vector<16xi1>, vector<16xf32>
      %mul3A_174 = arith.mulf %select_n3A, %select_n3A : vector<16xf32>
      %mul3A_175 = arith.mulf %mul3A_174, %get3A_130 : vector<16xf32>
      %add3A = arith.constant 1.000000e-01 : f32
      %add3A_176 = vector.broadcast %add3A : f32 to vector<16xf32>
      %add3A_177 = arith.addf %mul3A_175, %add3A_176 : vector<16xf32>
      %div3A = arith.constant 1.000000e+00 : f32
      %div3A_178 = vector.broadcast %div3A : f32 to vector<16xf32>
      %div3A_179 = arith.divf %div3A_178, %add3A_177 : vector<16xf32>
      %mul3A_180 = arith.constant 2.000000e-01 : f32
      %mul3A_181 = vector.broadcast %mul3A_180 : f32 to vector<16xf32>
      %mul3A_182 = arith.mulf %mul3A_181, %div3A_179 : vector<16xf32>
      %get3A_183 = arith.index_cast %scan3A_126 : i32 to index
      %get3A_184 = arith.constant 0 : index
      %get3A_185 = tpu.vector_load %arg12[%get3A_183, %get3A_184] {strides = array<i32>} : memref<640x16xf32, #tpu.memory_space<vmem>>, vector<1x16xf32>,
      %get3A_186 = vector.shape_cast %get3A_185 : vector<1x16xf32> to vector<16xf32>
      %mul3A_187 = arith.mulf %mul3A_182, %get3A_186 : vector<16xf32>
      %mul3A_188 = arith.mulf %mul3A_187, %select_n3A : vector<16xf32>
      %get3A_189 = arith.index_cast %scan3A_126 : i32 to index
      %get3A_190 = arith.constant 0 : index
      %get3A_191 = tpu.vector_load %arg13[%get3A_189, %get3A_190] {strides = array<i32>} : memref<640x16xf32, #tpu.memory_space<vmem>>, vector<1x16xf32>,
      %get3A_192 = vector.shape_cast %get3A_191 : vector<1x16xf32> to vector<16xf32>
      %mul3A_193 = arith.mulf %mul3A_188, %get3A_192 : vector<16xf32>
      %swap3A = arith.index_cast %scan3A_126 : i32 to index
      %swap3A_194 = arith.constant 0 : index
      %swap3A_195 = tpu.vector_load %arg11[%swap3A, %swap3A_194] {strides = array<i32>} : memref<640x16xf32, #tpu.memory_space<vmem>>, vector<1x16xf32>,
      %swap3A_196 = vector.shape_cast %swap3A_195 : vector<1x16xf32> to vector<16xf32>
      %swap3A_197 = vector.shape_cast %mul3A_193 : vector<16xf32> to vector<1x16xf32>
      tpu.vector_store %arg11[%swap3A, %swap3A_194], %swap3A_197 {strides = array<i32>} : memref<640x16xf32, #tpu.memory_space<vmem>>, vector<1x16xf32>,
      %scan3A_198 = arith.constant 0 : i32
      scf.yield %scan3A_198 : i32
    }
    %scan3A_39 = arith.constant 640 : i32
    "tpu.region"() ({
      %run_scoped3A = tpu.sem_alloc : memref<!tpu.dma_semaphore, #tpu.memory_space<semaphore_mem>>
      %dma_start3A_126 = arith.constant 0 : i32
      %dma_start3A_127 = tpu.memref_slice %arg6[%mul3A_0, %dma_start3A_126] : memref<10240x16xf32, #tpu.memory_space<vmem_shared>> -> memref<640x16xf32, #tpu.memory_space<vmem_shared>>
      %dma_start3A_128 = arith.constant 0 : i32
      %dma_start3A_129 = tpu.memref_slice %arg6[%mul3A_0, %dma_start3A_128] : memref<10240x16xf32, #tpu.memory_space<vmem_shared>> -> memref<640x16xf32, #tpu.memory_space<vmem_shared>>
      tpu.enqueue_dma source(%arg11 : memref<640x16xf32, #tpu.memory_space<vmem>>) target(%dma_start3A_129 : memref<640x16xf32, #tpu.memory_space<vmem_shared>>) target_semaphore(%run_scoped3A : memref<!tpu.dma_semaphore, #tpu.memory_space<semaphore_mem>>)
      %dma_wait3A = arith.constant 0 : i32
      %dma_wait3A_130 = tpu.memref_slice %arg6[%mul3A_0, %dma_wait3A] : memref<10240x16xf32, #tpu.memory_space<vmem_shared>> -> memref<640x16xf32, #tpu.memory_space<vmem_shared>>
      %dma_wait3A_131 = arith.constant 0 : i32
      %dma_wait3A_132 = tpu.memref_slice %arg6[%mul3A_0, %dma_wait3A_131] : memref<10240x16xf32, #tpu.memory_space<vmem_shared>> -> memref<640x16xf32, #tpu.memory_space<vmem_shared>>
      tpu.wait_dma2 semaphore(%run_scoped3A : memref<!tpu.dma_semaphore, #tpu.memory_space<semaphore_mem>>) src(%arg11 : memref<640x16xf32, #tpu.memory_space<vmem>>) dst(%dma_wait3A_132 : memref<640x16xf32, #tpu.memory_space<vmem_shared>>)
      tpu.yield
    }) : () -> ()
    %barrier3A_40 = arith.constant 0 : index
    tpu.barrier barrier_id(%barrier3A_40)
    %dma_start3A = arith.constant 0 : i32
    %dma_start3A_41 = arith.constant 0 : i32
    %dma_start3A_42 = arith.constant 0 : i32
    %dma_start3A_43 = arith.constant 0 : i32
    %dma_start3A_44 = tpu.memref_slice %arg10[%dma_start3A_41, %dma_start3A_42, %dma_start3A_43] : memref<4x512x16xf32, #tpu.memory_space<vmem>> -> memref<1x512x16xf32, #tpu.memory_space<vmem>>
    %dma_start3A_45 = tpu.memref_squeeze %dma_start3A_44 : memref<1x512x16xf32, #tpu.memory_space<vmem>> -> memref<512x16xf32, #tpu.memory_space<vmem>>
    %dma_start3A_46 = arith.constant 0 : i32
    %dma_start3A_47 = tpu.memref_slice %arg8[%dma_start3A, %dma_start3A_46] : memref<40x512xi32, #tpu.memory_space<vmem>> -> memref<1x512xi32, #tpu.memory_space<vmem>>
    %dma_start3A_48 = tpu.memref_squeeze %dma_start3A_47 : memref<1x512xi32, #tpu.memory_space<vmem>> -> memref<512xi32, #tpu.memory_space<vmem>>
    %dma_start3A_49 = arith.constant 0 : i32
    %dma_start3A_50 = arith.constant 0 : i32
    %dma_start3A_51 = tpu.memref_slice %arg7[%dma_start3A_49, %dma_start3A_50] : memref<10240x16xf32, #tpu.memory_space<vmem_shared>> -> memref<10240x16xf32, #tpu.memory_space<vmem_shared>>
    tpu.enqueue_indirect_dma source(%dma_start3A_51 : memref<10240x16xf32, #tpu.memory_space<vmem_shared>>) target(%dma_start3A_45 : memref<512x16xf32, #tpu.memory_space<vmem>>) offsets(%dma_start3A_48 : memref<512xi32, #tpu.memory_space<vmem>>) semaphore(%arg14 : memref<!tpu.dma_semaphore, #tpu.memory_space<semaphore_mem>>)
    %dma_start3A_52 = arith.constant 1 : i32
    %dma_start3A_53 = arith.constant 1 : i32
    %dma_start3A_54 = arith.constant 0 : i32
    %dma_start3A_55 = arith.constant 0 : i32
    %dma_start3A_56 = tpu.memref_slice %arg10[%dma_start3A_53, %dma_start3A_54, %dma_start3A_55] : memref<4x512x16xf32, #tpu.memory_space<vmem>> -> memref<1x512x16xf32, #tpu.memory_space<vmem>>
    %dma_start3A_57 = tpu.memref_squeeze %dma_start3A_56 : memref<1x512x16xf32, #tpu.memory_space<vmem>> -> memref<512x16xf32, #tpu.memory_space<vmem>>
    %dma_start3A_58 = arith.constant 0 : i32
    %dma_start3A_59 = tpu.memref_slice %arg8[%dma_start3A_52, %dma_start3A_58] : memref<40x512xi32, #tpu.memory_space<vmem>> -> memref<1x512xi32, #tpu.memory_space<vmem>>
    %dma_start3A_60 = tpu.memref_squeeze %dma_start3A_59 : memref<1x512xi32, #tpu.memory_space<vmem>> -> memref<512xi32, #tpu.memory_space<vmem>>
    %dma_start3A_61 = arith.constant 0 : i32
    %dma_start3A_62 = arith.constant 0 : i32
    %dma_start3A_63 = tpu.memref_slice %arg7[%dma_start3A_61, %dma_start3A_62] : memref<10240x16xf32, #tpu.memory_space<vmem_shared>> -> memref<10240x16xf32, #tpu.memory_space<vmem_shared>>
    tpu.enqueue_indirect_dma source(%dma_start3A_63 : memref<10240x16xf32, #tpu.memory_space<vmem_shared>>) target(%dma_start3A_57 : memref<512x16xf32, #tpu.memory_space<vmem>>) offsets(%dma_start3A_60 : memref<512xi32, #tpu.memory_space<vmem>>) semaphore(%arg14 : memref<!tpu.dma_semaphore, #tpu.memory_space<semaphore_mem>>)
    %scan3A_64 = arith.constant 0 : i32
    %scan3A_65 = arith.constant 0 : i32
    %scan3A_66 = arith.constant 10 : i32
    %scan3A_67 = arith.addi %scan3A_65, %scan3A_66 : i32
    %scan3A_68 = arith.constant 1 : i32
    %scan3A_69 = scf.for %scan3A_126 = %scan3A_65 to %scan3A_67 step %scan3A_68 iter_args(%scan3A_127 = %scan3A_64) -> (i32)  : i32 {
      %mul3A_128 = arith.constant 2 : i32
      %mul3A_129 = arith.muli %mul3A_128, %scan3A_126 : i32
      %mul3A_130 = arith.constant 2 : i32
      %mul3A_131 = arith.muli %mul3A_130, %scan3A_126 : i32
      %add3A = arith.constant 1 : i32
      %add3A_132 = arith.addi %mul3A_131, %add3A : i32
      %mul3A_133 = arith.constant 2 : i32
      %mul3A_134 = arith.muli %add3A_132, %mul3A_133 : i32
      %add3A_135 = arith.constant 0 : i32
      %add3A_136 = arith.addi %mul3A_134, %add3A_135 : i32
      %dma_start3A_137 = arith.constant 2 : i32
      %dma_start3A_138 = arith.constant 0 : i32
      %dma_start3A_139 = arith.constant 0 : i32
      %dma_start3A_140 = tpu.memref_slice %arg10[%dma_start3A_137, %dma_start3A_138, %dma_start3A_139] : memref<4x512x16xf32, #tpu.memory_space<vmem>> -> memref<1x512x16xf32, #tpu.memory_space<vmem>>
      %dma_start3A_141 = tpu.memref_squeeze %dma_start3A_140 : memref<1x512x16xf32, #tpu.memory_space<vmem>> -> memref<512x16xf32, #tpu.memory_space<vmem>>
      %dma_start3A_142 = arith.constant 0 : i32
      %dma_start3A_143 = tpu.memref_slice %arg8[%add3A_136, %dma_start3A_142] : memref<40x512xi32, #tpu.memory_space<vmem>> -> memref<1x512xi32, #tpu.memory_space<vmem>>
      %dma_start3A_144 = tpu.memref_squeeze %dma_start3A_143 : memref<1x512xi32, #tpu.memory_space<vmem>> -> memref<512xi32, #tpu.memory_space<vmem>>
      %dma_start3A_145 = arith.constant 0 : i32
      %dma_start3A_146 = arith.constant 0 : i32
      %dma_start3A_147 = tpu.memref_slice %arg7[%dma_start3A_145, %dma_start3A_146] : memref<10240x16xf32, #tpu.memory_space<vmem_shared>> -> memref<10240x16xf32, #tpu.memory_space<vmem_shared>>
      tpu.enqueue_indirect_dma source(%dma_start3A_147 : memref<10240x16xf32, #tpu.memory_space<vmem_shared>>) target(%dma_start3A_141 : memref<512x16xf32, #tpu.memory_space<vmem>>) offsets(%dma_start3A_144 : memref<512xi32, #tpu.memory_space<vmem>>) semaphore(%arg15 : memref<!tpu.dma_semaphore, #tpu.memory_space<semaphore_mem>>)
      %mul3A_148 = arith.constant 2 : i32
      %mul3A_149 = arith.muli %add3A_132, %mul3A_148 : i32
      %add3A_150 = arith.constant 1 : i32
      %add3A_151 = arith.addi %mul3A_149, %add3A_150 : i32
      %dma_start3A_152 = arith.constant 3 : i32
      %dma_start3A_153 = arith.constant 0 : i32
      %dma_start3A_154 = arith.constant 0 : i32
      %dma_start3A_155 = tpu.memref_slice %arg10[%dma_start3A_152, %dma_start3A_153, %dma_start3A_154] : memref<4x512x16xf32, #tpu.memory_space<vmem>> -> memref<1x512x16xf32, #tpu.memory_space<vmem>>
      %dma_start3A_156 = tpu.memref_squeeze %dma_start3A_155 : memref<1x512x16xf32, #tpu.memory_space<vmem>> -> memref<512x16xf32, #tpu.memory_space<vmem>>
      %dma_start3A_157 = arith.constant 0 : i32
      %dma_start3A_158 = tpu.memref_slice %arg8[%add3A_151, %dma_start3A_157] : memref<40x512xi32, #tpu.memory_space<vmem>> -> memref<1x512xi32, #tpu.memory_space<vmem>>
      %dma_start3A_159 = tpu.memref_squeeze %dma_start3A_158 : memref<1x512xi32, #tpu.memory_space<vmem>> -> memref<512xi32, #tpu.memory_space<vmem>>
      %dma_start3A_160 = arith.constant 0 : i32
      %dma_start3A_161 = arith.constant 0 : i32
      %dma_start3A_162 = tpu.memref_slice %arg7[%dma_start3A_160, %dma_start3A_161] : memref<10240x16xf32, #tpu.memory_space<vmem_shared>> -> memref<10240x16xf32, #tpu.memory_space<vmem_shared>>
      tpu.enqueue_indirect_dma source(%dma_start3A_162 : memref<10240x16xf32, #tpu.memory_space<vmem_shared>>) target(%dma_start3A_156 : memref<512x16xf32, #tpu.memory_space<vmem>>) offsets(%dma_start3A_159 : memref<512xi32, #tpu.memory_space<vmem>>) semaphore(%arg15 : memref<!tpu.dma_semaphore, #tpu.memory_space<semaphore_mem>>)
      %mul3A_163 = arith.constant 2 : i32
      %mul3A_164 = arith.muli %mul3A_129, %mul3A_163 : i32
      %add3A_165 = arith.constant 0 : i32
      %add3A_166 = arith.addi %mul3A_164, %add3A_165 : i32
      %dma_wait3A = arith.constant 0 : i32
      %dma_wait3A_167 = arith.constant 0 : i32
      %dma_wait3A_168 = arith.constant 0 : i32
      %dma_wait3A_169 = tpu.memref_slice %arg10[%dma_wait3A, %dma_wait3A_167, %dma_wait3A_168] : memref<4x512x16xf32, #tpu.memory_space<vmem>> -> memref<1x512x16xf32, #tpu.memory_space<vmem>>
      %dma_wait3A_170 = tpu.memref_squeeze %dma_wait3A_169 : memref<1x512x16xf32, #tpu.memory_space<vmem>> -> memref<512x16xf32, #tpu.memory_space<vmem>>
      %dma_wait3A_171 = arith.constant 0 : i32
      %dma_wait3A_172 = tpu.memref_slice %arg8[%add3A_166, %dma_wait3A_171] : memref<40x512xi32, #tpu.memory_space<vmem>> -> memref<1x512xi32, #tpu.memory_space<vmem>>
      %dma_wait3A_173 = tpu.memref_squeeze %dma_wait3A_172 : memref<1x512xi32, #tpu.memory_space<vmem>> -> memref<512xi32, #tpu.memory_space<vmem>>
      %dma_wait3A_174 = arith.constant 0 : i32
      %dma_wait3A_175 = arith.constant 0 : i32
      %dma_wait3A_176 = tpu.memref_slice %arg7[%dma_wait3A_174, %dma_wait3A_175] : memref<10240x16xf32, #tpu.memory_space<vmem_shared>> -> memref<10240x16xf32, #tpu.memory_space<vmem_shared>>
      tpu.wait_indirect_dma semaphore(%arg14 : memref<!tpu.dma_semaphore, #tpu.memory_space<semaphore_mem>>) src(%dma_wait3A_176 : memref<10240x16xf32, #tpu.memory_space<vmem_shared>>) dst(%dma_wait3A_170 : memref<512x16xf32, #tpu.memory_space<vmem>>)
      %mul3A_177 = arith.constant 2 : i32
      %mul3A_178 = arith.muli %mul3A_129, %mul3A_177 : i32
      %add3A_179 = arith.constant 1 : i32
      %add3A_180 = arith.addi %mul3A_178, %add3A_179 : i32
      %dma_wait3A_181 = arith.constant 1 : i32
      %dma_wait3A_182 = arith.constant 0 : i32
      %dma_wait3A_183 = arith.constant 0 : i32
      %dma_wait3A_184 = tpu.memref_slice %arg10[%dma_wait3A_181, %dma_wait3A_182, %dma_wait3A_183] : memref<4x512x16xf32, #tpu.memory_space<vmem>> -> memref<1x512x16xf32, #tpu.memory_space<vmem>>
      %dma_wait3A_185 = tpu.memref_squeeze %dma_wait3A_184 : memref<1x512x16xf32, #tpu.memory_space<vmem>> -> memref<512x16xf32, #tpu.memory_space<vmem>>
      %dma_wait3A_186 = arith.constant 0 : i32
      %dma_wait3A_187 = tpu.memref_slice %arg8[%add3A_180, %dma_wait3A_186] : memref<40x512xi32, #tpu.memory_space<vmem>> -> memref<1x512xi32, #tpu.memory_space<vmem>>
      %dma_wait3A_188 = tpu.memref_squeeze %dma_wait3A_187 : memref<1x512xi32, #tpu.memory_space<vmem>> -> memref<512xi32, #tpu.memory_space<vmem>>
      %dma_wait3A_189 = arith.constant 0 : i32
      %dma_wait3A_190 = arith.constant 0 : i32
      %dma_wait3A_191 = tpu.memref_slice %arg7[%dma_wait3A_189, %dma_wait3A_190] : memref<10240x16xf32, #tpu.memory_space<vmem_shared>> -> memref<10240x16xf32, #tpu.memory_space<vmem_shared>>
      tpu.wait_indirect_dma semaphore(%arg14 : memref<!tpu.dma_semaphore, #tpu.memory_space<semaphore_mem>>) src(%dma_wait3A_191 : memref<10240x16xf32, #tpu.memory_space<vmem_shared>>) dst(%dma_wait3A_185 : memref<512x16xf32, #tpu.memory_space<vmem>>)
      %mul3A_192 = arith.constant 2 : i32
      %mul3A_193 = arith.muli %mul3A_129, %mul3A_192 : i32
      %add3A_194 = arith.constant 0 : i32
      %add3A_195 = arith.addi %mul3A_193, %add3A_194 : i32
      %dma_start3A_196 = arith.constant 0 : i32
      %dma_start3A_197 = arith.constant 0 : i32
      %dma_start3A_198 = arith.constant 0 : i32
      %dma_start3A_199 = tpu.memref_slice %arg10[%dma_start3A_196, %dma_start3A_197, %dma_start3A_198] : memref<4x512x16xf32, #tpu.memory_space<vmem>> -> memref<1x512x16xf32, #tpu.memory_space<vmem>>
      %dma_start3A_200 = tpu.memref_squeeze %dma_start3A_199 : memref<1x512x16xf32, #tpu.memory_space<vmem>> -> memref<512x16xf32, #tpu.memory_space<vmem>>
      %dma_start3A_201 = arith.constant 0 : i32
      %dma_start3A_202 = tpu.memref_slice %arg9[%add3A_195, %dma_start3A_201] : memref<40x512xi32, #tpu.memory_space<vmem>> -> memref<1x512xi32, #tpu.memory_space<vmem>>
      %dma_start3A_203 = tpu.memref_squeeze %dma_start3A_202 : memref<1x512xi32, #tpu.memory_space<vmem>> -> memref<512xi32, #tpu.memory_space<vmem>>
      %dma_start3A_204 = arith.constant 0 : i32
      %dma_start3A_205 = arith.constant 0 : i32
      %dma_start3A_206 = tpu.memref_slice %arg6[%dma_start3A_204, %dma_start3A_205] : memref<10240x16xf32, #tpu.memory_space<vmem_shared>> -> memref<10240x16xf32, #tpu.memory_space<vmem_shared>>
      tpu.enqueue_indirect_dma source(%dma_start3A_200 : memref<512x16xf32, #tpu.memory_space<vmem>>) target(%dma_start3A_206 : memref<10240x16xf32, #tpu.memory_space<vmem_shared>>) offsets(%dma_start3A_203 : memref<512xi32, #tpu.memory_space<vmem>>) semaphore(%arg16 : memref<!tpu.dma_semaphore, #tpu.memory_space<semaphore_mem>>) {add = true}
      %mul3A_207 = arith.constant 2 : i32
      %mul3A_208 = arith.muli %mul3A_129, %mul3A_207 : i32
      %add3A_209 = arith.constant 1 : i32
      %add3A_210 = arith.addi %mul3A_208, %add3A_209 : i32
      %dma_start3A_211 = arith.constant 1 : i32
      %dma_start3A_212 = arith.constant 0 : i32
      %dma_start3A_213 = arith.constant 0 : i32
      %dma_start3A_214 = tpu.memref_slice %arg10[%dma_start3A_211, %dma_start3A_212, %dma_start3A_213] : memref<4x512x16xf32, #tpu.memory_space<vmem>> -> memref<1x512x16xf32, #tpu.memory_space<vmem>>
      %dma_start3A_215 = tpu.memref_squeeze %dma_start3A_214 : memref<1x512x16xf32, #tpu.memory_space<vmem>> -> memref<512x16xf32, #tpu.memory_space<vmem>>
      %dma_start3A_216 = arith.constant 0 : i32
      %dma_start3A_217 = tpu.memref_slice %arg9[%add3A_210, %dma_start3A_216] : memref<40x512xi32, #tpu.memory_space<vmem>> -> memref<1x512xi32, #tpu.memory_space<vmem>>
      %dma_start3A_218 = tpu.memref_squeeze %dma_start3A_217 : memref<1x512xi32, #tpu.memory_space<vmem>> -> memref<512xi32, #tpu.memory_space<vmem>>
      %dma_start3A_219 = arith.constant 0 : i32
      %dma_start3A_220 = arith.constant 0 : i32
      %dma_start3A_221 = tpu.memref_slice %arg6[%dma_start3A_219, %dma_start3A_220] : memref<10240x16xf32, #tpu.memory_space<vmem_shared>> -> memref<10240x16xf32, #tpu.memory_space<vmem_shared>>
      tpu.enqueue_indirect_dma source(%dma_start3A_215 : memref<512x16xf32, #tpu.memory_space<vmem>>) target(%dma_start3A_221 : memref<10240x16xf32, #tpu.memory_space<vmem_shared>>) offsets(%dma_start3A_218 : memref<512xi32, #tpu.memory_space<vmem>>) semaphore(%arg16 : memref<!tpu.dma_semaphore, #tpu.memory_space<semaphore_mem>>) {add = true}
      %mul3A_222 = arith.constant 2 : i32
      %mul3A_223 = arith.muli %mul3A_129, %mul3A_222 : i32
      %add3A_224 = arith.constant 0 : i32
      %add3A_225 = arith.addi %mul3A_223, %add3A_224 : i32
      %dma_wait3A_226 = arith.constant 0 : i32
      %dma_wait3A_227 = arith.constant 0 : i32
      %dma_wait3A_228 = arith.constant 0 : i32
      %dma_wait3A_229 = tpu.memref_slice %arg10[%dma_wait3A_226, %dma_wait3A_227, %dma_wait3A_228] : memref<4x512x16xf32, #tpu.memory_space<vmem>> -> memref<1x512x16xf32, #tpu.memory_space<vmem>>
      %dma_wait3A_230 = tpu.memref_squeeze %dma_wait3A_229 : memref<1x512x16xf32, #tpu.memory_space<vmem>> -> memref<512x16xf32, #tpu.memory_space<vmem>>
      %dma_wait3A_231 = arith.constant 0 : i32
      %dma_wait3A_232 = tpu.memref_slice %arg9[%add3A_225, %dma_wait3A_231] : memref<40x512xi32, #tpu.memory_space<vmem>> -> memref<1x512xi32, #tpu.memory_space<vmem>>
      %dma_wait3A_233 = tpu.memref_squeeze %dma_wait3A_232 : memref<1x512xi32, #tpu.memory_space<vmem>> -> memref<512xi32, #tpu.memory_space<vmem>>
      %dma_wait3A_234 = arith.constant 0 : i32
      %dma_wait3A_235 = arith.constant 0 : i32
      %dma_wait3A_236 = tpu.memref_slice %arg6[%dma_wait3A_234, %dma_wait3A_235] : memref<10240x16xf32, #tpu.memory_space<vmem_shared>> -> memref<10240x16xf32, #tpu.memory_space<vmem_shared>>
      tpu.wait_indirect_dma semaphore(%arg16 : memref<!tpu.dma_semaphore, #tpu.memory_space<semaphore_mem>>) src(%dma_wait3A_230 : memref<512x16xf32, #tpu.memory_space<vmem>>) dst(%dma_wait3A_236 : memref<10240x16xf32, #tpu.memory_space<vmem_shared>>)
      %mul3A_237 = arith.constant 2 : i32
      %mul3A_238 = arith.muli %mul3A_129, %mul3A_237 : i32
      %add3A_239 = arith.constant 1 : i32
      %add3A_240 = arith.addi %mul3A_238, %add3A_239 : i32
      %dma_wait3A_241 = arith.constant 1 : i32
      %dma_wait3A_242 = arith.constant 0 : i32
      %dma_wait3A_243 = arith.constant 0 : i32
      %dma_wait3A_244 = tpu.memref_slice %arg10[%dma_wait3A_241, %dma_wait3A_242, %dma_wait3A_243] : memref<4x512x16xf32, #tpu.memory_space<vmem>> -> memref<1x512x16xf32, #tpu.memory_space<vmem>>
      %dma_wait3A_245 = tpu.memref_squeeze %dma_wait3A_244 : memref<1x512x16xf32, #tpu.memory_space<vmem>> -> memref<512x16xf32, #tpu.memory_space<vmem>>
      %dma_wait3A_246 = arith.constant 0 : i32
      %dma_wait3A_247 = tpu.memref_slice %arg9[%add3A_240, %dma_wait3A_246] : memref<40x512xi32, #tpu.memory_space<vmem>> -> memref<1x512xi32, #tpu.memory_space<vmem>>
      %dma_wait3A_248 = tpu.memref_squeeze %dma_wait3A_247 : memref<1x512xi32, #tpu.memory_space<vmem>> -> memref<512xi32, #tpu.memory_space<vmem>>
      %dma_wait3A_249 = arith.constant 0 : i32
      %dma_wait3A_250 = arith.constant 0 : i32
      %dma_wait3A_251 = tpu.memref_slice %arg6[%dma_wait3A_249, %dma_wait3A_250] : memref<10240x16xf32, #tpu.memory_space<vmem_shared>> -> memref<10240x16xf32, #tpu.memory_space<vmem_shared>>
      tpu.wait_indirect_dma semaphore(%arg16 : memref<!tpu.dma_semaphore, #tpu.memory_space<semaphore_mem>>) src(%dma_wait3A_245 : memref<512x16xf32, #tpu.memory_space<vmem>>) dst(%dma_wait3A_251 : memref<10240x16xf32, #tpu.memory_space<vmem_shared>>)
      %lt3A = arith.constant 9 : i32
      %lt3A_252 = arith.cmpi slt, %scan3A_126, %lt3A : i32
      %convert_element_type3A = arith.extui %lt3A_252 : i1 to i32
      %cond3A = arith.constant 0 : i32
      %cond3A_253 = arith.cmpi ne, %convert_element_type3A, %cond3A : i32
      scf.if %cond3A_253 {
        %add3A_345 = arith.constant 2 : i32
        %add3A_346 = arith.addi %mul3A_129, %add3A_345 : i32
        %mul3A_347 = arith.constant 2 : i32
        %mul3A_348 = arith.muli %add3A_346, %mul3A_347 : i32
        %add3A_349 = arith.constant 0 : i32
        %add3A_350 = arith.addi %mul3A_348, %add3A_349 : i32
        %dma_start3A_351 = arith.constant 0 : i32
        %dma_start3A_352 = arith.constant 0 : i32
        %dma_start3A_353 = arith.constant 0 : i32
        %dma_start3A_354 = tpu.memref_slice %arg10[%dma_start3A_351, %dma_start3A_352, %dma_start3A_353] : memref<4x512x16xf32, #tpu.memory_space<vmem>> -> memref<1x512x16xf32, #tpu.memory_space<vmem>>
        %dma_start3A_355 = tpu.memref_squeeze %dma_start3A_354 : memref<1x512x16xf32, #tpu.memory_space<vmem>> -> memref<512x16xf32, #tpu.memory_space<vmem>>
        %dma_start3A_356 = arith.constant 0 : i32
        %dma_start3A_357 = tpu.memref_slice %arg8[%add3A_350, %dma_start3A_356] : memref<40x512xi32, #tpu.memory_space<vmem>> -> memref<1x512xi32, #tpu.memory_space<vmem>>
        %dma_start3A_358 = tpu.memref_squeeze %dma_start3A_357 : memref<1x512xi32, #tpu.memory_space<vmem>> -> memref<512xi32, #tpu.memory_space<vmem>>
        %dma_start3A_359 = arith.constant 0 : i32
        %dma_start3A_360 = arith.constant 0 : i32
        %dma_start3A_361 = tpu.memref_slice %arg7[%dma_start3A_359, %dma_start3A_360] : memref<10240x16xf32, #tpu.memory_space<vmem_shared>> -> memref<10240x16xf32, #tpu.memory_space<vmem_shared>>
        tpu.enqueue_indirect_dma source(%dma_start3A_361 : memref<10240x16xf32, #tpu.memory_space<vmem_shared>>) target(%dma_start3A_355 : memref<512x16xf32, #tpu.memory_space<vmem>>) offsets(%dma_start3A_358 : memref<512xi32, #tpu.memory_space<vmem>>) semaphore(%arg14 : memref<!tpu.dma_semaphore, #tpu.memory_space<semaphore_mem>>)
        %mul3A_362 = arith.constant 2 : i32
        %mul3A_363 = arith.muli %add3A_346, %mul3A_362 : i32
        %add3A_364 = arith.constant 1 : i32
        %add3A_365 = arith.addi %mul3A_363, %add3A_364 : i32
        %dma_start3A_366 = arith.constant 1 : i32
        %dma_start3A_367 = arith.constant 0 : i32
        %dma_start3A_368 = arith.constant 0 : i32
        %dma_start3A_369 = tpu.memref_slice %arg10[%dma_start3A_366, %dma_start3A_367, %dma_start3A_368] : memref<4x512x16xf32, #tpu.memory_space<vmem>> -> memref<1x512x16xf32, #tpu.memory_space<vmem>>
        %dma_start3A_370 = tpu.memref_squeeze %dma_start3A_369 : memref<1x512x16xf32, #tpu.memory_space<vmem>> -> memref<512x16xf32, #tpu.memory_space<vmem>>
        %dma_start3A_371 = arith.constant 0 : i32
        %dma_start3A_372 = tpu.memref_slice %arg8[%add3A_365, %dma_start3A_371] : memref<40x512xi32, #tpu.memory_space<vmem>> -> memref<1x512xi32, #tpu.memory_space<vmem>>
        %dma_start3A_373 = tpu.memref_squeeze %dma_start3A_372 : memref<1x512xi32, #tpu.memory_space<vmem>> -> memref<512xi32, #tpu.memory_space<vmem>>
        %dma_start3A_374 = arith.constant 0 : i32
        %dma_start3A_375 = arith.constant 0 : i32
        %dma_start3A_376 = tpu.memref_slice %arg7[%dma_start3A_374, %dma_start3A_375] : memref<10240x16xf32, #tpu.memory_space<vmem_shared>> -> memref<10240x16xf32, #tpu.memory_space<vmem_shared>>
        tpu.enqueue_indirect_dma source(%dma_start3A_376 : memref<10240x16xf32, #tpu.memory_space<vmem_shared>>) target(%dma_start3A_370 : memref<512x16xf32, #tpu.memory_space<vmem>>) offsets(%dma_start3A_373 : memref<512xi32, #tpu.memory_space<vmem>>) semaphore(%arg14 : memref<!tpu.dma_semaphore, #tpu.memory_space<semaphore_mem>>)
      } else {
      }
      %mul3A_254 = arith.constant 2 : i32
      %mul3A_255 = arith.muli %add3A_132, %mul3A_254 : i32
      %add3A_256 = arith.constant 0 : i32
      %add3A_257 = arith.addi %mul3A_255, %add3A_256 : i32
      %dma_wait3A_258 = arith.constant 2 : i32
      %dma_wait3A_259 = arith.constant 0 : i32
      %dma_wait3A_260 = arith.constant 0 : i32
      %dma_wait3A_261 = tpu.memref_slice %arg10[%dma_wait3A_258, %dma_wait3A_259, %dma_wait3A_260] : memref<4x512x16xf32, #tpu.memory_space<vmem>> -> memref<1x512x16xf32, #tpu.memory_space<vmem>>
      %dma_wait3A_262 = tpu.memref_squeeze %dma_wait3A_261 : memref<1x512x16xf32, #tpu.memory_space<vmem>> -> memref<512x16xf32, #tpu.memory_space<vmem>>
      %dma_wait3A_263 = arith.constant 0 : i32
      %dma_wait3A_264 = tpu.memref_slice %arg8[%add3A_257, %dma_wait3A_263] : memref<40x512xi32, #tpu.memory_space<vmem>> -> memref<1x512xi32, #tpu.memory_space<vmem>>
      %dma_wait3A_265 = tpu.memref_squeeze %dma_wait3A_264 : memref<1x512xi32, #tpu.memory_space<vmem>> -> memref<512xi32, #tpu.memory_space<vmem>>
      %dma_wait3A_266 = arith.constant 0 : i32
      %dma_wait3A_267 = arith.constant 0 : i32
      %dma_wait3A_268 = tpu.memref_slice %arg7[%dma_wait3A_266, %dma_wait3A_267] : memref<10240x16xf32, #tpu.memory_space<vmem_shared>> -> memref<10240x16xf32, #tpu.memory_space<vmem_shared>>
      tpu.wait_indirect_dma semaphore(%arg15 : memref<!tpu.dma_semaphore, #tpu.memory_space<semaphore_mem>>) src(%dma_wait3A_268 : memref<10240x16xf32, #tpu.memory_space<vmem_shared>>) dst(%dma_wait3A_262 : memref<512x16xf32, #tpu.memory_space<vmem>>)
      %mul3A_269 = arith.constant 2 : i32
      %mul3A_270 = arith.muli %add3A_132, %mul3A_269 : i32
      %add3A_271 = arith.constant 1 : i32
      %add3A_272 = arith.addi %mul3A_270, %add3A_271 : i32
      %dma_wait3A_273 = arith.constant 3 : i32
      %dma_wait3A_274 = arith.constant 0 : i32
      %dma_wait3A_275 = arith.constant 0 : i32
      %dma_wait3A_276 = tpu.memref_slice %arg10[%dma_wait3A_273, %dma_wait3A_274, %dma_wait3A_275] : memref<4x512x16xf32, #tpu.memory_space<vmem>> -> memref<1x512x16xf32, #tpu.memory_space<vmem>>
      %dma_wait3A_277 = tpu.memref_squeeze %dma_wait3A_276 : memref<1x512x16xf32, #tpu.memory_space<vmem>> -> memref<512x16xf32, #tpu.memory_space<vmem>>
      %dma_wait3A_278 = arith.constant 0 : i32
      %dma_wait3A_279 = tpu.memref_slice %arg8[%add3A_272, %dma_wait3A_278] : memref<40x512xi32, #tpu.memory_space<vmem>> -> memref<1x512xi32, #tpu.memory_space<vmem>>
      %dma_wait3A_280 = tpu.memref_squeeze %dma_wait3A_279 : memref<1x512xi32, #tpu.memory_space<vmem>> -> memref<512xi32, #tpu.memory_space<vmem>>
      %dma_wait3A_281 = arith.constant 0 : i32
      %dma_wait3A_282 = arith.constant 0 : i32
      %dma_wait3A_283 = tpu.memref_slice %arg7[%dma_wait3A_281, %dma_wait3A_282] : memref<10240x16xf32, #tpu.memory_space<vmem_shared>> -> memref<10240x16xf32, #tpu.memory_space<vmem_shared>>
      tpu.wait_indirect_dma semaphore(%arg15 : memref<!tpu.dma_semaphore, #tpu.memory_space<semaphore_mem>>) src(%dma_wait3A_283 : memref<10240x16xf32, #tpu.memory_space<vmem_shared>>) dst(%dma_wait3A_277 : memref<512x16xf32, #tpu.memory_space<vmem>>)
      %mul3A_284 = arith.constant 2 : i32
      %mul3A_285 = arith.muli %add3A_132, %mul3A_284 : i32
      %add3A_286 = arith.constant 0 : i32
      %add3A_287 = arith.addi %mul3A_285, %add3A_286 : i32
      %dma_start3A_288 = arith.constant 2 : i32
      %dma_start3A_289 = arith.constant 0 : i32
      %dma_start3A_290 = arith.constant 0 : i32
      %dma_start3A_291 = tpu.memref_slice %arg10[%dma_start3A_288, %dma_start3A_289, %dma_start3A_290] : memref<4x512x16xf32, #tpu.memory_space<vmem>> -> memref<1x512x16xf32, #tpu.memory_space<vmem>>
      %dma_start3A_292 = tpu.memref_squeeze %dma_start3A_291 : memref<1x512x16xf32, #tpu.memory_space<vmem>> -> memref<512x16xf32, #tpu.memory_space<vmem>>
      %dma_start3A_293 = arith.constant 0 : i32
      %dma_start3A_294 = tpu.memref_slice %arg9[%add3A_287, %dma_start3A_293] : memref<40x512xi32, #tpu.memory_space<vmem>> -> memref<1x512xi32, #tpu.memory_space<vmem>>
      %dma_start3A_295 = tpu.memref_squeeze %dma_start3A_294 : memref<1x512xi32, #tpu.memory_space<vmem>> -> memref<512xi32, #tpu.memory_space<vmem>>
      %dma_start3A_296 = arith.constant 0 : i32
      %dma_start3A_297 = arith.constant 0 : i32
      %dma_start3A_298 = tpu.memref_slice %arg6[%dma_start3A_296, %dma_start3A_297] : memref<10240x16xf32, #tpu.memory_space<vmem_shared>> -> memref<10240x16xf32, #tpu.memory_space<vmem_shared>>
      tpu.enqueue_indirect_dma source(%dma_start3A_292 : memref<512x16xf32, #tpu.memory_space<vmem>>) target(%dma_start3A_298 : memref<10240x16xf32, #tpu.memory_space<vmem_shared>>) offsets(%dma_start3A_295 : memref<512xi32, #tpu.memory_space<vmem>>) semaphore(%arg17 : memref<!tpu.dma_semaphore, #tpu.memory_space<semaphore_mem>>) {add = true}
      %mul3A_299 = arith.constant 2 : i32
      %mul3A_300 = arith.muli %add3A_132, %mul3A_299 : i32
      %add3A_301 = arith.constant 1 : i32
      %add3A_302 = arith.addi %mul3A_300, %add3A_301 : i32
      %dma_start3A_303 = arith.constant 3 : i32
      %dma_start3A_304 = arith.constant 0 : i32
      %dma_start3A_305 = arith.constant 0 : i32
      %dma_start3A_306 = tpu.memref_slice %arg10[%dma_start3A_303, %dma_start3A_304, %dma_start3A_305] : memref<4x512x16xf32, #tpu.memory_space<vmem>> -> memref<1x512x16xf32, #tpu.memory_space<vmem>>
      %dma_start3A_307 = tpu.memref_squeeze %dma_start3A_306 : memref<1x512x16xf32, #tpu.memory_space<vmem>> -> memref<512x16xf32, #tpu.memory_space<vmem>>
      %dma_start3A_308 = arith.constant 0 : i32
      %dma_start3A_309 = tpu.memref_slice %arg9[%add3A_302, %dma_start3A_308] : memref<40x512xi32, #tpu.memory_space<vmem>> -> memref<1x512xi32, #tpu.memory_space<vmem>>
      %dma_start3A_310 = tpu.memref_squeeze %dma_start3A_309 : memref<1x512xi32, #tpu.memory_space<vmem>> -> memref<512xi32, #tpu.memory_space<vmem>>
      %dma_start3A_311 = arith.constant 0 : i32
      %dma_start3A_312 = arith.constant 0 : i32
      %dma_start3A_313 = tpu.memref_slice %arg6[%dma_start3A_311, %dma_start3A_312] : memref<10240x16xf32, #tpu.memory_space<vmem_shared>> -> memref<10240x16xf32, #tpu.memory_space<vmem_shared>>
      tpu.enqueue_indirect_dma source(%dma_start3A_307 : memref<512x16xf32, #tpu.memory_space<vmem>>) target(%dma_start3A_313 : memref<10240x16xf32, #tpu.memory_space<vmem_shared>>) offsets(%dma_start3A_310 : memref<512xi32, #tpu.memory_space<vmem>>) semaphore(%arg17 : memref<!tpu.dma_semaphore, #tpu.memory_space<semaphore_mem>>) {add = true}
      %mul3A_314 = arith.constant 2 : i32
      %mul3A_315 = arith.muli %add3A_132, %mul3A_314 : i32
      %add3A_316 = arith.constant 0 : i32
      %add3A_317 = arith.addi %mul3A_315, %add3A_316 : i32
      %dma_wait3A_318 = arith.constant 2 : i32
      %dma_wait3A_319 = arith.constant 0 : i32
      %dma_wait3A_320 = arith.constant 0 : i32
      %dma_wait3A_321 = tpu.memref_slice %arg10[%dma_wait3A_318, %dma_wait3A_319, %dma_wait3A_320] : memref<4x512x16xf32, #tpu.memory_space<vmem>> -> memref<1x512x16xf32, #tpu.memory_space<vmem>>
      %dma_wait3A_322 = tpu.memref_squeeze %dma_wait3A_321 : memref<1x512x16xf32, #tpu.memory_space<vmem>> -> memref<512x16xf32, #tpu.memory_space<vmem>>
      %dma_wait3A_323 = arith.constant 0 : i32
      %dma_wait3A_324 = tpu.memref_slice %arg9[%add3A_317, %dma_wait3A_323] : memref<40x512xi32, #tpu.memory_space<vmem>> -> memref<1x512xi32, #tpu.memory_space<vmem>>
      %dma_wait3A_325 = tpu.memref_squeeze %dma_wait3A_324 : memref<1x512xi32, #tpu.memory_space<vmem>> -> memref<512xi32, #tpu.memory_space<vmem>>
      %dma_wait3A_326 = arith.constant 0 : i32
      %dma_wait3A_327 = arith.constant 0 : i32
      %dma_wait3A_328 = tpu.memref_slice %arg6[%dma_wait3A_326, %dma_wait3A_327] : memref<10240x16xf32, #tpu.memory_space<vmem_shared>> -> memref<10240x16xf32, #tpu.memory_space<vmem_shared>>
      tpu.wait_indirect_dma semaphore(%arg17 : memref<!tpu.dma_semaphore, #tpu.memory_space<semaphore_mem>>) src(%dma_wait3A_322 : memref<512x16xf32, #tpu.memory_space<vmem>>) dst(%dma_wait3A_328 : memref<10240x16xf32, #tpu.memory_space<vmem_shared>>)
      %mul3A_329 = arith.constant 2 : i32
      %mul3A_330 = arith.muli %add3A_132, %mul3A_329 : i32
      %add3A_331 = arith.constant 1 : i32
      %add3A_332 = arith.addi %mul3A_330, %add3A_331 : i32
      %dma_wait3A_333 = arith.constant 3 : i32
      %dma_wait3A_334 = arith.constant 0 : i32
      %dma_wait3A_335 = arith.constant 0 : i32
      %dma_wait3A_336 = tpu.memref_slice %arg10[%dma_wait3A_333, %dma_wait3A_334, %dma_wait3A_335] : memref<4x512x16xf32, #tpu.memory_space<vmem>> -> memref<1x512x16xf32, #tpu.memory_space<vmem>>
      %dma_wait3A_337 = tpu.memref_squeeze %dma_wait3A_336 : memref<1x512x16xf32, #tpu.memory_space<vmem>> -> memref<512x16xf32, #tpu.memory_space<vmem>>
      %dma_wait3A_338 = arith.constant 0 : i32
      %dma_wait3A_339 = tpu.memref_slice %arg9[%add3A_332, %dma_wait3A_338] : memref<40x512xi32, #tpu.memory_space<vmem>> -> memref<1x512xi32, #tpu.memory_space<vmem>>
      %dma_wait3A_340 = tpu.memref_squeeze %dma_wait3A_339 : memref<1x512xi32, #tpu.memory_space<vmem>> -> memref<512xi32, #tpu.memory_space<vmem>>
      %dma_wait3A_341 = arith.constant 0 : i32
      %dma_wait3A_342 = arith.constant 0 : i32
      %dma_wait3A_343 = tpu.memref_slice %arg6[%dma_wait3A_341, %dma_wait3A_342] : memref<10240x16xf32, #tpu.memory_space<vmem_shared>> -> memref<10240x16xf32, #tpu.memory_space<vmem_shared>>
      tpu.wait_indirect_dma semaphore(%arg17 : memref<!tpu.dma_semaphore, #tpu.memory_space<semaphore_mem>>) src(%dma_wait3A_337 : memref<512x16xf32, #tpu.memory_space<vmem>>) dst(%dma_wait3A_343 : memref<10240x16xf32, #tpu.memory_space<vmem_shared>>)
      %scan3A_344 = arith.constant 0 : i32
      scf.yield %scan3A_344 : i32
    }
    %scan3A_70 = arith.constant 10 : i32
    %barrier3A_71 = arith.constant 0 : index
    tpu.barrier barrier_id(%barrier3A_71)
    "tpu.region"() ({
      %run_scoped3A = tpu.sem_alloc : memref<!tpu.dma_semaphore, #tpu.memory_space<semaphore_mem>>
      %dma_start3A_126 = arith.constant 0 : i32
      %dma_start3A_127 = tpu.memref_slice %arg6[%mul3A_0, %dma_start3A_126] : memref<10240x16xf32, #tpu.memory_space<vmem_shared>> -> memref<640x16xf32, #tpu.memory_space<vmem_shared>>
      %dma_start3A_128 = arith.constant 0 : i32
      %dma_start3A_129 = tpu.memref_slice %arg6[%mul3A_0, %dma_start3A_128] : memref<10240x16xf32, #tpu.memory_space<vmem_shared>> -> memref<640x16xf32, #tpu.memory_space<vmem_shared>>
      tpu.enqueue_dma source(%dma_start3A_129 : memref<640x16xf32, #tpu.memory_space<vmem_shared>>) target(%arg11 : memref<640x16xf32, #tpu.memory_space<vmem>>) target_semaphore(%run_scoped3A : memref<!tpu.dma_semaphore, #tpu.memory_space<semaphore_mem>>)
      %dma_wait3A = arith.constant 0 : i32
      %dma_wait3A_130 = tpu.memref_slice %arg6[%mul3A_0, %dma_wait3A] : memref<10240x16xf32, #tpu.memory_space<vmem_shared>> -> memref<640x16xf32, #tpu.memory_space<vmem_shared>>
      %dma_wait3A_131 = arith.constant 0 : i32
      %dma_wait3A_132 = tpu.memref_slice %arg6[%mul3A_0, %dma_wait3A_131] : memref<10240x16xf32, #tpu.memory_space<vmem_shared>> -> memref<640x16xf32, #tpu.memory_space<vmem_shared>>
      tpu.wait_dma2 semaphore(%run_scoped3A : memref<!tpu.dma_semaphore, #tpu.memory_space<semaphore_mem>>) src(%dma_wait3A_132 : memref<640x16xf32, #tpu.memory_space<vmem_shared>>) dst(%arg11 : memref<640x16xf32, #tpu.memory_space<vmem>>)
      tpu.yield
    }) : () -> ()
    %scan3A_72 = arith.constant 0 : i32
    %scan3A_73 = arith.constant 0 : i32
    %scan3A_74 = arith.constant 640 : i32
    %scan3A_75 = arith.addi %scan3A_73, %scan3A_74 : i32
    %scan3A_76 = arith.constant 1 : i32
    %scan3A_77 = scf.for %scan3A_126 = %scan3A_73 to %scan3A_75 step %scan3A_76 iter_args(%scan3A_127 = %scan3A_72) -> (i32)  : i32 {
      %get3A = arith.index_cast %scan3A_126 : i32 to index
      %get3A_128 = arith.constant 0 : index
      %get3A_129 = tpu.vector_load %arg12[%get3A, %get3A_128] {strides = array<i32>} : memref<640x16xf32, #tpu.memory_space<vmem>>, vector<1x16xf32>,
      %get3A_130 = vector.shape_cast %get3A_129 : vector<1x16xf32> to vector<16xf32>
      %gt3A = arith.constant 0.000000e+00 : f32
      %gt3A_131 = vector.broadcast %gt3A : f32 to vector<16xf32>
      %gt3A_132 = arith.cmpf ogt, %get3A_130, %gt3A_131 : vector<16xf32>
      %bitcast_convert_type3A = tpu.bitcast %get3A_130 : vector<16xf32> -> vector<16xi32>
      %shift_right_arithmetic3A = arith.constant 1 : i32
      %shift_right_arithmetic3A_133 = vector.broadcast %shift_right_arithmetic3A : i32 to vector<16xi32>
      %shift_right_arithmetic3A_134 = arith.shrsi %bitcast_convert_type3A, %shift_right_arithmetic3A_133 : vector<16xi32>
      %sub3A = arith.constant 1597463007 : i32
      %sub3A_135 = vector.broadcast %sub3A : i32 to vector<16xi32>
      %sub3A_136 = arith.subi %sub3A_135, %shift_right_arithmetic3A_134 : vector<16xi32>
      %bitcast_convert_type3A_137 = tpu.bitcast %sub3A_136 : vector<16xi32> -> vector<16xf32>
      %mul3A_138 = arith.constant 5.000000e-01 : f32
      %mul3A_139 = vector.broadcast %mul3A_138 : f32 to vector<16xf32>
      %mul3A_140 = arith.mulf %mul3A_139, %get3A_130 : vector<16xf32>
      %mul3A_141 = arith.mulf %mul3A_140, %bitcast_convert_type3A_137 : vector<16xf32>
      %mul3A_142 = arith.mulf %mul3A_141, %bitcast_convert_type3A_137 : vector<16xf32>
      %sub3A_143 = arith.constant 1.500000e+00 : f32
      %sub3A_144 = vector.broadcast %sub3A_143 : f32 to vector<16xf32>
      %sub3A_145 = arith.subf %sub3A_144, %mul3A_142 : vector<16xf32>
      %mul3A_146 = arith.mulf %bitcast_convert_type3A_137, %sub3A_145 : vector<16xf32>
      %mul3A_147 = arith.constant 5.000000e-01 : f32
      %mul3A_148 = vector.broadcast %mul3A_147 : f32 to vector<16xf32>
      %mul3A_149 = arith.mulf %mul3A_148, %get3A_130 : vector<16xf32>
      %mul3A_150 = arith.mulf %mul3A_149, %mul3A_146 : vector<16xf32>
      %mul3A_151 = arith.mulf %mul3A_150, %mul3A_146 : vector<16xf32>
      %sub3A_152 = arith.constant 1.500000e+00 : f32
      %sub3A_153 = vector.broadcast %sub3A_152 : f32 to vector<16xf32>
      %sub3A_154 = arith.subf %sub3A_153, %mul3A_151 : vector<16xf32>
      %mul3A_155 = arith.mulf %mul3A_146, %sub3A_154 : vector<16xf32>
      %mul3A_156 = arith.constant 5.000000e-01 : f32
      %mul3A_157 = vector.broadcast %mul3A_156 : f32 to vector<16xf32>
      %mul3A_158 = arith.mulf %mul3A_157, %get3A_130 : vector<16xf32>
      %mul3A_159 = arith.mulf %mul3A_158, %mul3A_155 : vector<16xf32>
      %mul3A_160 = arith.mulf %mul3A_159, %mul3A_155 : vector<16xf32>
      %sub3A_161 = arith.constant 1.500000e+00 : f32
      %sub3A_162 = vector.broadcast %sub3A_161 : f32 to vector<16xf32>
      %sub3A_163 = arith.subf %sub3A_162, %mul3A_160 : vector<16xf32>
      %mul3A_164 = arith.mulf %mul3A_155, %sub3A_163 : vector<16xf32>
      %mul3A_165 = arith.constant 5.000000e-01 : f32
      %mul3A_166 = vector.broadcast %mul3A_165 : f32 to vector<16xf32>
      %mul3A_167 = arith.mulf %mul3A_166, %get3A_130 : vector<16xf32>
      %mul3A_168 = arith.mulf %mul3A_167, %mul3A_164 : vector<16xf32>
      %mul3A_169 = arith.mulf %mul3A_168, %mul3A_164 : vector<16xf32>
      %sub3A_170 = arith.constant 1.500000e+00 : f32
      %sub3A_171 = vector.broadcast %sub3A_170 : f32 to vector<16xf32>
      %sub3A_172 = arith.subf %sub3A_171, %mul3A_169 : vector<16xf32>
      %mul3A_173 = arith.mulf %mul3A_164, %sub3A_172 : vector<16xf32>
      %jit3A = arith.constant 0.000000e+00 : f32
      %broadcast_in_dim3A = vector.broadcast %jit3A : f32 to vector<16xf32>
      %select_n3A = arith.select %gt3A_132, %mul3A_173, %broadcast_in_dim3A : vector<16xi1>, vector<16xf32>
      %mul3A_174 = arith.mulf %select_n3A, %select_n3A : vector<16xf32>
      %mul3A_175 = arith.mulf %mul3A_174, %get3A_130 : vector<16xf32>
      %add3A = arith.constant 1.000000e-01 : f32
      %add3A_176 = vector.broadcast %add3A : f32 to vector<16xf32>
      %add3A_177 = arith.addf %mul3A_175, %add3A_176 : vector<16xf32>
      %div3A = arith.constant 1.000000e+00 : f32
      %div3A_178 = vector.broadcast %div3A : f32 to vector<16xf32>
      %div3A_179 = arith.divf %div3A_178, %add3A_177 : vector<16xf32>
      %mul3A_180 = arith.constant 2.000000e-01 : f32
      %mul3A_181 = vector.broadcast %mul3A_180 : f32 to vector<16xf32>
      %mul3A_182 = arith.mulf %mul3A_181, %div3A_179 : vector<16xf32>
      %mul3A_183 = arith.mulf %div3A_179, %select_n3A : vector<16xf32>
      %mul3A_184 = arith.mulf %mul3A_183, %select_n3A : vector<16xf32>
      %get3A_185 = arith.index_cast %scan3A_126 : i32 to index
      %get3A_186 = arith.constant 0 : index
      %get3A_187 = tpu.vector_load %arg11[%get3A_185, %get3A_186] {strides = array<i32>} : memref<640x16xf32, #tpu.memory_space<vmem>>, vector<1x16xf32>,
      %get3A_188 = vector.shape_cast %get3A_187 : vector<1x16xf32> to vector<16xf32>
      %mul3A_189 = arith.mulf %mul3A_184, %get3A_188 : vector<16xf32>
      %swap3A = arith.index_cast %scan3A_126 : i32 to index
      %swap3A_190 = arith.constant 0 : index
      %swap3A_191 = tpu.vector_load %arg11[%swap3A, %swap3A_190] {strides = array<i32>} : memref<640x16xf32, #tpu.memory_space<vmem>>, vector<1x16xf32>,
      %swap3A_192 = vector.shape_cast %swap3A_191 : vector<1x16xf32> to vector<16xf32>
      %swap3A_193 = vector.shape_cast %mul3A_189 : vector<16xf32> to vector<1x16xf32>
      tpu.vector_store %arg11[%swap3A, %swap3A_190], %swap3A_193 {strides = array<i32>} : memref<640x16xf32, #tpu.memory_space<vmem>>, vector<1x16xf32>,
      %scan3A_194 = arith.constant 0 : i32
      scf.yield %scan3A_194 : i32
    }
    %scan3A_78 = arith.constant 640 : i32
    "tpu.region"() ({
      %run_scoped3A = tpu.sem_alloc : memref<!tpu.dma_semaphore, #tpu.memory_space<semaphore_mem>>
      %dma_start3A_126 = arith.constant 0 : i32
      %dma_start3A_127 = tpu.memref_slice %arg7[%mul3A_0, %dma_start3A_126] : memref<10240x16xf32, #tpu.memory_space<vmem_shared>> -> memref<640x16xf32, #tpu.memory_space<vmem_shared>>
      %dma_start3A_128 = arith.constant 0 : i32
      %dma_start3A_129 = tpu.memref_slice %arg7[%mul3A_0, %dma_start3A_128] : memref<10240x16xf32, #tpu.memory_space<vmem_shared>> -> memref<640x16xf32, #tpu.memory_space<vmem_shared>>
      tpu.enqueue_dma source(%arg11 : memref<640x16xf32, #tpu.memory_space<vmem>>) target(%dma_start3A_129 : memref<640x16xf32, #tpu.memory_space<vmem_shared>>) target_semaphore(%run_scoped3A : memref<!tpu.dma_semaphore, #tpu.memory_space<semaphore_mem>>)
      %dma_wait3A = arith.constant 0 : i32
      %dma_wait3A_130 = tpu.memref_slice %arg7[%mul3A_0, %dma_wait3A] : memref<10240x16xf32, #tpu.memory_space<vmem_shared>> -> memref<640x16xf32, #tpu.memory_space<vmem_shared>>
      %dma_wait3A_131 = arith.constant 0 : i32
      %dma_wait3A_132 = tpu.memref_slice %arg7[%mul3A_0, %dma_wait3A_131] : memref<10240x16xf32, #tpu.memory_space<vmem_shared>> -> memref<640x16xf32, #tpu.memory_space<vmem_shared>>
      tpu.wait_dma2 semaphore(%run_scoped3A : memref<!tpu.dma_semaphore, #tpu.memory_space<semaphore_mem>>) src(%arg11 : memref<640x16xf32, #tpu.memory_space<vmem>>) dst(%dma_wait3A_132 : memref<640x16xf32, #tpu.memory_space<vmem_shared>>)
      tpu.yield
    }) : () -> ()
    %scan3A_79 = arith.constant 0 : i32
    %scan3A_80 = arith.constant 0 : i32
    %scan3A_81 = arith.constant 640 : i32
    %scan3A_82 = arith.addi %scan3A_80, %scan3A_81 : i32
    %scan3A_83 = arith.constant 1 : i32
    %scan3A_84 = scf.for %scan3A_126 = %scan3A_80 to %scan3A_82 step %scan3A_83 iter_args(%scan3A_127 = %scan3A_79) -> (i32)  : i32 {
      %get3A = arith.index_cast %scan3A_126 : i32 to index
      %get3A_128 = arith.constant 0 : index
      %get3A_129 = tpu.vector_load %arg12[%get3A, %get3A_128] {strides = array<i32>} : memref<640x16xf32, #tpu.memory_space<vmem>>, vector<1x16xf32>,
      %get3A_130 = vector.shape_cast %get3A_129 : vector<1x16xf32> to vector<16xf32>
      %gt3A = arith.constant 0.000000e+00 : f32
      %gt3A_131 = vector.broadcast %gt3A : f32 to vector<16xf32>
      %gt3A_132 = arith.cmpf ogt, %get3A_130, %gt3A_131 : vector<16xf32>
      %bitcast_convert_type3A = tpu.bitcast %get3A_130 : vector<16xf32> -> vector<16xi32>
      %shift_right_arithmetic3A = arith.constant 1 : i32
      %shift_right_arithmetic3A_133 = vector.broadcast %shift_right_arithmetic3A : i32 to vector<16xi32>
      %shift_right_arithmetic3A_134 = arith.shrsi %bitcast_convert_type3A, %shift_right_arithmetic3A_133 : vector<16xi32>
      %sub3A = arith.constant 1597463007 : i32
      %sub3A_135 = vector.broadcast %sub3A : i32 to vector<16xi32>
      %sub3A_136 = arith.subi %sub3A_135, %shift_right_arithmetic3A_134 : vector<16xi32>
      %bitcast_convert_type3A_137 = tpu.bitcast %sub3A_136 : vector<16xi32> -> vector<16xf32>
      %mul3A_138 = arith.constant 5.000000e-01 : f32
      %mul3A_139 = vector.broadcast %mul3A_138 : f32 to vector<16xf32>
      %mul3A_140 = arith.mulf %mul3A_139, %get3A_130 : vector<16xf32>
      %mul3A_141 = arith.mulf %mul3A_140, %bitcast_convert_type3A_137 : vector<16xf32>
      %mul3A_142 = arith.mulf %mul3A_141, %bitcast_convert_type3A_137 : vector<16xf32>
      %sub3A_143 = arith.constant 1.500000e+00 : f32
      %sub3A_144 = vector.broadcast %sub3A_143 : f32 to vector<16xf32>
      %sub3A_145 = arith.subf %sub3A_144, %mul3A_142 : vector<16xf32>
      %mul3A_146 = arith.mulf %bitcast_convert_type3A_137, %sub3A_145 : vector<16xf32>
      %mul3A_147 = arith.constant 5.000000e-01 : f32
      %mul3A_148 = vector.broadcast %mul3A_147 : f32 to vector<16xf32>
      %mul3A_149 = arith.mulf %mul3A_148, %get3A_130 : vector<16xf32>
      %mul3A_150 = arith.mulf %mul3A_149, %mul3A_146 : vector<16xf32>
      %mul3A_151 = arith.mulf %mul3A_150, %mul3A_146 : vector<16xf32>
      %sub3A_152 = arith.constant 1.500000e+00 : f32
      %sub3A_153 = vector.broadcast %sub3A_152 : f32 to vector<16xf32>
      %sub3A_154 = arith.subf %sub3A_153, %mul3A_151 : vector<16xf32>
      %mul3A_155 = arith.mulf %mul3A_146, %sub3A_154 : vector<16xf32>
      %mul3A_156 = arith.constant 5.000000e-01 : f32
      %mul3A_157 = vector.broadcast %mul3A_156 : f32 to vector<16xf32>
      %mul3A_158 = arith.mulf %mul3A_157, %get3A_130 : vector<16xf32>
      %mul3A_159 = arith.mulf %mul3A_158, %mul3A_155 : vector<16xf32>
      %mul3A_160 = arith.mulf %mul3A_159, %mul3A_155 : vector<16xf32>
      %sub3A_161 = arith.constant 1.500000e+00 : f32
      %sub3A_162 = vector.broadcast %sub3A_161 : f32 to vector<16xf32>
      %sub3A_163 = arith.subf %sub3A_162, %mul3A_160 : vector<16xf32>
      %mul3A_164 = arith.mulf %mul3A_155, %sub3A_163 : vector<16xf32>
      %mul3A_165 = arith.constant 5.000000e-01 : f32
      %mul3A_166 = vector.broadcast %mul3A_165 : f32 to vector<16xf32>
      %mul3A_167 = arith.mulf %mul3A_166, %get3A_130 : vector<16xf32>
      %mul3A_168 = arith.mulf %mul3A_167, %mul3A_164 : vector<16xf32>
      %mul3A_169 = arith.mulf %mul3A_168, %mul3A_164 : vector<16xf32>
      %sub3A_170 = arith.constant 1.500000e+00 : f32
      %sub3A_171 = vector.broadcast %sub3A_170 : f32 to vector<16xf32>
      %sub3A_172 = arith.subf %sub3A_171, %mul3A_169 : vector<16xf32>
      %mul3A_173 = arith.mulf %mul3A_164, %sub3A_172 : vector<16xf32>
      %jit3A = arith.constant 0.000000e+00 : f32
      %broadcast_in_dim3A = vector.broadcast %jit3A : f32 to vector<16xf32>
      %select_n3A = arith.select %gt3A_132, %mul3A_173, %broadcast_in_dim3A : vector<16xi1>, vector<16xf32>
      %mul3A_174 = arith.mulf %select_n3A, %select_n3A : vector<16xf32>
      %mul3A_175 = arith.mulf %mul3A_174, %get3A_130 : vector<16xf32>
      %add3A = arith.constant 1.000000e-01 : f32
      %add3A_176 = vector.broadcast %add3A : f32 to vector<16xf32>
      %add3A_177 = arith.addf %mul3A_175, %add3A_176 : vector<16xf32>
      %div3A = arith.constant 1.000000e+00 : f32
      %div3A_178 = vector.broadcast %div3A : f32 to vector<16xf32>
      %div3A_179 = arith.divf %div3A_178, %add3A_177 : vector<16xf32>
      %mul3A_180 = arith.constant 2.000000e-01 : f32
      %mul3A_181 = vector.broadcast %mul3A_180 : f32 to vector<16xf32>
      %mul3A_182 = arith.mulf %mul3A_181, %div3A_179 : vector<16xf32>
      %get3A_183 = arith.index_cast %scan3A_126 : i32 to index
      %get3A_184 = arith.constant 0 : index
      %get3A_185 = tpu.vector_load %arg12[%get3A_183, %get3A_184] {strides = array<i32>} : memref<640x16xf32, #tpu.memory_space<vmem>>, vector<1x16xf32>,
      %get3A_186 = vector.shape_cast %get3A_185 : vector<1x16xf32> to vector<16xf32>
      %mul3A_187 = arith.mulf %mul3A_182, %get3A_186 : vector<16xf32>
      %mul3A_188 = arith.mulf %mul3A_187, %select_n3A : vector<16xf32>
      %get3A_189 = arith.index_cast %scan3A_126 : i32 to index
      %get3A_190 = arith.constant 0 : index
      %get3A_191 = tpu.vector_load %arg13[%get3A_189, %get3A_190] {strides = array<i32>} : memref<640x16xf32, #tpu.memory_space<vmem>>, vector<1x16xf32>,
      %get3A_192 = vector.shape_cast %get3A_191 : vector<1x16xf32> to vector<16xf32>
      %mul3A_193 = arith.mulf %mul3A_188, %get3A_192 : vector<16xf32>
      %swap3A = arith.index_cast %scan3A_126 : i32 to index
      %swap3A_194 = arith.constant 0 : index
      %swap3A_195 = tpu.vector_load %arg11[%swap3A, %swap3A_194] {strides = array<i32>} : memref<640x16xf32, #tpu.memory_space<vmem>>, vector<1x16xf32>,
      %swap3A_196 = vector.shape_cast %swap3A_195 : vector<1x16xf32> to vector<16xf32>
      %swap3A_197 = vector.shape_cast %mul3A_193 : vector<16xf32> to vector<1x16xf32>
      tpu.vector_store %arg11[%swap3A, %swap3A_194], %swap3A_197 {strides = array<i32>} : memref<640x16xf32, #tpu.memory_space<vmem>>, vector<1x16xf32>,
      %scan3A_198 = arith.constant 0 : i32
      scf.yield %scan3A_198 : i32
    }
    %scan3A_85 = arith.constant 640 : i32
    "tpu.region"() ({
      %run_scoped3A = tpu.sem_alloc : memref<!tpu.dma_semaphore, #tpu.memory_space<semaphore_mem>>
      %dma_start3A_126 = arith.constant 0 : i32
      %dma_start3A_127 = tpu.memref_slice %arg6[%mul3A_0, %dma_start3A_126] : memref<10240x16xf32, #tpu.memory_space<vmem_shared>> -> memref<640x16xf32, #tpu.memory_space<vmem_shared>>
      %dma_start3A_128 = arith.constant 0 : i32
      %dma_start3A_129 = tpu.memref_slice %arg6[%mul3A_0, %dma_start3A_128] : memref<10240x16xf32, #tpu.memory_space<vmem_shared>> -> memref<640x16xf32, #tpu.memory_space<vmem_shared>>
      tpu.enqueue_dma source(%arg11 : memref<640x16xf32, #tpu.memory_space<vmem>>) target(%dma_start3A_129 : memref<640x16xf32, #tpu.memory_space<vmem_shared>>) target_semaphore(%run_scoped3A : memref<!tpu.dma_semaphore, #tpu.memory_space<semaphore_mem>>)
      %dma_wait3A = arith.constant 0 : i32
      %dma_wait3A_130 = tpu.memref_slice %arg6[%mul3A_0, %dma_wait3A] : memref<10240x16xf32, #tpu.memory_space<vmem_shared>> -> memref<640x16xf32, #tpu.memory_space<vmem_shared>>
      %dma_wait3A_131 = arith.constant 0 : i32
      %dma_wait3A_132 = tpu.memref_slice %arg6[%mul3A_0, %dma_wait3A_131] : memref<10240x16xf32, #tpu.memory_space<vmem_shared>> -> memref<640x16xf32, #tpu.memory_space<vmem_shared>>
      tpu.wait_dma2 semaphore(%run_scoped3A : memref<!tpu.dma_semaphore, #tpu.memory_space<semaphore_mem>>) src(%arg11 : memref<640x16xf32, #tpu.memory_space<vmem>>) dst(%dma_wait3A_132 : memref<640x16xf32, #tpu.memory_space<vmem_shared>>)
      tpu.yield
    }) : () -> ()
    %barrier3A_86 = arith.constant 0 : index
    tpu.barrier barrier_id(%barrier3A_86)
    %dma_start3A_87 = arith.constant 0 : i32
    %dma_start3A_88 = arith.constant 0 : i32
    %dma_start3A_89 = arith.constant 0 : i32
    %dma_start3A_90 = arith.constant 0 : i32
    %dma_start3A_91 = tpu.memref_slice %arg10[%dma_start3A_88, %dma_start3A_89, %dma_start3A_90] : memref<4x512x16xf32, #tpu.memory_space<vmem>> -> memref<1x512x16xf32, #tpu.memory_space<vmem>>
    %dma_start3A_92 = tpu.memref_squeeze %dma_start3A_91 : memref<1x512x16xf32, #tpu.memory_space<vmem>> -> memref<512x16xf32, #tpu.memory_space<vmem>>
    %dma_start3A_93 = arith.constant 0 : i32
    %dma_start3A_94 = tpu.memref_slice %arg8[%dma_start3A_87, %dma_start3A_93] : memref<40x512xi32, #tpu.memory_space<vmem>> -> memref<1x512xi32, #tpu.memory_space<vmem>>
    %dma_start3A_95 = tpu.memref_squeeze %dma_start3A_94 : memref<1x512xi32, #tpu.memory_space<vmem>> -> memref<512xi32, #tpu.memory_space<vmem>>
    %dma_start3A_96 = arith.constant 0 : i32
    %dma_start3A_97 = arith.constant 0 : i32
    %dma_start3A_98 = tpu.memref_slice %arg7[%dma_start3A_96, %dma_start3A_97] : memref<10240x16xf32, #tpu.memory_space<vmem_shared>> -> memref<10240x16xf32, #tpu.memory_space<vmem_shared>>
    tpu.enqueue_indirect_dma source(%dma_start3A_98 : memref<10240x16xf32, #tpu.memory_space<vmem_shared>>) target(%dma_start3A_92 : memref<512x16xf32, #tpu.memory_space<vmem>>) offsets(%dma_start3A_95 : memref<512xi32, #tpu.memory_space<vmem>>) semaphore(%arg14 : memref<!tpu.dma_semaphore, #tpu.memory_space<semaphore_mem>>)
    %dma_start3A_99 = arith.constant 1 : i32
    %dma_start3A_100 = arith.constant 1 : i32
    %dma_start3A_101 = arith.constant 0 : i32
    %dma_start3A_102 = arith.constant 0 : i32
    %dma_start3A_103 = tpu.memref_slice %arg10[%dma_start3A_100, %dma_start3A_101, %dma_start3A_102] : memref<4x512x16xf32, #tpu.memory_space<vmem>> -> memref<1x512x16xf32, #tpu.memory_space<vmem>>
    %dma_start3A_104 = tpu.memref_squeeze %dma_start3A_103 : memref<1x512x16xf32, #tpu.memory_space<vmem>> -> memref<512x16xf32, #tpu.memory_space<vmem>>
    %dma_start3A_105 = arith.constant 0 : i32
    %dma_start3A_106 = tpu.memref_slice %arg8[%dma_start3A_99, %dma_start3A_105] : memref<40x512xi32, #tpu.memory_space<vmem>> -> memref<1x512xi32, #tpu.memory_space<vmem>>
    %dma_start3A_107 = tpu.memref_squeeze %dma_start3A_106 : memref<1x512xi32, #tpu.memory_space<vmem>> -> memref<512xi32, #tpu.memory_space<vmem>>
    %dma_start3A_108 = arith.constant 0 : i32
    %dma_start3A_109 = arith.constant 0 : i32
    %dma_start3A_110 = tpu.memref_slice %arg7[%dma_start3A_108, %dma_start3A_109] : memref<10240x16xf32, #tpu.memory_space<vmem_shared>> -> memref<10240x16xf32, #tpu.memory_space<vmem_shared>>
    tpu.enqueue_indirect_dma source(%dma_start3A_110 : memref<10240x16xf32, #tpu.memory_space<vmem_shared>>) target(%dma_start3A_104 : memref<512x16xf32, #tpu.memory_space<vmem>>) offsets(%dma_start3A_107 : memref<512xi32, #tpu.memory_space<vmem>>) semaphore(%arg14 : memref<!tpu.dma_semaphore, #tpu.memory_space<semaphore_mem>>)
    %scan3A_111 = arith.constant 0 : i32
    %scan3A_112 = arith.constant 0 : i32
    %scan3A_113 = arith.constant 10 : i32
    %scan3A_114 = arith.addi %scan3A_112, %scan3A_113 : i32
    %scan3A_115 = arith.constant 1 : i32
    %scan3A_116 = scf.for %scan3A_126 = %scan3A_112 to %scan3A_114 step %scan3A_115 iter_args(%scan3A_127 = %scan3A_111) -> (i32)  : i32 {
      %mul3A_128 = arith.constant 2 : i32
      %mul3A_129 = arith.muli %mul3A_128, %scan3A_126 : i32
      %mul3A_130 = arith.constant 2 : i32
      %mul3A_131 = arith.muli %mul3A_130, %scan3A_126 : i32
      %add3A = arith.constant 1 : i32
      %add3A_132 = arith.addi %mul3A_131, %add3A : i32
      %mul3A_133 = arith.constant 2 : i32
      %mul3A_134 = arith.muli %add3A_132, %mul3A_133 : i32
      %add3A_135 = arith.constant 0 : i32
      %add3A_136 = arith.addi %mul3A_134, %add3A_135 : i32
      %dma_start3A_137 = arith.constant 2 : i32
      %dma_start3A_138 = arith.constant 0 : i32
      %dma_start3A_139 = arith.constant 0 : i32
      %dma_start3A_140 = tpu.memref_slice %arg10[%dma_start3A_137, %dma_start3A_138, %dma_start3A_139] : memref<4x512x16xf32, #tpu.memory_space<vmem>> -> memref<1x512x16xf32, #tpu.memory_space<vmem>>
      %dma_start3A_141 = tpu.memref_squeeze %dma_start3A_140 : memref<1x512x16xf32, #tpu.memory_space<vmem>> -> memref<512x16xf32, #tpu.memory_space<vmem>>
      %dma_start3A_142 = arith.constant 0 : i32
      %dma_start3A_143 = tpu.memref_slice %arg8[%add3A_136, %dma_start3A_142] : memref<40x512xi32, #tpu.memory_space<vmem>> -> memref<1x512xi32, #tpu.memory_space<vmem>>
      %dma_start3A_144 = tpu.memref_squeeze %dma_start3A_143 : memref<1x512xi32, #tpu.memory_space<vmem>> -> memref<512xi32, #tpu.memory_space<vmem>>
      %dma_start3A_145 = arith.constant 0 : i32
      %dma_start3A_146 = arith.constant 0 : i32
      %dma_start3A_147 = tpu.memref_slice %arg7[%dma_start3A_145, %dma_start3A_146] : memref<10240x16xf32, #tpu.memory_space<vmem_shared>> -> memref<10240x16xf32, #tpu.memory_space<vmem_shared>>
      tpu.enqueue_indirect_dma source(%dma_start3A_147 : memref<10240x16xf32, #tpu.memory_space<vmem_shared>>) target(%dma_start3A_141 : memref<512x16xf32, #tpu.memory_space<vmem>>) offsets(%dma_start3A_144 : memref<512xi32, #tpu.memory_space<vmem>>) semaphore(%arg15 : memref<!tpu.dma_semaphore, #tpu.memory_space<semaphore_mem>>)
      %mul3A_148 = arith.constant 2 : i32
      %mul3A_149 = arith.muli %add3A_132, %mul3A_148 : i32
      %add3A_150 = arith.constant 1 : i32
      %add3A_151 = arith.addi %mul3A_149, %add3A_150 : i32
      %dma_start3A_152 = arith.constant 3 : i32
      %dma_start3A_153 = arith.constant 0 : i32
      %dma_start3A_154 = arith.constant 0 : i32
      %dma_start3A_155 = tpu.memref_slice %arg10[%dma_start3A_152, %dma_start3A_153, %dma_start3A_154] : memref<4x512x16xf32, #tpu.memory_space<vmem>> -> memref<1x512x16xf32, #tpu.memory_space<vmem>>
      %dma_start3A_156 = tpu.memref_squeeze %dma_start3A_155 : memref<1x512x16xf32, #tpu.memory_space<vmem>> -> memref<512x16xf32, #tpu.memory_space<vmem>>
      %dma_start3A_157 = arith.constant 0 : i32
      %dma_start3A_158 = tpu.memref_slice %arg8[%add3A_151, %dma_start3A_157] : memref<40x512xi32, #tpu.memory_space<vmem>> -> memref<1x512xi32, #tpu.memory_space<vmem>>
      %dma_start3A_159 = tpu.memref_squeeze %dma_start3A_158 : memref<1x512xi32, #tpu.memory_space<vmem>> -> memref<512xi32, #tpu.memory_space<vmem>>
      %dma_start3A_160 = arith.constant 0 : i32
      %dma_start3A_161 = arith.constant 0 : i32
      %dma_start3A_162 = tpu.memref_slice %arg7[%dma_start3A_160, %dma_start3A_161] : memref<10240x16xf32, #tpu.memory_space<vmem_shared>> -> memref<10240x16xf32, #tpu.memory_space<vmem_shared>>
      tpu.enqueue_indirect_dma source(%dma_start3A_162 : memref<10240x16xf32, #tpu.memory_space<vmem_shared>>) target(%dma_start3A_156 : memref<512x16xf32, #tpu.memory_space<vmem>>) offsets(%dma_start3A_159 : memref<512xi32, #tpu.memory_space<vmem>>) semaphore(%arg15 : memref<!tpu.dma_semaphore, #tpu.memory_space<semaphore_mem>>)
      %mul3A_163 = arith.constant 2 : i32
      %mul3A_164 = arith.muli %mul3A_129, %mul3A_163 : i32
      %add3A_165 = arith.constant 0 : i32
      %add3A_166 = arith.addi %mul3A_164, %add3A_165 : i32
      %dma_wait3A = arith.constant 0 : i32
      %dma_wait3A_167 = arith.constant 0 : i32
      %dma_wait3A_168 = arith.constant 0 : i32
      %dma_wait3A_169 = tpu.memref_slice %arg10[%dma_wait3A, %dma_wait3A_167, %dma_wait3A_168] : memref<4x512x16xf32, #tpu.memory_space<vmem>> -> memref<1x512x16xf32, #tpu.memory_space<vmem>>
      %dma_wait3A_170 = tpu.memref_squeeze %dma_wait3A_169 : memref<1x512x16xf32, #tpu.memory_space<vmem>> -> memref<512x16xf32, #tpu.memory_space<vmem>>
      %dma_wait3A_171 = arith.constant 0 : i32
      %dma_wait3A_172 = tpu.memref_slice %arg8[%add3A_166, %dma_wait3A_171] : memref<40x512xi32, #tpu.memory_space<vmem>> -> memref<1x512xi32, #tpu.memory_space<vmem>>
      %dma_wait3A_173 = tpu.memref_squeeze %dma_wait3A_172 : memref<1x512xi32, #tpu.memory_space<vmem>> -> memref<512xi32, #tpu.memory_space<vmem>>
      %dma_wait3A_174 = arith.constant 0 : i32
      %dma_wait3A_175 = arith.constant 0 : i32
      %dma_wait3A_176 = tpu.memref_slice %arg7[%dma_wait3A_174, %dma_wait3A_175] : memref<10240x16xf32, #tpu.memory_space<vmem_shared>> -> memref<10240x16xf32, #tpu.memory_space<vmem_shared>>
      tpu.wait_indirect_dma semaphore(%arg14 : memref<!tpu.dma_semaphore, #tpu.memory_space<semaphore_mem>>) src(%dma_wait3A_176 : memref<10240x16xf32, #tpu.memory_space<vmem_shared>>) dst(%dma_wait3A_170 : memref<512x16xf32, #tpu.memory_space<vmem>>)
      %mul3A_177 = arith.constant 2 : i32
      %mul3A_178 = arith.muli %mul3A_129, %mul3A_177 : i32
      %add3A_179 = arith.constant 1 : i32
      %add3A_180 = arith.addi %mul3A_178, %add3A_179 : i32
      %dma_wait3A_181 = arith.constant 1 : i32
      %dma_wait3A_182 = arith.constant 0 : i32
      %dma_wait3A_183 = arith.constant 0 : i32
      %dma_wait3A_184 = tpu.memref_slice %arg10[%dma_wait3A_181, %dma_wait3A_182, %dma_wait3A_183] : memref<4x512x16xf32, #tpu.memory_space<vmem>> -> memref<1x512x16xf32, #tpu.memory_space<vmem>>
      %dma_wait3A_185 = tpu.memref_squeeze %dma_wait3A_184 : memref<1x512x16xf32, #tpu.memory_space<vmem>> -> memref<512x16xf32, #tpu.memory_space<vmem>>
      %dma_wait3A_186 = arith.constant 0 : i32
      %dma_wait3A_187 = tpu.memref_slice %arg8[%add3A_180, %dma_wait3A_186] : memref<40x512xi32, #tpu.memory_space<vmem>> -> memref<1x512xi32, #tpu.memory_space<vmem>>
      %dma_wait3A_188 = tpu.memref_squeeze %dma_wait3A_187 : memref<1x512xi32, #tpu.memory_space<vmem>> -> memref<512xi32, #tpu.memory_space<vmem>>
      %dma_wait3A_189 = arith.constant 0 : i32
      %dma_wait3A_190 = arith.constant 0 : i32
      %dma_wait3A_191 = tpu.memref_slice %arg7[%dma_wait3A_189, %dma_wait3A_190] : memref<10240x16xf32, #tpu.memory_space<vmem_shared>> -> memref<10240x16xf32, #tpu.memory_space<vmem_shared>>
      tpu.wait_indirect_dma semaphore(%arg14 : memref<!tpu.dma_semaphore, #tpu.memory_space<semaphore_mem>>) src(%dma_wait3A_191 : memref<10240x16xf32, #tpu.memory_space<vmem_shared>>) dst(%dma_wait3A_185 : memref<512x16xf32, #tpu.memory_space<vmem>>)
      %mul3A_192 = arith.constant 2 : i32
      %mul3A_193 = arith.muli %mul3A_129, %mul3A_192 : i32
      %add3A_194 = arith.constant 0 : i32
      %add3A_195 = arith.addi %mul3A_193, %add3A_194 : i32
      %dma_start3A_196 = arith.constant 0 : i32
      %dma_start3A_197 = arith.constant 0 : i32
      %dma_start3A_198 = arith.constant 0 : i32
      %dma_start3A_199 = tpu.memref_slice %arg10[%dma_start3A_196, %dma_start3A_197, %dma_start3A_198] : memref<4x512x16xf32, #tpu.memory_space<vmem>> -> memref<1x512x16xf32, #tpu.memory_space<vmem>>
      %dma_start3A_200 = tpu.memref_squeeze %dma_start3A_199 : memref<1x512x16xf32, #tpu.memory_space<vmem>> -> memref<512x16xf32, #tpu.memory_space<vmem>>
      %dma_start3A_201 = arith.constant 0 : i32
      %dma_start3A_202 = tpu.memref_slice %arg9[%add3A_195, %dma_start3A_201] : memref<40x512xi32, #tpu.memory_space<vmem>> -> memref<1x512xi32, #tpu.memory_space<vmem>>
      %dma_start3A_203 = tpu.memref_squeeze %dma_start3A_202 : memref<1x512xi32, #tpu.memory_space<vmem>> -> memref<512xi32, #tpu.memory_space<vmem>>
      %dma_start3A_204 = arith.constant 0 : i32
      %dma_start3A_205 = arith.constant 0 : i32
      %dma_start3A_206 = tpu.memref_slice %arg6[%dma_start3A_204, %dma_start3A_205] : memref<10240x16xf32, #tpu.memory_space<vmem_shared>> -> memref<10240x16xf32, #tpu.memory_space<vmem_shared>>
      tpu.enqueue_indirect_dma source(%dma_start3A_200 : memref<512x16xf32, #tpu.memory_space<vmem>>) target(%dma_start3A_206 : memref<10240x16xf32, #tpu.memory_space<vmem_shared>>) offsets(%dma_start3A_203 : memref<512xi32, #tpu.memory_space<vmem>>) semaphore(%arg16 : memref<!tpu.dma_semaphore, #tpu.memory_space<semaphore_mem>>) {add = true}
      %mul3A_207 = arith.constant 2 : i32
      %mul3A_208 = arith.muli %mul3A_129, %mul3A_207 : i32
      %add3A_209 = arith.constant 1 : i32
      %add3A_210 = arith.addi %mul3A_208, %add3A_209 : i32
      %dma_start3A_211 = arith.constant 1 : i32
      %dma_start3A_212 = arith.constant 0 : i32
      %dma_start3A_213 = arith.constant 0 : i32
      %dma_start3A_214 = tpu.memref_slice %arg10[%dma_start3A_211, %dma_start3A_212, %dma_start3A_213] : memref<4x512x16xf32, #tpu.memory_space<vmem>> -> memref<1x512x16xf32, #tpu.memory_space<vmem>>
      %dma_start3A_215 = tpu.memref_squeeze %dma_start3A_214 : memref<1x512x16xf32, #tpu.memory_space<vmem>> -> memref<512x16xf32, #tpu.memory_space<vmem>>
      %dma_start3A_216 = arith.constant 0 : i32
      %dma_start3A_217 = tpu.memref_slice %arg9[%add3A_210, %dma_start3A_216] : memref<40x512xi32, #tpu.memory_space<vmem>> -> memref<1x512xi32, #tpu.memory_space<vmem>>
      %dma_start3A_218 = tpu.memref_squeeze %dma_start3A_217 : memref<1x512xi32, #tpu.memory_space<vmem>> -> memref<512xi32, #tpu.memory_space<vmem>>
      %dma_start3A_219 = arith.constant 0 : i32
      %dma_start3A_220 = arith.constant 0 : i32
      %dma_start3A_221 = tpu.memref_slice %arg6[%dma_start3A_219, %dma_start3A_220] : memref<10240x16xf32, #tpu.memory_space<vmem_shared>> -> memref<10240x16xf32, #tpu.memory_space<vmem_shared>>
      tpu.enqueue_indirect_dma source(%dma_start3A_215 : memref<512x16xf32, #tpu.memory_space<vmem>>) target(%dma_start3A_221 : memref<10240x16xf32, #tpu.memory_space<vmem_shared>>) offsets(%dma_start3A_218 : memref<512xi32, #tpu.memory_space<vmem>>) semaphore(%arg16 : memref<!tpu.dma_semaphore, #tpu.memory_space<semaphore_mem>>) {add = true}
      %mul3A_222 = arith.constant 2 : i32
      %mul3A_223 = arith.muli %mul3A_129, %mul3A_222 : i32
      %add3A_224 = arith.constant 0 : i32
      %add3A_225 = arith.addi %mul3A_223, %add3A_224 : i32
      %dma_wait3A_226 = arith.constant 0 : i32
      %dma_wait3A_227 = arith.constant 0 : i32
      %dma_wait3A_228 = arith.constant 0 : i32
      %dma_wait3A_229 = tpu.memref_slice %arg10[%dma_wait3A_226, %dma_wait3A_227, %dma_wait3A_228] : memref<4x512x16xf32, #tpu.memory_space<vmem>> -> memref<1x512x16xf32, #tpu.memory_space<vmem>>
      %dma_wait3A_230 = tpu.memref_squeeze %dma_wait3A_229 : memref<1x512x16xf32, #tpu.memory_space<vmem>> -> memref<512x16xf32, #tpu.memory_space<vmem>>
      %dma_wait3A_231 = arith.constant 0 : i32
      %dma_wait3A_232 = tpu.memref_slice %arg9[%add3A_225, %dma_wait3A_231] : memref<40x512xi32, #tpu.memory_space<vmem>> -> memref<1x512xi32, #tpu.memory_space<vmem>>
      %dma_wait3A_233 = tpu.memref_squeeze %dma_wait3A_232 : memref<1x512xi32, #tpu.memory_space<vmem>> -> memref<512xi32, #tpu.memory_space<vmem>>
      %dma_wait3A_234 = arith.constant 0 : i32
      %dma_wait3A_235 = arith.constant 0 : i32
      %dma_wait3A_236 = tpu.memref_slice %arg6[%dma_wait3A_234, %dma_wait3A_235] : memref<10240x16xf32, #tpu.memory_space<vmem_shared>> -> memref<10240x16xf32, #tpu.memory_space<vmem_shared>>
      tpu.wait_indirect_dma semaphore(%arg16 : memref<!tpu.dma_semaphore, #tpu.memory_space<semaphore_mem>>) src(%dma_wait3A_230 : memref<512x16xf32, #tpu.memory_space<vmem>>) dst(%dma_wait3A_236 : memref<10240x16xf32, #tpu.memory_space<vmem_shared>>)
      %mul3A_237 = arith.constant 2 : i32
      %mul3A_238 = arith.muli %mul3A_129, %mul3A_237 : i32
      %add3A_239 = arith.constant 1 : i32
      %add3A_240 = arith.addi %mul3A_238, %add3A_239 : i32
      %dma_wait3A_241 = arith.constant 1 : i32
      %dma_wait3A_242 = arith.constant 0 : i32
      %dma_wait3A_243 = arith.constant 0 : i32
      %dma_wait3A_244 = tpu.memref_slice %arg10[%dma_wait3A_241, %dma_wait3A_242, %dma_wait3A_243] : memref<4x512x16xf32, #tpu.memory_space<vmem>> -> memref<1x512x16xf32, #tpu.memory_space<vmem>>
      %dma_wait3A_245 = tpu.memref_squeeze %dma_wait3A_244 : memref<1x512x16xf32, #tpu.memory_space<vmem>> -> memref<512x16xf32, #tpu.memory_space<vmem>>
      %dma_wait3A_246 = arith.constant 0 : i32
      %dma_wait3A_247 = tpu.memref_slice %arg9[%add3A_240, %dma_wait3A_246] : memref<40x512xi32, #tpu.memory_space<vmem>> -> memref<1x512xi32, #tpu.memory_space<vmem>>
      %dma_wait3A_248 = tpu.memref_squeeze %dma_wait3A_247 : memref<1x512xi32, #tpu.memory_space<vmem>> -> memref<512xi32, #tpu.memory_space<vmem>>
      %dma_wait3A_249 = arith.constant 0 : i32
      %dma_wait3A_250 = arith.constant 0 : i32
      %dma_wait3A_251 = tpu.memref_slice %arg6[%dma_wait3A_249, %dma_wait3A_250] : memref<10240x16xf32, #tpu.memory_space<vmem_shared>> -> memref<10240x16xf32, #tpu.memory_space<vmem_shared>>
      tpu.wait_indirect_dma semaphore(%arg16 : memref<!tpu.dma_semaphore, #tpu.memory_space<semaphore_mem>>) src(%dma_wait3A_245 : memref<512x16xf32, #tpu.memory_space<vmem>>) dst(%dma_wait3A_251 : memref<10240x16xf32, #tpu.memory_space<vmem_shared>>)
      %lt3A = arith.constant 9 : i32
      %lt3A_252 = arith.cmpi slt, %scan3A_126, %lt3A : i32
      %convert_element_type3A = arith.extui %lt3A_252 : i1 to i32
      %cond3A = arith.constant 0 : i32
      %cond3A_253 = arith.cmpi ne, %convert_element_type3A, %cond3A : i32
      scf.if %cond3A_253 {
        %add3A_345 = arith.constant 2 : i32
        %add3A_346 = arith.addi %mul3A_129, %add3A_345 : i32
        %mul3A_347 = arith.constant 2 : i32
        %mul3A_348 = arith.muli %add3A_346, %mul3A_347 : i32
        %add3A_349 = arith.constant 0 : i32
        %add3A_350 = arith.addi %mul3A_348, %add3A_349 : i32
        %dma_start3A_351 = arith.constant 0 : i32
        %dma_start3A_352 = arith.constant 0 : i32
        %dma_start3A_353 = arith.constant 0 : i32
        %dma_start3A_354 = tpu.memref_slice %arg10[%dma_start3A_351, %dma_start3A_352, %dma_start3A_353] : memref<4x512x16xf32, #tpu.memory_space<vmem>> -> memref<1x512x16xf32, #tpu.memory_space<vmem>>
        %dma_start3A_355 = tpu.memref_squeeze %dma_start3A_354 : memref<1x512x16xf32, #tpu.memory_space<vmem>> -> memref<512x16xf32, #tpu.memory_space<vmem>>
        %dma_start3A_356 = arith.constant 0 : i32
        %dma_start3A_357 = tpu.memref_slice %arg8[%add3A_350, %dma_start3A_356] : memref<40x512xi32, #tpu.memory_space<vmem>> -> memref<1x512xi32, #tpu.memory_space<vmem>>
        %dma_start3A_358 = tpu.memref_squeeze %dma_start3A_357 : memref<1x512xi32, #tpu.memory_space<vmem>> -> memref<512xi32, #tpu.memory_space<vmem>>
        %dma_start3A_359 = arith.constant 0 : i32
        %dma_start3A_360 = arith.constant 0 : i32
        %dma_start3A_361 = tpu.memref_slice %arg7[%dma_start3A_359, %dma_start3A_360] : memref<10240x16xf32, #tpu.memory_space<vmem_shared>> -> memref<10240x16xf32, #tpu.memory_space<vmem_shared>>
        tpu.enqueue_indirect_dma source(%dma_start3A_361 : memref<10240x16xf32, #tpu.memory_space<vmem_shared>>) target(%dma_start3A_355 : memref<512x16xf32, #tpu.memory_space<vmem>>) offsets(%dma_start3A_358 : memref<512xi32, #tpu.memory_space<vmem>>) semaphore(%arg14 : memref<!tpu.dma_semaphore, #tpu.memory_space<semaphore_mem>>)
        %mul3A_362 = arith.constant 2 : i32
        %mul3A_363 = arith.muli %add3A_346, %mul3A_362 : i32
        %add3A_364 = arith.constant 1 : i32
        %add3A_365 = arith.addi %mul3A_363, %add3A_364 : i32
        %dma_start3A_366 = arith.constant 1 : i32
        %dma_start3A_367 = arith.constant 0 : i32
        %dma_start3A_368 = arith.constant 0 : i32
        %dma_start3A_369 = tpu.memref_slice %arg10[%dma_start3A_366, %dma_start3A_367, %dma_start3A_368] : memref<4x512x16xf32, #tpu.memory_space<vmem>> -> memref<1x512x16xf32, #tpu.memory_space<vmem>>
        %dma_start3A_370 = tpu.memref_squeeze %dma_start3A_369 : memref<1x512x16xf32, #tpu.memory_space<vmem>> -> memref<512x16xf32, #tpu.memory_space<vmem>>
        %dma_start3A_371 = arith.constant 0 : i32
        %dma_start3A_372 = tpu.memref_slice %arg8[%add3A_365, %dma_start3A_371] : memref<40x512xi32, #tpu.memory_space<vmem>> -> memref<1x512xi32, #tpu.memory_space<vmem>>
        %dma_start3A_373 = tpu.memref_squeeze %dma_start3A_372 : memref<1x512xi32, #tpu.memory_space<vmem>> -> memref<512xi32, #tpu.memory_space<vmem>>
        %dma_start3A_374 = arith.constant 0 : i32
        %dma_start3A_375 = arith.constant 0 : i32
        %dma_start3A_376 = tpu.memref_slice %arg7[%dma_start3A_374, %dma_start3A_375] : memref<10240x16xf32, #tpu.memory_space<vmem_shared>> -> memref<10240x16xf32, #tpu.memory_space<vmem_shared>>
        tpu.enqueue_indirect_dma source(%dma_start3A_376 : memref<10240x16xf32, #tpu.memory_space<vmem_shared>>) target(%dma_start3A_370 : memref<512x16xf32, #tpu.memory_space<vmem>>) offsets(%dma_start3A_373 : memref<512xi32, #tpu.memory_space<vmem>>) semaphore(%arg14 : memref<!tpu.dma_semaphore, #tpu.memory_space<semaphore_mem>>)
      } else {
      }
      %mul3A_254 = arith.constant 2 : i32
      %mul3A_255 = arith.muli %add3A_132, %mul3A_254 : i32
      %add3A_256 = arith.constant 0 : i32
      %add3A_257 = arith.addi %mul3A_255, %add3A_256 : i32
      %dma_wait3A_258 = arith.constant 2 : i32
      %dma_wait3A_259 = arith.constant 0 : i32
      %dma_wait3A_260 = arith.constant 0 : i32
      %dma_wait3A_261 = tpu.memref_slice %arg10[%dma_wait3A_258, %dma_wait3A_259, %dma_wait3A_260] : memref<4x512x16xf32, #tpu.memory_space<vmem>> -> memref<1x512x16xf32, #tpu.memory_space<vmem>>
      %dma_wait3A_262 = tpu.memref_squeeze %dma_wait3A_261 : memref<1x512x16xf32, #tpu.memory_space<vmem>> -> memref<512x16xf32, #tpu.memory_space<vmem>>
      %dma_wait3A_263 = arith.constant 0 : i32
      %dma_wait3A_264 = tpu.memref_slice %arg8[%add3A_257, %dma_wait3A_263] : memref<40x512xi32, #tpu.memory_space<vmem>> -> memref<1x512xi32, #tpu.memory_space<vmem>>
      %dma_wait3A_265 = tpu.memref_squeeze %dma_wait3A_264 : memref<1x512xi32, #tpu.memory_space<vmem>> -> memref<512xi32, #tpu.memory_space<vmem>>
      %dma_wait3A_266 = arith.constant 0 : i32
      %dma_wait3A_267 = arith.constant 0 : i32
      %dma_wait3A_268 = tpu.memref_slice %arg7[%dma_wait3A_266, %dma_wait3A_267] : memref<10240x16xf32, #tpu.memory_space<vmem_shared>> -> memref<10240x16xf32, #tpu.memory_space<vmem_shared>>
      tpu.wait_indirect_dma semaphore(%arg15 : memref<!tpu.dma_semaphore, #tpu.memory_space<semaphore_mem>>) src(%dma_wait3A_268 : memref<10240x16xf32, #tpu.memory_space<vmem_shared>>) dst(%dma_wait3A_262 : memref<512x16xf32, #tpu.memory_space<vmem>>)
      %mul3A_269 = arith.constant 2 : i32
      %mul3A_270 = arith.muli %add3A_132, %mul3A_269 : i32
      %add3A_271 = arith.constant 1 : i32
      %add3A_272 = arith.addi %mul3A_270, %add3A_271 : i32
      %dma_wait3A_273 = arith.constant 3 : i32
      %dma_wait3A_274 = arith.constant 0 : i32
      %dma_wait3A_275 = arith.constant 0 : i32
      %dma_wait3A_276 = tpu.memref_slice %arg10[%dma_wait3A_273, %dma_wait3A_274, %dma_wait3A_275] : memref<4x512x16xf32, #tpu.memory_space<vmem>> -> memref<1x512x16xf32, #tpu.memory_space<vmem>>
      %dma_wait3A_277 = tpu.memref_squeeze %dma_wait3A_276 : memref<1x512x16xf32, #tpu.memory_space<vmem>> -> memref<512x16xf32, #tpu.memory_space<vmem>>
      %dma_wait3A_278 = arith.constant 0 : i32
      %dma_wait3A_279 = tpu.memref_slice %arg8[%add3A_272, %dma_wait3A_278] : memref<40x512xi32, #tpu.memory_space<vmem>> -> memref<1x512xi32, #tpu.memory_space<vmem>>
      %dma_wait3A_280 = tpu.memref_squeeze %dma_wait3A_279 : memref<1x512xi32, #tpu.memory_space<vmem>> -> memref<512xi32, #tpu.memory_space<vmem>>
      %dma_wait3A_281 = arith.constant 0 : i32
      %dma_wait3A_282 = arith.constant 0 : i32
      %dma_wait3A_283 = tpu.memref_slice %arg7[%dma_wait3A_281, %dma_wait3A_282] : memref<10240x16xf32, #tpu.memory_space<vmem_shared>> -> memref<10240x16xf32, #tpu.memory_space<vmem_shared>>
      tpu.wait_indirect_dma semaphore(%arg15 : memref<!tpu.dma_semaphore, #tpu.memory_space<semaphore_mem>>) src(%dma_wait3A_283 : memref<10240x16xf32, #tpu.memory_space<vmem_shared>>) dst(%dma_wait3A_277 : memref<512x16xf32, #tpu.memory_space<vmem>>)
      %mul3A_284 = arith.constant 2 : i32
      %mul3A_285 = arith.muli %add3A_132, %mul3A_284 : i32
      %add3A_286 = arith.constant 0 : i32
      %add3A_287 = arith.addi %mul3A_285, %add3A_286 : i32
      %dma_start3A_288 = arith.constant 2 : i32
      %dma_start3A_289 = arith.constant 0 : i32
      %dma_start3A_290 = arith.constant 0 : i32
      %dma_start3A_291 = tpu.memref_slice %arg10[%dma_start3A_288, %dma_start3A_289, %dma_start3A_290] : memref<4x512x16xf32, #tpu.memory_space<vmem>> -> memref<1x512x16xf32, #tpu.memory_space<vmem>>
      %dma_start3A_292 = tpu.memref_squeeze %dma_start3A_291 : memref<1x512x16xf32, #tpu.memory_space<vmem>> -> memref<512x16xf32, #tpu.memory_space<vmem>>
      %dma_start3A_293 = arith.constant 0 : i32
      %dma_start3A_294 = tpu.memref_slice %arg9[%add3A_287, %dma_start3A_293] : memref<40x512xi32, #tpu.memory_space<vmem>> -> memref<1x512xi32, #tpu.memory_space<vmem>>
      %dma_start3A_295 = tpu.memref_squeeze %dma_start3A_294 : memref<1x512xi32, #tpu.memory_space<vmem>> -> memref<512xi32, #tpu.memory_space<vmem>>
      %dma_start3A_296 = arith.constant 0 : i32
      %dma_start3A_297 = arith.constant 0 : i32
      %dma_start3A_298 = tpu.memref_slice %arg6[%dma_start3A_296, %dma_start3A_297] : memref<10240x16xf32, #tpu.memory_space<vmem_shared>> -> memref<10240x16xf32, #tpu.memory_space<vmem_shared>>
      tpu.enqueue_indirect_dma source(%dma_start3A_292 : memref<512x16xf32, #tpu.memory_space<vmem>>) target(%dma_start3A_298 : memref<10240x16xf32, #tpu.memory_space<vmem_shared>>) offsets(%dma_start3A_295 : memref<512xi32, #tpu.memory_space<vmem>>) semaphore(%arg17 : memref<!tpu.dma_semaphore, #tpu.memory_space<semaphore_mem>>) {add = true}
      %mul3A_299 = arith.constant 2 : i32
      %mul3A_300 = arith.muli %add3A_132, %mul3A_299 : i32
      %add3A_301 = arith.constant 1 : i32
      %add3A_302 = arith.addi %mul3A_300, %add3A_301 : i32
      %dma_start3A_303 = arith.constant 3 : i32
      %dma_start3A_304 = arith.constant 0 : i32
      %dma_start3A_305 = arith.constant 0 : i32
      %dma_start3A_306 = tpu.memref_slice %arg10[%dma_start3A_303, %dma_start3A_304, %dma_start3A_305] : memref<4x512x16xf32, #tpu.memory_space<vmem>> -> memref<1x512x16xf32, #tpu.memory_space<vmem>>
      %dma_start3A_307 = tpu.memref_squeeze %dma_start3A_306 : memref<1x512x16xf32, #tpu.memory_space<vmem>> -> memref<512x16xf32, #tpu.memory_space<vmem>>
      %dma_start3A_308 = arith.constant 0 : i32
      %dma_start3A_309 = tpu.memref_slice %arg9[%add3A_302, %dma_start3A_308] : memref<40x512xi32, #tpu.memory_space<vmem>> -> memref<1x512xi32, #tpu.memory_space<vmem>>
      %dma_start3A_310 = tpu.memref_squeeze %dma_start3A_309 : memref<1x512xi32, #tpu.memory_space<vmem>> -> memref<512xi32, #tpu.memory_space<vmem>>
      %dma_start3A_311 = arith.constant 0 : i32
      %dma_start3A_312 = arith.constant 0 : i32
      %dma_start3A_313 = tpu.memref_slice %arg6[%dma_start3A_311, %dma_start3A_312] : memref<10240x16xf32, #tpu.memory_space<vmem_shared>> -> memref<10240x16xf32, #tpu.memory_space<vmem_shared>>
      tpu.enqueue_indirect_dma source(%dma_start3A_307 : memref<512x16xf32, #tpu.memory_space<vmem>>) target(%dma_start3A_313 : memref<10240x16xf32, #tpu.memory_space<vmem_shared>>) offsets(%dma_start3A_310 : memref<512xi32, #tpu.memory_space<vmem>>) semaphore(%arg17 : memref<!tpu.dma_semaphore, #tpu.memory_space<semaphore_mem>>) {add = true}
      %mul3A_314 = arith.constant 2 : i32
      %mul3A_315 = arith.muli %add3A_132, %mul3A_314 : i32
      %add3A_316 = arith.constant 0 : i32
      %add3A_317 = arith.addi %mul3A_315, %add3A_316 : i32
      %dma_wait3A_318 = arith.constant 2 : i32
      %dma_wait3A_319 = arith.constant 0 : i32
      %dma_wait3A_320 = arith.constant 0 : i32
      %dma_wait3A_321 = tpu.memref_slice %arg10[%dma_wait3A_318, %dma_wait3A_319, %dma_wait3A_320] : memref<4x512x16xf32, #tpu.memory_space<vmem>> -> memref<1x512x16xf32, #tpu.memory_space<vmem>>
      %dma_wait3A_322 = tpu.memref_squeeze %dma_wait3A_321 : memref<1x512x16xf32, #tpu.memory_space<vmem>> -> memref<512x16xf32, #tpu.memory_space<vmem>>
      %dma_wait3A_323 = arith.constant 0 : i32
      %dma_wait3A_324 = tpu.memref_slice %arg9[%add3A_317, %dma_wait3A_323] : memref<40x512xi32, #tpu.memory_space<vmem>> -> memref<1x512xi32, #tpu.memory_space<vmem>>
      %dma_wait3A_325 = tpu.memref_squeeze %dma_wait3A_324 : memref<1x512xi32, #tpu.memory_space<vmem>> -> memref<512xi32, #tpu.memory_space<vmem>>
      %dma_wait3A_326 = arith.constant 0 : i32
      %dma_wait3A_327 = arith.constant 0 : i32
      %dma_wait3A_328 = tpu.memref_slice %arg6[%dma_wait3A_326, %dma_wait3A_327] : memref<10240x16xf32, #tpu.memory_space<vmem_shared>> -> memref<10240x16xf32, #tpu.memory_space<vmem_shared>>
      tpu.wait_indirect_dma semaphore(%arg17 : memref<!tpu.dma_semaphore, #tpu.memory_space<semaphore_mem>>) src(%dma_wait3A_322 : memref<512x16xf32, #tpu.memory_space<vmem>>) dst(%dma_wait3A_328 : memref<10240x16xf32, #tpu.memory_space<vmem_shared>>)
      %mul3A_329 = arith.constant 2 : i32
      %mul3A_330 = arith.muli %add3A_132, %mul3A_329 : i32
      %add3A_331 = arith.constant 1 : i32
      %add3A_332 = arith.addi %mul3A_330, %add3A_331 : i32
      %dma_wait3A_333 = arith.constant 3 : i32
      %dma_wait3A_334 = arith.constant 0 : i32
      %dma_wait3A_335 = arith.constant 0 : i32
      %dma_wait3A_336 = tpu.memref_slice %arg10[%dma_wait3A_333, %dma_wait3A_334, %dma_wait3A_335] : memref<4x512x16xf32, #tpu.memory_space<vmem>> -> memref<1x512x16xf32, #tpu.memory_space<vmem>>
      %dma_wait3A_337 = tpu.memref_squeeze %dma_wait3A_336 : memref<1x512x16xf32, #tpu.memory_space<vmem>> -> memref<512x16xf32, #tpu.memory_space<vmem>>
      %dma_wait3A_338 = arith.constant 0 : i32
      %dma_wait3A_339 = tpu.memref_slice %arg9[%add3A_332, %dma_wait3A_338] : memref<40x512xi32, #tpu.memory_space<vmem>> -> memref<1x512xi32, #tpu.memory_space<vmem>>
      %dma_wait3A_340 = tpu.memref_squeeze %dma_wait3A_339 : memref<1x512xi32, #tpu.memory_space<vmem>> -> memref<512xi32, #tpu.memory_space<vmem>>
      %dma_wait3A_341 = arith.constant 0 : i32
      %dma_wait3A_342 = arith.constant 0 : i32
      %dma_wait3A_343 = tpu.memref_slice %arg6[%dma_wait3A_341, %dma_wait3A_342] : memref<10240x16xf32, #tpu.memory_space<vmem_shared>> -> memref<10240x16xf32, #tpu.memory_space<vmem_shared>>
      tpu.wait_indirect_dma semaphore(%arg17 : memref<!tpu.dma_semaphore, #tpu.memory_space<semaphore_mem>>) src(%dma_wait3A_337 : memref<512x16xf32, #tpu.memory_space<vmem>>) dst(%dma_wait3A_343 : memref<10240x16xf32, #tpu.memory_space<vmem_shared>>)
      %scan3A_344 = arith.constant 0 : i32
      scf.yield %scan3A_344 : i32
    }
    %scan3A_117 = arith.constant 10 : i32
    %barrier3A_118 = arith.constant 0 : index
    tpu.barrier barrier_id(%barrier3A_118)
    "tpu.region"() ({
      %run_scoped3A = tpu.sem_alloc : memref<!tpu.dma_semaphore, #tpu.memory_space<semaphore_mem>>
      %dma_start3A_126 = arith.constant 0 : i32
      %dma_start3A_127 = tpu.memref_slice %arg6[%mul3A_0, %dma_start3A_126] : memref<10240x16xf32, #tpu.memory_space<vmem_shared>> -> memref<640x16xf32, #tpu.memory_space<vmem_shared>>
      %dma_start3A_128 = arith.constant 0 : i32
      %dma_start3A_129 = tpu.memref_slice %arg6[%mul3A_0, %dma_start3A_128] : memref<10240x16xf32, #tpu.memory_space<vmem_shared>> -> memref<640x16xf32, #tpu.memory_space<vmem_shared>>
      tpu.enqueue_dma source(%dma_start3A_129 : memref<640x16xf32, #tpu.memory_space<vmem_shared>>) target(%arg11 : memref<640x16xf32, #tpu.memory_space<vmem>>) target_semaphore(%run_scoped3A : memref<!tpu.dma_semaphore, #tpu.memory_space<semaphore_mem>>)
      %dma_wait3A = arith.constant 0 : i32
      %dma_wait3A_130 = tpu.memref_slice %arg6[%mul3A_0, %dma_wait3A] : memref<10240x16xf32, #tpu.memory_space<vmem_shared>> -> memref<640x16xf32, #tpu.memory_space<vmem_shared>>
      %dma_wait3A_131 = arith.constant 0 : i32
      %dma_wait3A_132 = tpu.memref_slice %arg6[%mul3A_0, %dma_wait3A_131] : memref<10240x16xf32, #tpu.memory_space<vmem_shared>> -> memref<640x16xf32, #tpu.memory_space<vmem_shared>>
      tpu.wait_dma2 semaphore(%run_scoped3A : memref<!tpu.dma_semaphore, #tpu.memory_space<semaphore_mem>>) src(%dma_wait3A_132 : memref<640x16xf32, #tpu.memory_space<vmem_shared>>) dst(%arg11 : memref<640x16xf32, #tpu.memory_space<vmem>>)
      tpu.yield
    }) : () -> ()
    %scan3A_119 = arith.constant 0 : i32
    %scan3A_120 = arith.constant 0 : i32
    %scan3A_121 = arith.constant 640 : i32
    %scan3A_122 = arith.addi %scan3A_120, %scan3A_121 : i32
    %scan3A_123 = arith.constant 1 : i32
    %scan3A_124 = scf.for %scan3A_126 = %scan3A_120 to %scan3A_122 step %scan3A_123 iter_args(%scan3A_127 = %scan3A_119) -> (i32)  : i32 {
      %get3A = arith.index_cast %scan3A_126 : i32 to index
      %get3A_128 = arith.constant 0 : index
      %get3A_129 = tpu.vector_load %arg12[%get3A, %get3A_128] {strides = array<i32>} : memref<640x16xf32, #tpu.memory_space<vmem>>, vector<1x16xf32>,
      %get3A_130 = vector.shape_cast %get3A_129 : vector<1x16xf32> to vector<16xf32>
      %gt3A = arith.constant 0.000000e+00 : f32
      %gt3A_131 = vector.broadcast %gt3A : f32 to vector<16xf32>
      %gt3A_132 = arith.cmpf ogt, %get3A_130, %gt3A_131 : vector<16xf32>
      %bitcast_convert_type3A = tpu.bitcast %get3A_130 : vector<16xf32> -> vector<16xi32>
      %shift_right_arithmetic3A = arith.constant 1 : i32
      %shift_right_arithmetic3A_133 = vector.broadcast %shift_right_arithmetic3A : i32 to vector<16xi32>
      %shift_right_arithmetic3A_134 = arith.shrsi %bitcast_convert_type3A, %shift_right_arithmetic3A_133 : vector<16xi32>
      %sub3A = arith.constant 1597463007 : i32
      %sub3A_135 = vector.broadcast %sub3A : i32 to vector<16xi32>
      %sub3A_136 = arith.subi %sub3A_135, %shift_right_arithmetic3A_134 : vector<16xi32>
      %bitcast_convert_type3A_137 = tpu.bitcast %sub3A_136 : vector<16xi32> -> vector<16xf32>
      %mul3A_138 = arith.constant 5.000000e-01 : f32
      %mul3A_139 = vector.broadcast %mul3A_138 : f32 to vector<16xf32>
      %mul3A_140 = arith.mulf %mul3A_139, %get3A_130 : vector<16xf32>
      %mul3A_141 = arith.mulf %mul3A_140, %bitcast_convert_type3A_137 : vector<16xf32>
      %mul3A_142 = arith.mulf %mul3A_141, %bitcast_convert_type3A_137 : vector<16xf32>
      %sub3A_143 = arith.constant 1.500000e+00 : f32
      %sub3A_144 = vector.broadcast %sub3A_143 : f32 to vector<16xf32>
      %sub3A_145 = arith.subf %sub3A_144, %mul3A_142 : vector<16xf32>
      %mul3A_146 = arith.mulf %bitcast_convert_type3A_137, %sub3A_145 : vector<16xf32>
      %mul3A_147 = arith.constant 5.000000e-01 : f32
      %mul3A_148 = vector.broadcast %mul3A_147 : f32 to vector<16xf32>
      %mul3A_149 = arith.mulf %mul3A_148, %get3A_130 : vector<16xf32>
      %mul3A_150 = arith.mulf %mul3A_149, %mul3A_146 : vector<16xf32>
      %mul3A_151 = arith.mulf %mul3A_150, %mul3A_146 : vector<16xf32>
      %sub3A_152 = arith.constant 1.500000e+00 : f32
      %sub3A_153 = vector.broadcast %sub3A_152 : f32 to vector<16xf32>
      %sub3A_154 = arith.subf %sub3A_153, %mul3A_151 : vector<16xf32>
      %mul3A_155 = arith.mulf %mul3A_146, %sub3A_154 : vector<16xf32>
      %mul3A_156 = arith.constant 5.000000e-01 : f32
      %mul3A_157 = vector.broadcast %mul3A_156 : f32 to vector<16xf32>
      %mul3A_158 = arith.mulf %mul3A_157, %get3A_130 : vector<16xf32>
      %mul3A_159 = arith.mulf %mul3A_158, %mul3A_155 : vector<16xf32>
      %mul3A_160 = arith.mulf %mul3A_159, %mul3A_155 : vector<16xf32>
      %sub3A_161 = arith.constant 1.500000e+00 : f32
      %sub3A_162 = vector.broadcast %sub3A_161 : f32 to vector<16xf32>
      %sub3A_163 = arith.subf %sub3A_162, %mul3A_160 : vector<16xf32>
      %mul3A_164 = arith.mulf %mul3A_155, %sub3A_163 : vector<16xf32>
      %mul3A_165 = arith.constant 5.000000e-01 : f32
      %mul3A_166 = vector.broadcast %mul3A_165 : f32 to vector<16xf32>
      %mul3A_167 = arith.mulf %mul3A_166, %get3A_130 : vector<16xf32>
      %mul3A_168 = arith.mulf %mul3A_167, %mul3A_164 : vector<16xf32>
      %mul3A_169 = arith.mulf %mul3A_168, %mul3A_164 : vector<16xf32>
      %sub3A_170 = arith.constant 1.500000e+00 : f32
      %sub3A_171 = vector.broadcast %sub3A_170 : f32 to vector<16xf32>
      %sub3A_172 = arith.subf %sub3A_171, %mul3A_169 : vector<16xf32>
      %mul3A_173 = arith.mulf %mul3A_164, %sub3A_172 : vector<16xf32>
      %jit3A = arith.constant 0.000000e+00 : f32
      %broadcast_in_dim3A = vector.broadcast %jit3A : f32 to vector<16xf32>
      %select_n3A = arith.select %gt3A_132, %mul3A_173, %broadcast_in_dim3A : vector<16xi1>, vector<16xf32>
      %mul3A_174 = arith.mulf %select_n3A, %select_n3A : vector<16xf32>
      %mul3A_175 = arith.mulf %mul3A_174, %get3A_130 : vector<16xf32>
      %add3A = arith.constant 1.000000e-01 : f32
      %add3A_176 = vector.broadcast %add3A : f32 to vector<16xf32>
      %add3A_177 = arith.addf %mul3A_175, %add3A_176 : vector<16xf32>
      %div3A = arith.constant 1.000000e+00 : f32
      %div3A_178 = vector.broadcast %div3A : f32 to vector<16xf32>
      %div3A_179 = arith.divf %div3A_178, %add3A_177 : vector<16xf32>
      %mul3A_180 = arith.constant 2.000000e-01 : f32
      %mul3A_181 = vector.broadcast %mul3A_180 : f32 to vector<16xf32>
      %mul3A_182 = arith.mulf %mul3A_181, %div3A_179 : vector<16xf32>
      %get3A_183 = arith.index_cast %scan3A_126 : i32 to index
      %get3A_184 = arith.constant 0 : index
      %get3A_185 = tpu.vector_load %arg11[%get3A_183, %get3A_184] {strides = array<i32>} : memref<640x16xf32, #tpu.memory_space<vmem>>, vector<1x16xf32>,
      %get3A_186 = vector.shape_cast %get3A_185 : vector<1x16xf32> to vector<16xf32>
      %mul3A_187 = arith.mulf %select_n3A, %get3A_186 : vector<16xf32>
      %get3A_188 = arith.index_cast %scan3A_126 : i32 to index
      %get3A_189 = arith.constant 0 : index
      %get3A_190 = tpu.vector_load %arg13[%get3A_188, %get3A_189] {strides = array<i32>} : memref<640x16xf32, #tpu.memory_space<vmem>>, vector<1x16xf32>,
      %get3A_191 = vector.shape_cast %get3A_190 : vector<1x16xf32> to vector<16xf32>
      %mul3A_192 = arith.mulf %mul3A_182, %get3A_191 : vector<16xf32>
      %select_n3A_193 = arith.select %gt3A_132, %mul3A_187, %mul3A_192 : vector<16xi1>, vector<16xf32>
      %swap3A = arith.index_cast %scan3A_126 : i32 to index
      %swap3A_194 = arith.constant 0 : index
      %swap3A_195 = tpu.vector_load %arg11[%swap3A, %swap3A_194] {strides = array<i32>} : memref<640x16xf32, #tpu.memory_space<vmem>>, vector<1x16xf32>,
      %swap3A_196 = vector.shape_cast %swap3A_195 : vector<1x16xf32> to vector<16xf32>
      %swap3A_197 = vector.shape_cast %select_n3A_193 : vector<16xf32> to vector<1x16xf32>
      tpu.vector_store %arg11[%swap3A, %swap3A_194], %swap3A_197 {strides = array<i32>} : memref<640x16xf32, #tpu.memory_space<vmem>>, vector<1x16xf32>,
      %scan3A_198 = arith.constant 0 : i32
      scf.yield %scan3A_198 : i32
    }
    %scan3A_125 = arith.constant 640 : i32
    "tpu.region"() ({
      %run_scoped3A = tpu.sem_alloc : memref<!tpu.dma_semaphore, #tpu.memory_space<semaphore_mem>>
      %dma_start3A_126 = arith.constant 0 : i32
      %dma_start3A_127 = tpu.memref_slice %arg5[%mul3A_0, %dma_start3A_126] : memref<10240x16xf32, #tpu.memory_space<hbm>> -> memref<640x16xf32, #tpu.memory_space<hbm>>
      %dma_start3A_128 = arith.constant 0 : i32
      %dma_start3A_129 = tpu.memref_slice %arg5[%mul3A_0, %dma_start3A_128] : memref<10240x16xf32, #tpu.memory_space<hbm>> -> memref<640x16xf32, #tpu.memory_space<hbm>>
      tpu.enqueue_dma source(%arg11 : memref<640x16xf32, #tpu.memory_space<vmem>>) target(%dma_start3A_129 : memref<640x16xf32, #tpu.memory_space<hbm>>) target_semaphore(%run_scoped3A : memref<!tpu.dma_semaphore, #tpu.memory_space<semaphore_mem>>)
      %dma_wait3A = arith.constant 0 : i32
      %dma_wait3A_130 = tpu.memref_slice %arg5[%mul3A_0, %dma_wait3A] : memref<10240x16xf32, #tpu.memory_space<hbm>> -> memref<640x16xf32, #tpu.memory_space<hbm>>
      %dma_wait3A_131 = arith.constant 0 : i32
      %dma_wait3A_132 = tpu.memref_slice %arg5[%mul3A_0, %dma_wait3A_131] : memref<10240x16xf32, #tpu.memory_space<hbm>> -> memref<640x16xf32, #tpu.memory_space<hbm>>
      tpu.wait_dma2 semaphore(%run_scoped3A : memref<!tpu.dma_semaphore, #tpu.memory_space<semaphore_mem>>) src(%arg11 : memref<640x16xf32, #tpu.memory_space<vmem>>) dst(%dma_wait3A_132 : memref<640x16xf32, #tpu.memory_space<hbm>>)
      tpu.yield
    }) : () -> ()
    return
  }
}

module attributes {stable_mosaic.version = 14 : i64} {
  func.func @_pre_body(%arg0: memref<10000x128xf32, #tpu.memory_space<vmem>>, %arg1: memref<128x16xf32, #tpu.memory_space<vmem>>, %arg2: memref<1x16xf32, #tpu.memory_space<vmem>>, %arg3: memref<10000x16xf32, #tpu.memory_space<vmem>>) attributes {dimension_semantics = [], scalar_prefetch = 0 : i64, scratch_operands = 0 : i64, tpu.core_type = #tpu.core_type<tc>} {
    %get3A = arith.constant 0 : index
    %get3A_0 = arith.constant 0 : index
    %get3A_1 = vector.load %arg0[%get3A, %get3A_0] : memref<10000x128xf32, #tpu.memory_space<vmem>>, vector<10000x128xf32>
    %get3A_2 = arith.constant 0 : index
    %get3A_3 = arith.constant 0 : index
    %get3A_4 = vector.load %arg1[%get3A_2, %get3A_3] : memref<128x16xf32, #tpu.memory_space<vmem>>, vector<128x16xf32>
    %dot_general3A = arith.constant dense<0.000000e+00> : vector<10000x16xf32>
    %dot_general3A_5 = tpu.matmul %get3A_1, %get3A_4, %dot_general3A {dimension_numbers = #tpu.dot_dimension_numbers<[1], [0], [0], [1], [0, 0, 1, 1], [], []>, transpose_lhs_hint = false} : vector<10000x128xf32>, vector<128x16xf32>, vector<10000x16xf32> -> vector<10000x16xf32>
    %get3A_6 = arith.constant 0 : index
    %get3A_7 = arith.constant 0 : index
    %get3A_8 = vector.load %arg2[%get3A_6, %get3A_7] : memref<1x16xf32, #tpu.memory_space<vmem>>, vector<1x16xf32>
    %add3A = vector.broadcast %get3A_8 : vector<1x16xf32> to vector<10000x16xf32>
    %add3A_9 = arith.addf %dot_general3A_5, %add3A : vector<10000x16xf32>
    %max3A = arith.constant 0.000000e+00 : f32
    %max3A_10 = vector.broadcast %max3A : f32 to vector<10000x16xf32>
    %max3A_11 = arith.maximumf %add3A_9, %max3A_10 : vector<10000x16xf32>
    %swap3A = arith.constant 0 : index
    %swap3A_12 = arith.constant 0 : index
    %swap3A_13 = vector.load %arg3[%swap3A, %swap3A_12] : memref<10000x16xf32, #tpu.memory_space<vmem>>, vector<10000x16xf32>
    tpu.vector_store %arg3[%swap3A, %swap3A_12], %max3A_11 {strides = array<i32>} : memref<10000x16xf32, #tpu.memory_space<vmem>>, vector<10000x16xf32>,
    return
  }
}

module attributes {stable_mosaic.version = 14 : i64} {
  func.func @_post_body(%arg0: memref<10000x16xf32, #tpu.memory_space<vmem>>, %arg1: memref<16x64xf32, #tpu.memory_space<vmem>>, %arg2: memref<1x64xf32, #tpu.memory_space<vmem>>, %arg3: memref<10000x64xf32, #tpu.memory_space<vmem>>) attributes {dimension_semantics = [], scalar_prefetch = 0 : i64, scratch_operands = 0 : i64, tpu.core_type = #tpu.core_type<tc>} {
    %get3A = arith.constant 0 : index
    %get3A_0 = arith.constant 0 : index
    %get3A_1 = vector.load %arg0[%get3A, %get3A_0] : memref<10000x16xf32, #tpu.memory_space<vmem>>, vector<10000x16xf32>
    %get3A_2 = arith.constant 0 : index
    %get3A_3 = arith.constant 0 : index
    %get3A_4 = vector.load %arg1[%get3A_2, %get3A_3] : memref<16x64xf32, #tpu.memory_space<vmem>>, vector<16x64xf32>
    %dot_general3A = arith.constant dense<0.000000e+00> : vector<10000x64xf32>
    %dot_general3A_5 = tpu.matmul %get3A_1, %get3A_4, %dot_general3A {dimension_numbers = #tpu.dot_dimension_numbers<[1], [0], [0], [1], [0, 0, 1, 1], [], []>, transpose_lhs_hint = false} : vector<10000x16xf32>, vector<16x64xf32>, vector<10000x64xf32> -> vector<10000x64xf32>
    %get3A_6 = arith.constant 0 : index
    %get3A_7 = arith.constant 0 : index
    %get3A_8 = vector.load %arg2[%get3A_6, %get3A_7] : memref<1x64xf32, #tpu.memory_space<vmem>>, vector<1x64xf32>
    %add3A = vector.broadcast %get3A_8 : vector<1x64xf32> to vector<10000x64xf32>
    %add3A_9 = arith.addf %dot_general3A_5, %add3A : vector<10000x64xf32>
    %reduce_max3A = arith.constant dense<0xFF800000> : vector<10000xf32>
    %reduce_max3A_10 = vector.multi_reduction <maximumf>, %add3A_9, %reduce_max3A [1] : vector<10000x64xf32> to vector<10000xf32>
    %broadcast_in_dim3A = vector.shape_cast %reduce_max3A_10 : vector<10000xf32> to vector<10000x1xf32>
    %sub3A = vector.broadcast %broadcast_in_dim3A : vector<10000x1xf32> to vector<10000x64xf32>
    %sub3A_11 = arith.subf %add3A_9, %sub3A : vector<10000x64xf32>
    %exp3A = math.exp %sub3A_11 : vector<10000x64xf32>
    %reduce_sum3A = arith.constant dense<0.000000e+00> : vector<10000xf32>
    %reduce_sum3A_12 = vector.multi_reduction <add>, %exp3A, %reduce_sum3A [1] : vector<10000x64xf32> to vector<10000xf32>
    %broadcast_in_dim3A_13 = vector.shape_cast %reduce_sum3A_12 : vector<10000xf32> to vector<10000x1xf32>
    %log3A = math.log %broadcast_in_dim3A_13 : vector<10000x1xf32>
    %add3A_14 = arith.addf %log3A, %broadcast_in_dim3A : vector<10000x1xf32>
    %sub3A_15 = vector.broadcast %add3A_14 : vector<10000x1xf32> to vector<10000x64xf32>
    %sub3A_16 = arith.subf %add3A_9, %sub3A_15 : vector<10000x64xf32>
    %swap3A = arith.constant 0 : index
    %swap3A_17 = arith.constant 0 : index
    %swap3A_18 = vector.load %arg3[%swap3A, %swap3A_17] : memref<10000x64xf32, #tpu.memory_space<vmem>>, vector<10000x64xf32>
    tpu.vector_store %arg3[%swap3A, %swap3A_17], %sub3A_16 {strides = array<i32>} : memref<10000x64xf32, #tpu.memory_space<vmem>>, vector<10000x64xf32>,
    return
  }
}

</mosaic_0001>

<sc_bundles>
// kernel: kernel.5.cloned.1.call-start
scs
__scs_entry_jumppad:
0x0: {  	(pc) =	sbr.rel $0x88, $3  }
0x1: {  	(tag) =	ssettag $0x0;
	lr =	simm.s32 $0x1  }
0x2: {  	[smem:$0x3F9B] =	sst lr;
	_ =	strace $0xD0000000  }
0x3: {  	_ = 	snop  }
0x4: {  	_ = 	snop  }
0x5: {  	_ = 	snop  }
0x6: {  	_ = 	snop  }
0x7: {  	_ = 	snop  }
__scs_overlays_trampoline_lowered:
0x8: {  	[smem:$0x3FAA] =	sst s0  }
0x9: {  	[smem:$0x3FAB] =	sst s1  }
0xa: {  	[smem:$0x3FAC] =	sst s2  }
0xb: {  	[smem:$0x3FAD] =	sst s3  }
0xc: {  	[smem:$0x3FAE] =	sst s4  }
0xd: {  	[smem:$0x3FAF] =	sst s5  }
0xe: {  	[smem:$0x3FB0] =	sst s6  }
0xf: {  	[smem:$0x3FB1] =	sst s7  }
0x10: {  	[smem:$0x3FB2] =	sst s8  }
0x11: {  	[smem:$0x3FB3] =	sst s9;
	s0 =	simm.s32 @!p0 $0x0  }
0x12: {  	s1 =	sld [smem:$0x3F99];
	s0 =	simm.s32 @p0 $0x1  }
0x13: {  	[smem:$0x3FB4] =	sst s0;
	s0 =	simm.s32 @!p1 $0x0  }
0x14: {  	s2 =	sld [smem:$0x3F98];
	s0 =	simm.s32 @p1 $0x1  }
0x15: {  	[smem:$0x3FB5] =	sst s0;
	s0 =	simm.s32 @!p2 $0x0  }
0x16: {  	s3 =	sld [smem:$0x3FDB];
	s0 =	simm.s32 @p2 $0x1  }
0x17: {  	s4 =	simm.s32 $0x1BF5;
	[smem:$0x3FB7] =	sst s0  }
0x18: {  	s0 =	sld [smem:$0x3F9A];
	_ =	swait.ge [sflag:s4], $0x0  }
0x19: {  	s7 =	sld [smem:$0x3F9B]  }
0x1a: {  	s8 =	sadd.s32 $0xFFFFE003, lr  }
0x1b: {  	s9 =	sadd.s32 $0xFFFFFEF7, lr;
	s5 =	simm.s32 $0xFFFFFFFF;
	p2 =	slt.u32 s8, $0xFFFFF086  }
0x1c: {  	p1 =	slt.u32 s9, $0xF7A;
	s5 =	simm.s32 @!p2 $0x0  }
0x1d: {  	s5 =	simm.s32 @p1 $0x1;
	p0 =	seq.s32 s7, s2  }
0x1e: {  	s7 =	smul.u32 @!p0 $0xF7A, s2;
	p2 =	seq.s32 @!p0 s5, $0x0  }
0x1f: {  	s9 =	smul.u32 $0xF7A, s1;
	s8 =	simm.s32 @!p0 $0x1BF5;
	p2 =	por !p2, p0  }
0x20: {  	[sflag:s8] =	ssyncset.s32 @!p0 $0xFFFFF086;
	s6 =	sadd.s32 @!p0 s3, s7;
	s7 =	simm.s32 @!p0 $0x108  }
0x21: {  	s3 =	sadd.s32 s3, s9;
	s6 =	sadd.s32 @!p0 $0x88, s6;
	s7 =	simm.s32 @p2 $0x1082  }
0x22: {  	[simem:s7], [sflag:s8] =	dma.local @!p0 [hbm:s6], $0xF7A  }
0x23: {  	s9 =	sor.u32 $0xD0000000, s2;
	s6 =	simm.s32 $0x108;
	_ =	swait.ge @!p0 [sflag:s8], $0x0  }
0x24: {  	s3 =	sadd.s32 $0x88, s3;
	s6 =	simm.s32 @!p1 $0x1082;
	[sflag:s4] =	ssyncset.s32 $0xFFFFF086  }
0x25: {  	[simem:s6], [sflag:s4] =	dma.local [hbm:s3], $0xF7A  }
0x26: {  	[smem:$0x3F9B] =	sst s1;
	(tag) =	ssettag s2;
	_ =	strace s9  }
0x27: {  	s1 =	sld [smem:$0x3FAB]  }
0x28: {  	s2 =	sld [smem:$0x3FAC]  }
0x29: {  	s4 =	sld [smem:$0x3FAE]  }
0x2a: {  	p0 =	seq.s32 s5, $0x0;
	s5 =	sld [smem:$0x3FAF]  }
0x2b: {  	s6 =	sld [smem:$0x3FB0]  }
0x2c: {  	s7 =	sld [smem:$0x3FB1]  }
0x2d: {  	s3 =	simm.s32 $0x108;
	s8 =	sld [smem:$0x3FB2]  }
0x2e: {  	s3 =	simm.s32 @!p0 $0x1082;
	s9 =	sld [smem:$0x3FB3]  }
0x2f: {  	lr =	sadd.s32 s0, s3;
	s0 =	sld [smem:$0x3FAA]  }
0x30: {  	s3 =	sld [smem:$0x3FAD]  }
0x31: {  	[smem:$0x3FB6] =	sst s10  }
0x32: {  	s10 =	sld [smem:$0x3FB4];
	_ =	sdelay $0x3  }
0x33: {  	p0 =	seq.s32 s10, $0x1;
	s10 =	sld [smem:$0x3FB6];
	_ =	sdelay $0x3  }
0x34: {  	[smem:$0x3FB6] =	sst s10  }
0x35: {  	s10 =	sld [smem:$0x3FB5];
	_ =	sdelay $0x3  }
0x36: {  	p1 =	seq.s32 s10, $0x1;
	s10 =	sld [smem:$0x3FB6];
	_ =	sdelay $0x3  }
0x37: {  	[smem:$0x3FB6] =	sst s10  }
0x38: {  	s10 =	sld [smem:$0x3FB7]  }
0x39: {  	_ = 	snop;
	(pc) =	sbr.ind lr, $3  }
0x3a: {  	_ = 	snop  }
0x3b: {  	_ = 	snop  }
0x3c: {  	p2 =	seq.s32 s10, $0x1;
	s10 =	sld [smem:$0x3FB6]  }
0x3d: {  	_ =	shalt  }
0x3e: {  	_ =	shalt  }
0x3f: {  	_ =	shalt  }
0x40: {  	_ =	shalt  }
0x41: {  	_ =	shalt  }
0x42: {  	_ =	shalt  }
0x43: {  	_ =	shalt  }
0x44: {  	_ =	shalt  }
0x45: {  	_ =	shalt  }
0x46: {  	_ =	shalt  }
0x47: {  	_ =	shalt  }
0x48: {  	_ =	shalt  }
0x49: {  	_ =	shalt  }
0x4a: {  	_ =	shalt  }
0x4b: {  	_ =	shalt  }
0x4c: {  	_ =	shalt  }
0x4d: {  	_ =	shalt  }
0x4e: {  	_ =	shalt  }
0x4f: {  	_ =	shalt  }
0x50: {  	_ =	shalt  }
0x51: {  	_ =	shalt  }
0x52: {  	_ =	shalt  }
0x53: {  	_ =	shalt  }
0x54: {  	_ =	shalt  }
0x55: {  	_ =	shalt  }
0x56: {  	_ =	shalt  }
0x57: {  	_ =	shalt  }
0x58: {  	_ =	shalt  }
0x59: {  	_ =	shalt  }
0x5a: {  	_ =	shalt  }
0x5b: {  	_ =	shalt  }
0x5c: {  	_ =	shalt  }
0x5d: {  	_ =	shalt  }
0x5e: {  	_ =	shalt  }
0x5f: {  	_ =	shalt  }
0x60: {  	_ =	shalt  }
0x61: {  	_ =	shalt  }
0x62: {  	_ =	shalt  }
0x63: {  	_ =	shalt  }
0x64: {  	_ =	shalt  }
0x65: {  	_ =	shalt  }
0x66: {  	_ =	shalt  }
0x67: {  	_ =	shalt  }
0x68: {  	_ =	shalt  }
0x69: {  	_ =	shalt  }
0x6a: {  	_ =	shalt  }
0x6b: {  	_ =	shalt  }
0x6c: {  	_ =	shalt  }
0x6d: {  	_ =	shalt  }
0x6e: {  	_ =	shalt  }
0x6f: {  	_ =	shalt  }
0x70: {  	_ =	shalt  }
0x71: {  	_ =	shalt  }
0x72: {  	_ =	shalt  }
0x73: {  	_ =	shalt  }
0x74: {  	_ =	shalt  }
0x75: {  	_ =	shalt  }
0x76: {  	_ =	shalt  }
0x77: {  	_ =	shalt  }
0x78: {  	_ =	shalt  }
0x79: {  	_ =	shalt  }
0x7a: {  	_ =	shalt  }
0x7b: {  	_ =	shalt  }
0x7c: {  	_ =	shalt  }
0x7d: {  	_ =	shalt  }
0x7e: {  	_ =	shalt  }
0x7f: {  	_ =	shalt  }
0x80: {  	_ =	shalt  }
0x81: {  	_ =	shalt  }
0x82: {  	_ =	shalt  }
0x83: {  	_ =	shalt  }
0x84: {  	_ =	shalt  }
0x85: {  	_ =	shalt  }
0x86: {  	_ =	shalt  }
0x87: {  	_ =	shalt  }
.Lfunc_end0:
.L_simem_size_0:
called_computation_lowered:
.L_overlay_start_0:
0x88: {  	s0 =	sld [smem:$0x3FD9]  }
0x89: {  	s1 =	sld [smem:$0x3FFE];
	_ =	sdelay $0x3  }
0x8a: {  	s0 =	sadd.s32 s1, s0  }
0x8b: {  	[smem:$0x3FC2] =	sst s0  }
0x8c: {  	_ = 	snop  }
0x8d: {  	s0 =	sld [smem:$0x3FD0];
	(tm) =	ssettm $0x1  }
0x8e: {  	s16 =	sld [smem:$0x3FFB];
	_ =	sdelay $0x3  }
0x8f: {  	_ =	strace s16  }
0x90: {  	s1 =	sld [smem:$0x3FFC];
	_ =	sdelay $0x3  }
0x91: {  	_ =	strace s1  }
0x92: {  	s1 =	sld [smem:$0x3FFD];
	_ =	sdelay $0x3  }
0x93: {  	_ =	strace s1  }
0x94: {  	_ =	strace $0x8FFFFFFF  }
0x95: {  	s17 =	sld [smem:$0x3FDB];
	_ =	sdelay $0x1  }
0x96: {  	s2 =	simm.s32 $_scs_section_size  }
0x97: {  	s3 =	simm.s32 $_size__tile_overlayer_lowered;
	s4 =	simm.s32 $_tile_overlayer_lowered  }
0x98: {  	s20 =	simm.s32 $0x1BFF;
	s19 =	sshll.u32 s4, $0x1;
	s1 =	sadd.s32 s2, s17  }
0x99: {  	s5 =	simm.s32 $0x0;
	s18 =	sshll.u32 s3, $0x1;
	s3 =	sadd.s32 s19, s1  }
0x9a: {  	[timem:s5], [sflag:s20] =	dma.local [hbm:s3], s18  }
0x9b: {  	_ =	swait.ge [sflag:s20], s18  }
0x9c: {  	s2 =	ssub.s32 $0x0, s18;
	[sflag:s20] =	ssyncset.done $0x0  }
0x9d: {  	[sflag:s20] =	ssyncadd.s32 s2;
	_ =	sdelay $0x1  }
0x9e: {  	s21 =	simm.s32 $0x1B8B  }
0x9f: {  	_ =	swait.ge [sflag:s21], $0x1  }
0xa0: {  	[sflag:s21] =	ssyncset.done $0x0  }
0xa1: {  	s23 =	simm.s32 $0x1B8E;
	s22 =	sld [smem:$0x3FFE];
	[sflag:s21] =	ssyncadd.s32 $0xFFFFFFFF  }
0xa2: {  	s24 =	simm.s32 $execute0_lowered;
	[smem:$0x3FD2] =	sst s23  }
0xa3: {  	s3 =	sshll.u32 s24, $0x1;
	_ =	strace $0x80000046;
	[dreg:$0x1] =	wrdreg $0xFFFFFFFF  }
0xa4: {  	s25 =	simm.s32 $_size_execute0_lowered;
	s1 =	sadd.s32 s1, s3;
	[dreg:$0x0] =	wrdreg $0x0  }
0xa5: {  	s3 =	sshll.u32 s25, $0x1;
	[dreg:$0x2] =	wrdreg s1  }
0xa6: {  	[dreg:$0x3] =	wrdreg s3  }
0xa7: {  	[dreg:$0x4] =	wrdreg $0xC0  }
0xa8: {  	_ =	task [dreg:s5], $0x5FFFF  }
0xa9: {  	[dreg:$0x1] =	wrdreg $0xFFFFFFFF  }
0xaa: {  	[dreg:$0x0] =	wrdreg $0x60  }
0xab: {  	[dreg:$0x2] =	wrdreg s22  }
0xac: {  	[dreg:$0x3] =	wrdreg s0  }
0xad: {  	[dreg:$0x4] =	wrdreg $0x0  }
0xae: {  	[dreg:$0x5] =	wrdreg $0x28000  }
0xaf: {  	[dreg:$0x6] =	wrdreg $0x9  }
0xb0: {  	_ =	task.clear_ibuf [dreg:s5], $0x7FFFF;
	_ =	strace $0x90000046  }
0xb1: {  	s26 =	simm.s32 $0x9;
	_ =	strace $0x80000048  }
0xb2: {  	_ =	swait.ge [sflag:s26], $0x1  }
0xb3: {  	[sflag:s26] =	ssyncadd.s32 $0xFFFFFFFF  }
0xb4: {  	_ =	strace $0x90000048  }
0xb5: {  	_ =	sfence  }
0xb6: {  	s28 =	sld [smem:$0x0];
	_ =	sdelay $0x1  }
0xb7: {  	s29 =	srdreg.scid  }
0xb8: {  	s30 =	sshll.u32 s29, $0xD;
	s31 =	sshrl.u32 s29, $0x2  }
0xb9: {  	s2 =	sand.u32 $0x4000, s30;
	s1 =	sand.u32 $0x1, s29;
	s0 =	sadd.s32 s31, s28  }
0xba: {  	s1 =	sor.u32 s2, s1;
	s0 =	sshll.u32 s0, $0x11  }
0xbb: {  	s0 =	sor.u32 s0, s1  }
0xbc: {  	s0 =	sadd.s32 $0x8F2B, s0  }
0xbd: {  	[sflag:s0] =	ssyncadd.remote.s32 $0x1  }
0xbe: {  	_ =	sfence.sel $0xFFFF  }
0xbf: {  	[dreg:$0x0] =	wrdreg $0xFFFFFFFF;
	(pc) =	sbr.abs _section_cstart, $3  }
0xc0: {  	[dreg:$0x1] =	wrdreg $0xFFFFFFFF  }
0xc1: {  	_ =	task.clear_ibuf [dreg:s5], $0x2FFFF;
	_ =	strace $0x9FFFFFFF  }
0xc2: {  	(tm) =	ssettm $0x7FFFFFFF  }
0xc3: {  	_ =	shalt  }
tec
execute0_lowered:
.L_overlay_start_1:
0x0: {  	(tag) =	ssettag $0x1  }
0x1: {  	s3 =	rddreg [dreg:$0x0]  }
0x2: {  	s2 =	rddreg [dreg:$0x1]  }
0x3: {  	s4 =	rddreg [dreg:$0x2]  }
0x4: {  	s5 =	rddreg [dreg:$0x3];
	s1 =	stileid.u32  }
0x5: {  	s0 =	rddreg [dreg:$0x4];
	s6 =	simm.s32 $0x0;
	s8 =	smul.u32 $0xA00, s1  }
0x6: {  	s7 =	simm.s32 $0x5000;
	[smem:$0x7FF] =	sst s6  }
0x7: {  	s9 =	simm.s32 $0x5;
	_ =	strace $0x80000047;
	s2 =	sadd.s32 s2, s8  }
0x8: {  	[tilespmem:s7], [sflag:$0x5] =	stream.linear.gather [hbm4b:s2+s6], $0x5000, $0x38;
	[tilespmem:$0x1E800] =	vst v63  }
0x9: {  	_ =	swait.ge [sflag:s9], $0x5000  }
0xa: {  	s30 =	simm.s32 $0xA000;
	s29 =	sadd.s32 s8, s3;
	[sflag:s9] =	ssyncset.done $0x0  }
0xb: {  	s7 =	smul.u32 $0x2800, s1;
	s2 =	sadd.s32 $0x5600, s29;
	[sflag:s9] =	ssyncadd.s32 $0xFFFFB000  }
0xc: {  	[tilespmem:s30], [sflag:$0x5] =	stream.linear.gather [hbm4b:s2+s6], $0x5000, $0x38;
	[tilespmem:$0x1E800] =	vst v63  }
0xd: {  	s2 =	sshrl.u32 s7, $0x3;
	_ =	swait.ge [sflag:s9], $0x5000  }
0xe: {  	s31 =	sadd.s32 s2, s3;
	[sflag:s9] =	ssyncset.done $0x0  }
0xf: {  	s10 =	simm.s32 $0x1C000;
	s8 =	sadd.s32 $0x600, s31;
	[sflag:s9] =	ssyncadd.s32 $0xFFFFB000  }
0x10: {  	[tilespmem:s10], [sflag:$0x5] =	stream.linear.gather [hbm4b:s8+s6], $0x2800, $0x38;
	[tilespmem:$0x1E800] =	vst v63  }
0x11: {  	_ =	swait.ge [sflag:s9], $0x2800  }
0x12: {  	s3 =	sadd.s32 $0xF600, s3;
	[sflag:s9] =	ssyncset.done $0x0  }
0x13: {  	v0 =	vimm.f32 $1.000000000e+00;
	v1 =	vimm.f32 $0.0e+00;
	s6 =	simm.s32 $0x40;
	s8 =	simm.s32 $0x0;
	[sflag:s9] =	ssyncadd.s32 $0xFFFFD800  }
.LBB2_1:
0x14: {  	p0 =	sne.s32 s6, $0x7FC0;
	[tilespmem:s8+$0xF000] =	vst v0;
	s9 =	smov.u32 s6;
	s6 =	sadd.s32 $0x40, s6  }
.Ltmp0:
0x15: {  	[tilespmem:s8+$0x17000] =	vst v1;
	(pc) =	sbr.rel @p0 .LBB2_1-.Ltmp0, $2  }
0x16: {  	_ =	sdelay $0x2  }
0x17: {  	s8 =	sshra.s32 s9, $0x2  }
0x18: {  	[tilespmem:s8+$0xF000] =	vst v0  }
0x19: {  	[tilespmem:s8+$0x17000] =	vst v1;
	v0 =	vimm.f32 $0.0e+00;
	s6 =	simm.s32 $0x40;
	s8 =	simm.s32 $0x0  }
.LBB2_3:
0x1a: {  	p0 =	sne.s32 s6, $0x1FC0;
	[tilespmem:s8+$0x19000] =	vst v0;
	s8 =	smov.u32 s6;
	s6 =	sadd.s32 $0x40, s6  }
.Ltmp1:
0x1b: {  	(pc) =	sbr.rel @p0 .LBB2_3-.Ltmp1, $2  }
0x1c: {  	_ =	sdelay $0x2  }
0x1d: {  	s8 =	sshra.s32 s8, $0x2  }
0x1e: {  	[tilespmem:s8+$0x19000] =	vst v0;
	s6 =	sadd.s32 s7, s4;
	s29 =	simm.s32 $0x17000;
	s8 =	simm.s32 $0x5  }
0x1f: {  	[spmem:s6] =	stream.linear.scatter [tilespmem:s29], [sflag:$0x5], $0x2800, $0x38;
	[tilespmem:$0x1E800] =	vst v63  }
0x20: {  	_ =	swait.ge [sflag:s8], $0x2800  }
0x21: {  	[sflag:s8] =	ssyncset.done $0x0  }
0x22: {  	s10 =	simm.s32 $0x200;
	[sflag:s8] =	ssyncadd.s32 $0xFFFFD800  }
0x23: {  	s9 =	simm.s32 $0xA000;
	s11 =	simm.s32 $0xF000;
	[bflag:$0x0] =	sbarrier.arrive $0xFFFF  }
0x24: {  	[spmem:s4] =	stream.indirect.scatter.add.f32 [tilespmem:s11], [sflag:$0x3], $0x10, s9, s10, $0xb8;
	[tilespmem:$0x1E800] =	vst v63  }
0x25: {  	s30 =	simm.s32 $0xA200  }
0x26: {  	[spmem:s4] =	stream.indirect.scatter.add.f32 [tilespmem:s11], [sflag:$0x3], $0x10, s30, s10, $0xb8;
	[tilespmem:$0x1E800] =	vst v63  }
0x27: {  	s31 =	simm.s32 $0xA400  }
0x28: {  	[spmem:s4] =	stream.indirect.scatter.add.f32 [tilespmem:s11], [sflag:$0x3], $0x10, s31, s10, $0xb8;
	[tilespmem:$0x1E800] =	vst v63  }
0x29: {  	s12 =	simm.s32 $0xA600  }
0x2a: {  	[spmem:s4] =	stream.indirect.scatter.add.f32 [tilespmem:s11], [sflag:$0x3], $0x10, s12, s10, $0xb8;
	[tilespmem:$0x1E800] =	vst v63  }
0x2b: {  	s13 =	simm.s32 $0xA800  }
0x2c: {  	[spmem:s4] =	stream.indirect.scatter.add.f32 [tilespmem:s11], [sflag:$0x3], $0x10, s13, s10, $0xb8;
	[tilespmem:$0x1E800] =	vst v63  }
0x2d: {  	s14 =	simm.s32 $0xAA00  }
0x2e: {  	[spmem:s4] =	stream.indirect.scatter.add.f32 [tilespmem:s11], [sflag:$0x3], $0x10, s14, s10, $0xb8;
	[tilespmem:$0x1E800] =	vst v63  }
0x2f: {  	s15 =	simm.s32 $0xAC00  }
0x30: {  	[spmem:s4] =	stream.indirect.scatter.add.f32 [tilespmem:s11], [sflag:$0x3], $0x10, s15, s10, $0xb8;
	[tilespmem:$0x1E800] =	vst v63  }
0x31: {  	s16 =	simm.s32 $0xAE00;
	s9 =	simm.s32 $0x3  }
0x32: {  	[spmem:s4] =	stream.indirect.scatter.add.f32 [tilespmem:s11], [sflag:$0x3], $0x10, s16, s10, $0xb8;
	[tilespmem:$0x1E800] =	vst v63  }
0x33: {  	_ =	swait.ge [sflag:s9], $0x2000  }
0x34: {  	[sflag:s9] =	ssyncset.done $0x0  }
0x35: {  	[sflag:s9] =	ssyncadd.s32 $0xFFFFE000  }
0x36: {  	_ =	swait.ge [sflag:s9], $0x2000  }
0x37: {  	[sflag:s9] =	ssyncset.done $0x0  }
0x38: {  	[sflag:s9] =	ssyncadd.s32 $0xFFFFE000  }
0x39: {  	_ =	swait.ge [sflag:s9], $0x2000  }
0x3a: {  	[sflag:s9] =	ssyncset.done $0x0  }
0x3b: {  	[sflag:s9] =	ssyncadd.s32 $0xFFFFE000  }
0x3c: {  	_ =	swait.ge [sflag:s9], $0x2000  }
0x3d: {  	[sflag:s9] =	ssyncset.done $0x0  }
0x3e: {  	[sflag:s9] =	ssyncadd.s32 $0xFFFFE000  }
0x3f: {  	_ =	swait.ge [sflag:s9], $0x2000  }
0x40: {  	[sflag:s9] =	ssyncset.done $0x0  }
0x41: {  	[sflag:s9] =	ssyncadd.s32 $0xFFFFE000  }
0x42: {  	_ =	swait.ge [sflag:s9], $0x2000  }
0x43: {  	[sflag:s9] =	ssyncset.done $0x0  }
0x44: {  	[sflag:s9] =	ssyncadd.s32 $0xFFFFE000  }
0x45: {  	_ =	swait.ge [sflag:s9], $0x2000  }
0x46: {  	[sflag:s9] =	ssyncset.done $0x0  }
0x47: {  	[sflag:s9] =	ssyncadd.s32 $0xFFFFE000  }
0x48: {  	_ =	swait.ge [sflag:s9], $0x2000  }
0x49: {  	[sflag:s9] =	ssyncset.done $0x0  }
0x4a: {  	s12 =	simm.s32 $0xB000;
	[sflag:s9] =	ssyncadd.s32 $0xFFFFE000  }
0x4b: {  	[spmem:s4] =	stream.indirect.scatter.add.f32 [tilespmem:s11], [sflag:$0x3], $0x10, s12, s10, $0xb8;
	[tilespmem:$0x1E800] =	vst v63  }
0x4c: {  	s17 =	simm.s32 $0xB200  }
0x4d: {  	[spmem:s4] =	stream.indirect.scatter.add.f32 [tilespmem:s11], [sflag:$0x3], $0x10, s17, s10, $0xb8;
	[tilespmem:$0x1E800] =	vst v63  }
0x4e: {  	s18 =	simm.s32 $0xB400  }
0x4f: {  	[spmem:s4] =	stream.indirect.scatter.add.f32 [tilespmem:s11], [sflag:$0x3], $0x10, s18, s10, $0xb8;
	[tilespmem:$0x1E800] =	vst v63  }
0x50: {  	s19 =	simm.s32 $0xB600  }
0x51: {  	[spmem:s4] =	stream.indirect.scatter.add.f32 [tilespmem:s11], [sflag:$0x3], $0x10, s19, s10, $0xb8;
	[tilespmem:$0x1E800] =	vst v63  }
0x52: {  	s20 =	simm.s32 $0xB800  }
0x53: {  	[spmem:s4] =	stream.indirect.scatter.add.f32 [tilespmem:s11], [sflag:$0x3], $0x10, s20, s10, $0xb8;
	[tilespmem:$0x1E800] =	vst v63  }
0x54: {  	s21 =	simm.s32 $0xBA00  }
0x55: {  	[spmem:s4] =	stream.indirect.scatter.add.f32 [tilespmem:s11], [sflag:$0x3], $0x10, s21, s10, $0xb8;
	[tilespmem:$0x1E800] =	vst v63  }
0x56: {  	s22 =	simm.s32 $0xBC00  }
0x57: {  	[spmem:s4] =	stream.indirect.scatter.add.f32 [tilespmem:s11], [sflag:$0x3], $0x10, s22, s10, $0xb8;
	[tilespmem:$0x1E800] =	vst v63  }
0x58: {  	s23 =	simm.s32 $0xBE00  }
0x59: {  	[spmem:s4] =	stream.indirect.scatter.add.f32 [tilespmem:s11], [sflag:$0x3], $0x10, s23, s10, $0xb8;
	[tilespmem:$0x1E800] =	vst v63  }
0x5a: {  	_ =	swait.ge [sflag:s9], $0x2000  }
0x5b: {  	[sflag:s9] =	ssyncset.done $0x0  }
0x5c: {  	[sflag:s9] =	ssyncadd.s32 $0xFFFFE000  }
0x5d: {  	_ =	swait.ge [sflag:s9], $0x2000  }
0x5e: {  	[sflag:s9] =	ssyncset.done $0x0  }
0x5f: {  	[sflag:s9] =	ssyncadd.s32 $0xFFFFE000  }
0x60: {  	_ =	swait.ge [sflag:s9], $0x2000  }
0x61: {  	[sflag:s9] =	ssyncset.done $0x0  }
0x62: {  	[sflag:s9] =	ssyncadd.s32 $0xFFFFE000  }
0x63: {  	_ =	swait.ge [sflag:s9], $0x2000  }
0x64: {  	[sflag:s9] =	ssyncset.done $0x0  }
0x65: {  	[sflag:s9] =	ssyncadd.s32 $0xFFFFE000  }
0x66: {  	_ =	swait.ge [sflag:s9], $0x2000  }
0x67: {  	[sflag:s9] =	ssyncset.done $0x0  }
0x68: {  	[sflag:s9] =	ssyncadd.s32 $0xFFFFE000  }
0x69: {  	_ =	swait.ge [sflag:s9], $0x2000  }
0x6a: {  	[sflag:s9] =	ssyncset.done $0x0  }
0x6b: {  	[sflag:s9] =	ssyncadd.s32 $0xFFFFE000  }
0x6c: {  	_ =	swait.ge [sflag:s9], $0x2000  }
0x6d: {  	[sflag:s9] =	ssyncset.done $0x0  }
0x6e: {  	[sflag:s9] =	ssyncadd.s32 $0xFFFFE000  }
0x6f: {  	_ =	swait.ge [sflag:s9], $0x2000  }
0x70: {  	[sflag:s9] =	ssyncset.done $0x0  }
0x71: {  	s24 =	simm.s32 $0xC000;
	[sflag:s9] =	ssyncadd.s32 $0xFFFFE000  }
0x72: {  	[spmem:s4] =	stream.indirect.scatter.add.f32 [tilespmem:s11], [sflag:$0x3], $0x10, s24, s10, $0xb8;
	[tilespmem:$0x1E800] =	vst v63  }
0x73: {  	s25 =	simm.s32 $0xC200  }
0x74: {  	[spmem:s4] =	stream.indirect.scatter.add.f32 [tilespmem:s11], [sflag:$0x3], $0x10, s25, s10, $0xb8;
	[tilespmem:$0x1E800] =	vst v63  }
0x75: {  	s26 =	simm.s32 $0xC400  }
0x76: {  	[spmem:s4] =	stream.indirect.scatter.add.f32 [tilespmem:s11], [sflag:$0x3], $0x10, s26, s10, $0xb8;
	[tilespmem:$0x1E800] =	vst v63  }
0x77: {  	s28 =	simm.s32 $0xC600  }
0x78: {  	[spmem:s4] =	stream.indirect.scatter.add.f32 [tilespmem:s11], [sflag:$0x3], $0x10, s28, s10, $0xb8;
	[tilespmem:$0x1E800] =	vst v63  }
0x79: {  	s29 =	simm.s32 $0xC800  }
0x7a: {  	[spmem:s4] =	stream.indirect.scatter.add.f32 [tilespmem:s11], [sflag:$0x3], $0x10, s29, s10, $0xb8;
	[tilespmem:$0x1E800] =	vst v63  }
0x7b: {  	s30 =	simm.s32 $0xCA00  }
0x7c: {  	[spmem:s4] =	stream.indirect.scatter.add.f32 [tilespmem:s11], [sflag:$0x3], $0x10, s30, s10, $0xb8;
	[tilespmem:$0x1E800] =	vst v63  }
0x7d: {  	s31 =	simm.s32 $0xCC00  }
0x7e: {  	[spmem:s4] =	stream.indirect.scatter.add.f32 [tilespmem:s11], [sflag:$0x3], $0x10, s31, s10, $0xb8;
	[tilespmem:$0x1E800] =	vst v63  }
0x7f: {  	s13 =	simm.s32 $0xCE00  }
0x80: {  	[spmem:s4] =	stream.indirect.scatter.add.f32 [tilespmem:s11], [sflag:$0x3], $0x10, s13, s10, $0xb8;
	[tilespmem:$0x1E800] =	vst v63  }
0x81: {  	_ =	swait.ge [sflag:s9], $0x2000  }
0x82: {  	[sflag:s9] =	ssyncset.done $0x0  }
0x83: {  	[sflag:s9] =	ssyncadd.s32 $0xFFFFE000  }
0x84: {  	_ =	swait.ge [sflag:s9], $0x2000  }
0x85: {  	[sflag:s9] =	ssyncset.done $0x0  }
0x86: {  	[sflag:s9] =	ssyncadd.s32 $0xFFFFE000  }
0x87: {  	_ =	swait.ge [sflag:s9], $0x2000  }
0x88: {  	[sflag:s9] =	ssyncset.done $0x0  }
0x89: {  	[sflag:s9] =	ssyncadd.s32 $0xFFFFE000  }
0x8a: {  	_ =	swait.ge [sflag:s9], $0x2000  }
0x8b: {  	[sflag:s9] =	ssyncset.done $0x0  }
0x8c: {  	[sflag:s9] =	ssyncadd.s32 $0xFFFFE000  }
0x8d: {  	_ =	swait.ge [sflag:s9], $0x2000  }
0x8e: {  	[sflag:s9] =	ssyncset.done $0x0  }
0x8f: {  	[sflag:s9] =	ssyncadd.s32 $0xFFFFE000  }
0x90: {  	_ =	swait.ge [sflag:s9], $0x2000  }
0x91: {  	[sflag:s9] =	ssyncset.done $0x0  }
0x92: {  	[sflag:s9] =	ssyncadd.s32 $0xFFFFE000  }
0x93: {  	_ =	swait.ge [sflag:s9], $0x2000  }
0x94: {  	[sflag:s9] =	ssyncset.done $0x0  }
0x95: {  	[sflag:s9] =	ssyncadd.s32 $0xFFFFE000  }
0x96: {  	_ =	swait.ge [sflag:s9], $0x2000  }
0x97: {  	[sflag:s9] =	ssyncset.done $0x0  }
0x98: {  	s14 =	simm.s32 $0xD000;
	[sflag:s9] =	ssyncadd.s32 $0xFFFFE000  }
0x99: {  	[spmem:s4] =	stream.indirect.scatter.add.f32 [tilespmem:s11], [sflag:$0x3], $0x10, s14, s10, $0xb8;
	[tilespmem:$0x1E800] =	vst v63  }
0x9a: {  	s15 =	simm.s32 $0xD200  }
0x9b: {  	[spmem:s4] =	stream.indirect.scatter.add.f32 [tilespmem:s11], [sflag:$0x3], $0x10, s15, s10, $0xb8;
	[tilespmem:$0x1E800] =	vst v63  }
0x9c: {  	s16 =	simm.s32 $0xD400  }
0x9d: {  	[spmem:s4] =	stream.indirect.scatter.add.f32 [tilespmem:s11], [sflag:$0x3], $0x10, s16, s10, $0xb8;
	[tilespmem:$0x1E800] =	vst v63  }
0x9e: {  	s17 =	simm.s32 $0xD600  }
0x9f: {  	[spmem:s4] =	stream.indirect.scatter.add.f32 [tilespmem:s11], [sflag:$0x3], $0x10, s17, s10, $0xb8;
	[tilespmem:$0x1E800] =	vst v63  }
0xa0: {  	s18 =	simm.s32 $0xD800  }
0xa1: {  	[spmem:s4] =	stream.indirect.scatter.add.f32 [tilespmem:s11], [sflag:$0x3], $0x10, s18, s10, $0xb8;
	[tilespmem:$0x1E800] =	vst v63  }
0xa2: {  	s19 =	simm.s32 $0xDA00  }
0xa3: {  	[spmem:s4] =	stream.indirect.scatter.add.f32 [tilespmem:s11], [sflag:$0x3], $0x10, s19, s10, $0xb8;
	[tilespmem:$0x1E800] =	vst v63  }
0xa4: {  	s20 =	simm.s32 $0xDC00  }
0xa5: {  	[spmem:s4] =	stream.indirect.scatter.add.f32 [tilespmem:s11], [sflag:$0x3], $0x10, s20, s10, $0xb8;
	[tilespmem:$0x1E800] =	vst v63  }
0xa6: {  	s21 =	simm.s32 $0xDE00  }
0xa7: {  	[spmem:s4] =	stream.indirect.scatter.add.f32 [tilespmem:s11], [sflag:$0x3], $0x10, s21, s10, $0xb8;
	[tilespmem:$0x1E800] =	vst v63  }
0xa8: {  	_ =	swait.ge [sflag:s9], $0x2000  }
0xa9: {  	[sflag:s9] =	ssyncset.done $0x0  }
0xaa: {  	[sflag:s9] =	ssyncadd.s32 $0xFFFFE000  }
0xab: {  	_ =	swait.ge [sflag:s9], $0x2000  }
0xac: {  	[sflag:s9] =	ssyncset.done $0x0  }
0xad: {  	[sflag:s9] =	ssyncadd.s32 $0xFFFFE000  }
0xae: {  	_ =	swait.ge [sflag:s9], $0x2000  }
0xaf: {  	[sflag:s9] =	ssyncset.done $0x0  }
0xb0: {  	[sflag:s9] =	ssyncadd.s32 $0xFFFFE000  }
0xb1: {  	_ =	swait.ge [sflag:s9], $0x2000  }
0xb2: {  	[sflag:s9] =	ssyncset.done $0x0  }
0xb3: {  	[sflag:s9] =	ssyncadd.s32 $0xFFFFE000  }
0xb4: {  	_ =	swait.ge [sflag:s9], $0x2000  }
0xb5: {  	[sflag:s9] =	ssyncset.done $0x0  }
0xb6: {  	[sflag:s9] =	ssyncadd.s32 $0xFFFFE000  }
0xb7: {  	_ =	swait.ge [sflag:s9], $0x2000  }
0xb8: {  	[sflag:s9] =	ssyncset.done $0x0  }
0xb9: {  	[sflag:s9] =	ssyncadd.s32 $0xFFFFE000  }
0xba: {  	_ =	swait.ge [sflag:s9], $0x2000  }
0xbb: {  	[sflag:s9] =	ssyncset.done $0x0  }
0xbc: {  	[sflag:s9] =	ssyncadd.s32 $0xFFFFE000  }
0xbd: {  	_ =	swait.ge [sflag:s9], $0x2000  }
0xbe: {  	[sflag:s9] =	ssyncset.done $0x0  }
0xbf: {  	s22 =	simm.s32 $0xE000;
	[sflag:s9] =	ssyncadd.s32 $0xFFFFE000  }
0xc0: {  	[spmem:s4] =	stream.indirect.scatter.add.f32 [tilespmem:s11], [sflag:$0x3], $0x10, s22, s10, $0xb8;
	[tilespmem:$0x1E800] =	vst v63  }
0xc1: {  	s23 =	simm.s32 $0xE200  }
0xc2: {  	[spmem:s4] =	stream.indirect.scatter.add.f32 [tilespmem:s11], [sflag:$0x3], $0x10, s23, s10, $0xb8;
	[tilespmem:$0x1E800] =	vst v63  }
0xc3: {  	s24 =	simm.s32 $0xE400  }
0xc4: {  	[spmem:s4] =	stream.indirect.scatter.add.f32 [tilespmem:s11], [sflag:$0x3], $0x10, s24, s10, $0xb8;
	[tilespmem:$0x1E800] =	vst v63  }
0xc5: {  	s25 =	simm.s32 $0xE600  }
0xc6: {  	[spmem:s4] =	stream.indirect.scatter.add.f32 [tilespmem:s11], [sflag:$0x3], $0x10, s25, s10, $0xb8;
	[tilespmem:$0x1E800] =	vst v63  }
0xc7: {  	s26 =	simm.s32 $0xE800  }
0xc8: {  	[spmem:s4] =	stream.indirect.scatter.add.f32 [tilespmem:s11], [sflag:$0x3], $0x10, s26, s10, $0xb8;
	[tilespmem:$0x1E800] =	vst v63  }
0xc9: {  	s28 =	simm.s32 $0xEA00  }
0xca: {  	[spmem:s4] =	stream.indirect.scatter.add.f32 [tilespmem:s11], [sflag:$0x3], $0x10, s28, s10, $0xb8;
	[tilespmem:$0x1E800] =	vst v63  }
0xcb: {  	s29 =	simm.s32 $0xEC00  }
0xcc: {  	[spmem:s4] =	stream.indirect.scatter.add.f32 [tilespmem:s11], [sflag:$0x3], $0x10, s29, s10, $0xb8;
	[tilespmem:$0x1E800] =	vst v63  }
0xcd: {  	s30 =	simm.s32 $0xEE00  }
0xce: {  	[spmem:s4] =	stream.indirect.scatter.add.f32 [tilespmem:s11], [sflag:$0x3], $0x10, s30, s10, $0xb8;
	[tilespmem:$0x1E800] =	vst v63  }
0xcf: {  	_ =	swait.ge [sflag:s9], $0x2000  }
0xd0: {  	[sflag:s9] =	ssyncset.done $0x0  }
0xd1: {  	[sflag:s9] =	ssyncadd.s32 $0xFFFFE000  }
0xd2: {  	_ =	swait.ge [sflag:s9], $0x2000  }
0xd3: {  	[sflag:s9] =	ssyncset.done $0x0  }
0xd4: {  	[sflag:s9] =	ssyncadd.s32 $0xFFFFE000  }
0xd5: {  	_ =	swait.ge [sflag:s9], $0x2000  }
0xd6: {  	[sflag:s9] =	ssyncset.done $0x0  }
0xd7: {  	[sflag:s9] =	ssyncadd.s32 $0xFFFFE000  }
0xd8: {  	_ =	swait.ge [sflag:s9], $0x2000  }
0xd9: {  	[sflag:s9] =	ssyncset.done $0x0  }
0xda: {  	[sflag:s9] =	ssyncadd.s32 $0xFFFFE000  }
0xdb: {  	_ =	swait.ge [sflag:s9], $0x2000  }
0xdc: {  	[sflag:s9] =	ssyncset.done $0x0  }
0xdd: {  	[sflag:s9] =	ssyncadd.s32 $0xFFFFE000  }
0xde: {  	_ =	swait.ge [sflag:s9], $0x2000  }
0xdf: {  	[sflag:s9] =	ssyncset.done $0x0  }
0xe0: {  	[sflag:s9] =	ssyncadd.s32 $0xFFFFE000  }
0xe1: {  	_ =	swait.ge [sflag:s9], $0x2000  }
0xe2: {  	[sflag:s9] =	ssyncset.done $0x0  }
0xe3: {  	[sflag:s9] =	ssyncadd.s32 $0xFFFFE000  }
0xe4: {  	_ =	swait.ge [sflag:s9], $0x2000  }
0xe5: {  	[sflag:s9] =	ssyncset.done $0x0  }
0xe6: {  	[sflag:s9] =	ssyncadd.s32 $0xFFFFE000  }
0xe7: {  	s31 =	simm.s32 $0x19800;
	[bflag:$0x0] =	sbarrier.arrive $0xFFFF  }
0xe8: {  	[tilespmem:s31], [sflag:$0x5] =	stream.linear.gather [spmem:s6], $0x2800, $0x38;
	[tilespmem:$0x1E800] =	vst v63  }
0xe9: {  	_ =	swait.ge [sflag:s8], $0x2800  }
0xea: {  	[sflag:s8] =	ssyncset.done $0x0  }
0xeb: {  	s16 =	simm.s32 $0x0;
	[sflag:s8] =	ssyncadd.s32 $0xFFFFD800  }
0xec: {  	v6 =	vld [tilespmem:s16+$0x19800];
	_ =	sdelay $0x3  }
0xed: {  	s15 =	simm.s32 $0x10  }
0xee: {  	v7 =	vld [tilespmem:s15+$0x19800];
	v0 =	vshra.s32 v6, $0x1;
	v2 =	vmul.f32 $5.000000000e-01, v6  }
0xef: {  	v0 =	vsub.s32 $0x5F3759DF, v0  }
0xf0: {  	v1 =	vmul.f32 v0, v2  }
0xf1: {  	s13 =	simm.s32 $0x20  }
0xf2: {  	v5 =	vld [tilespmem:s13+$0x19800];
	v1 =	vmul.f32 v0, v1  }
0xf3: {  	v3 =	vshra.s32 v7, $0x1;
	v10 =	vmul.f32 $5.000000000e-01, v7  }
0xf4: {  	v3 =	vsub.s32 $0x5F3759DF, v3;
	v1 =	vsub.f32 $1.500000000e+00, v1  }
0xf5: {  	v4 =	vmul.f32 v3, v10  }
0xf6: {  	s11 =	simm.s32 $0x30;
	v0 =	vmul.f32 v0, v1  }
0xf7: {  	v8 =	vshra.s32 v5, $0x1;
	v12 =	vmul.f32 $5.000000000e-01, v5;
	v1 =	vmul.f32 v3, v4;
	v4 =	vld [tilespmem:s11+$0x19800]  }
0xf8: {  	v8 =	vsub.s32 $0x5F3759DF, v8;
	v9 =	vmul.f32 v0, v2  }
0xf9: {  	v11 =	vmul.f32 v8, v12;
	v1 =	vsub.f32 $1.500000000e+00, v1  }
0xfa: {  	v9 =	vmul.f32 v9, v0  }
0xfb: {  	v1 =	vmul.f32 v3, v1;
	v3 =	vmul.f32 v8, v11  }
0xfc: {  	s9 =	simm.s32 $0x40;
	v11 =	vshra.s32 v4, $0x1;
	v17 =	vmul.f32 $5.000000000e-01, v4;
	v9 =	vsub.f32 $1.500000000e+00, v9  }
0xfd: {  	v13 =	vmul.f32 v1, v10;
	v14 =	vsub.f32 $1.500000000e+00, v3;
	v15 =	vsub.s32 $0x5F3759DF, v11;
	v3 =	vld [tilespmem:s9+$0x19800]  }
0xfe: {  	v16 =	vmul.f32 v9, v0;
	v0 =	vmul.f32 v15, v17  }
0xff: {  	v9 =	vmul.f32 v13, v1;
	v8 =	vmul.f32 v8, v14  }
0x100: {  	v0 =	vmul.f32 v15, v0  }
0x101: {  	v9 =	vsub.f32 $1.500000000e+00, v9;
	v14 =	vmul.f32 v8, v12  }
0x102: {  	v13 =	vmul.f32 v16, v2;
	v11 =	vmul.f32 $5.000000000e-01, v3;
	v0 =	vsub.f32 $1.500000000e+00, v0  }
0x103: {  	s8 =	simm.s32 $0x50;
	v18 =	vshra.s32 v3, $0x1;
	v19 =	vmul.f32 v9, v1;
	v9 =	vmul.f32 v14, v8  }
0x104: {  	v14 =	vsub.s32 $0x5F3759DF, v18;
	v1 =	vld [tilespmem:s8+$0x19800];
	v13 =	vmul.f32 v13, v16;
	v15 =	vmul.f32 v15, v0  }
0x105: {  	v0 =	vmul.f32 v14, v11;
	v18 =	vmul.f32 v19, v10  }
0x106: {  	v9 =	vsub.f32 $1.500000000e+00, v9;
	v13 =	vsub.f32 $1.500000000e+00, v13;
	v20 =	vmul.f32 v15, v17  }
0x107: {  	v0 =	vmul.f32 v14, v0;
	v18 =	vmul.f32 v18, v19  }
0x108: {  	v21 =	vmul.f32 v9, v8;
	v13 =	vmul.f32 v13, v16  }
0x109: {  	v8 =	vshra.s32 v1, $0x1;
	v9 =	vmul.f32 $5.000000000e-01, v1;
	v0 =	vsub.f32 $1.500000000e+00, v0  }
0x10a: {  	v20 =	vmul.f32 v20, v15;
	v22 =	vsub.s32 $0x5F3759DF, v8;
	v2 =	vmul.f32 v13, v2  }
0x10b: {  	v23 =	vmul.f32 v21, v12;
	v18 =	vsub.f32 $1.500000000e+00, v18;
	v8 =	vmul.f32 v22, v9  }
0x10c: {  	s10 =	simm.s32 $0x60;
	v14 =	vmul.f32 v14, v0;
	v20 =	vsub.f32 $1.500000000e+00, v20;
	v2 =	vmul.f32 v2, v13  }
0x10d: {  	v0 =	vld [tilespmem:s10+$0x19800];
	v18 =	vmul.f32 v18, v19;
	v8 =	vmul.f32 v22, v8  }
0x10e: {  	v16 =	vmul.f32 v14, v11;
	v15 =	vmul.f32 v20, v15  }
0x10f: {  	s12 =	simm.s32 $0x70;
	v23 =	vmul.f32 v23, v21;
	v26 =	vsub.f32 $1.500000000e+00, v2;
	v10 =	vmul.f32 v18, v10  }
0x110: {  	v2 =	vld [tilespmem:s12+$0x19800];
	v20 =	vsub.f32 $1.500000000e+00, v8;
	v16 =	vmul.f32 v16, v14;
	v25 =	vmul.f32 v15, v17  }
0x111: {  	vm0 =	vgt.f32 v6, $0.0e+00;
	v13 =	vmul.f32 v26, v13;
	v10 =	vmul.f32 v10, v18  }
0x112: {  	v24 =	vshra.s32 v0, $0x1;
	v8 =	vmul.f32 $5.000000000e-01, v0;
	v20 =	vmul.f32 v22, v20  }
0x113: {  	v22 =	vsub.s32 $0x5F3759DF, v24;
	v16 =	vsub.f32 $1.500000000e+00, v16;
	v25 =	vmul.f32 v25, v15  }
0x114: {  	v29 =	vnsel vm0, $0x0, v13;
	v24 =	vmul.f32 v22, v8;
	v19 =	vmul.f32 v20, v9  }
0x115: {  	v13 =	vmul.f32 $5.000000000e-01, v2;
	v27 =	vmul.f32 v16, v14;
	v14 =	vsub.f32 $1.500000000e+00, v23  }
0x116: {  	v10 =	vsub.f32 $1.500000000e+00, v10;
	v24 =	vmul.f32 v22, v24;
	v16 =	vmul.f32 v19, v20  }
0x117: {  	v23 =	vmul.f32 v27, v11;
	v21 =	vmul.f32 v14, v21;
	v14 =	vshra.s32 v2, $0x1  }
0x118: {  	v10 =	vmul.f32 v10, v18;
	v19 =	vsub.f32 $1.500000000e+00, v24;
	v24 =	vsub.s32 $0x5F3759DF, v14  }
0x119: {  	v16 =	vsub.f32 $1.500000000e+00, v16;
	v28 =	vmul.f32 v24, v13;
	v23 =	vmul.f32 v23, v27  }
0x11a: {  	v22 =	vmul.f32 v22, v19;
	v19 =	vmul.f32 v29, v29  }
0x11b: {  	s14 =	simm.s32 $0x80;
	vm0 =	vgt.f32 v7, $0.0e+00;
	v12 =	vmul.f32 v21, v12;
	v14 =	vmul.f32 v16, v20  }
0x11c: {  	v20 =	vsub.f32 $1.500000000e+00, v25;
	v16 =	vmul.f32 v19, v6;
	v6 =	vld [tilespmem:s14+$0x19800];
	v19 =	vmul.f32 v24, v28  }
0x11d: {  	v12 =	vmul.f32 v12, v21;
	v23 =	vsub.f32 $1.500000000e+00, v23;
	v26 =	vmul.f32 v22, v8  }
0x11e: {  	v18 =	vmul.f32 v20, v15;
	v16 =	vadd.f32 $1.000000010e-01, v16;
	v19 =	vsub.f32 $1.500000000e+00, v19  }
0x11f: {  	v12 =	vsub.f32 $1.500000000e+00, v12;
	v23 =	vmul.f32 v23, v27;
	v25 =	vmul.f32 v26, v22  }
0x120: {  	(erf) = vrcp.f32 v16;
	v16 =	vmul.f32 v24, v19;
	v19 =	vnsel vm0, $0x0, v10  }
0x121: {  	v15 =	vshra.s32 v6, $0x1;
	v10 =	vmul.f32 $5.000000000e-01, v6;
	v20 =	vmul.f32 v19, v19  }
0x122: {  	v26 =	vmul.f32 v14, v9;
	v17 =	vmul.f32 v18, v17;
	v30 =	vsub.s32 $0x5F3759DF, v15  }
0x123: {  	s17 =	simm.s32 $0x90;
	v25 =	vsub.f32 $1.500000000e+00, v25;
	v28 =	vmul.f32 v30, v10;
	v20 =	vmul.f32 v20, v7  }
0x124: {  	v12 =	vmul.f32 v12, v21;
	v24 =	vmul.f32 v16, v13;
	v7 =	vld [tilespmem:s17+$0x19800]  }
0x125: {  	v15 =	vmul.f32 v25, v22;
	v22 =	vmul.f32 v30, v28;
	v20 =	vadd.f32 $1.000000010e-01, v20  }
0x126: {  	v26 =	vmul.f32 v26, v14;
	v24 =	vmul.f32 v24, v16  }
0x127: {  	v31 =	vld [tilespmem:s16+$0x1C000];
	vm0 =	vgt.f32 v5, $0.0e+00;
	v28 =	vmul.f32 v17, v18;
	v21 =	vsub.f32 $1.500000000e+00, v22  }
0x128: {  	v24 =	vsub.f32 $1.500000000e+00, v24;
	v22 =	vmul.f32 v15, v8;
	(erf) = vrcp.f32 v20  }
0x129: {  	v20 =	vpop (erf);
	v17 =	vmul.f32 v30, v21;
	v21 =	vnsel vm0, $0x0, v12;
	v12 =	vmul.f32 $5.000000000e-01, v7  }
0x12a: {  	v22 =	vmul.f32 v22, v15;
	v27 =	vmul.f32 v20, v29;
	v20 =	vshra.s32 v7, $0x1  }
0x12b: {  	v29 =	vmul.f32 v21, v21;
	v20 =	vsub.s32 $0x5F3759DF, v20;
	v25 =	vmul.f32 v17, v10  }
0x12c: {  	s18 =	simm.s32 $0x280;
	vm0 =	vgt.f32 v4, $0.0e+00;
	v30 =	vmul.f32 v27, v31;
	v27 =	vmul.f32 v20, v12  }
.LBB2_5:
0x12d: {  	s19 =	sshra.s32 s18, $0x2;
	p0 =	sne.s32 s18, $0x9FC0;
	s18 =	sadd.s32 $0x40, s18;
	v31 =	vmul.f32 v24, v16;
	v24 =	vsub.f32 $1.500000000e+00, v28;
	v28 =	vmul.f32 v29, v5;
	v5 =	vmovc v4  }
0x12e: {  	[tilespmem:s16+$0x17000] =	vst v30;
	v4 =	vmovc v3;
	v3 =	vmovc v1;
	v1 =	vmov v0;
	v0 =	vmov v2;
	v2 =	vmov v6;
	s16 =	smov.u32 s15;
	s15 =	smov.u32 s13;
	s13 =	smov.u32 s11  }
0x12f: {  	v26 =	vsub.f32 $1.500000000e+00, v26;
	v29 =	vmul.f32 v23, v11;
	v6 =	vmovc v7;
	v16 =	vmovc v17;
	s11 =	smov.u32 s9;
	s9 =	smov.u32 s8;
	s8 =	smov.u32 s10;
	v27 =	vmul.f32 v20, v27;
	v7 =	vld [tilespmem:s19+$0x19800]  }
0x130: {  	v11 =	vmovc v9;
	s10 =	smov.u32 s12;
	s12 =	smov.u32 s14;
	s14 =	smov.u32 s17;
	v17 =	vmul.f32 v25, v16;
	v25 =	vmul.f32 v24, v18;
	v30 =	vadd.f32 $1.000000010e-01, v28;
	v32 =	vld [tilespmem:s16+$0x1C000];
	v18 =	vmovc v23  }
0x131: {  	v9 =	vmovc v8;
	v8 =	vmovc v13;
	s17 =	smov.u32 s19;
	v33 =	vmul.f32 v31, v13;
	v27 =	vsub.f32 $1.500000000e+00, v27;
	v28 =	vmul.f32 v29, v18  }
.Ltmp2:
0x132: {  	v23 =	vmul.f32 v26, v14;
	v24 =	vsub.f32 $1.500000000e+00, v17;
	(erf) = vrcp.f32 v30;
	v13 =	vpop (erf);
	(pc) =	sbr.rel @p0 .LBB2_5-.Ltmp2, $4  }
0x133: {  	v14 =	vmovc v15;
	v15 =	vmovc v31;
	v17 =	vmul.f32 v20, v27;
	v20 =	vnsel vm0, $0x0, v25;
	v27 =	vmul.f32 v13, v19  }
0x134: {  	v19 =	vmovc v21;
	v25 =	vshra.s32 v7, $0x1;
	v31 =	vmul.f32 $5.000000000e-01, v7;
	v29 =	vmul.f32 v20, v20;
	v21 =	vmovc v20  }
0x135: {  	v13 =	vmovc v10;
	v10 =	vmovc v12;
	v20 =	vsub.s32 $0x5F3759DF, v25;
	v25 =	vmul.f32 v17, v12;
	v30 =	vmul.f32 v27, v32  }
0x136: {  	v26 =	vmovc v22;
	v22 =	vmul.f32 v33, v15;
	vm0 =	vgt.f32 v4, $0.0e+00;
	v27 =	vmul.f32 v20, v31;
	v12 =	vmovc v31  }
0x137: {  	v5 =	vmul.f32 v29, v5;
	_ =	sdelay $0x1  }
0x138: {  	v28 =	vsub.f32 $1.500000000e+00, v28;
	[tilespmem:s16+$0x17000] =	vst v30;
	v5 =	vadd.f32 $1.000000010e-01, v5  }
0x139: {  	v62 =	vld [tilespmem:s15+$0x1C000]  }
0x13a: {  	v18 =	vmul.f32 v28, v18;
	(erf) = vrcp.f32 v5  }
0x13b: {  	v5 =	vmul.f32 v23, v11;
	v11 =	vpop (erf)  }
0x13c: {  	v18 =	vnsel vm0, $0x0, v18;
	v11 =	vmul.f32 v11, v19  }
0x13d: {  	v19 =	vmul.f32 v18, v18  }
0x13e: {  	v5 =	vmul.f32 v5, v23;
	v11 =	vmul.f32 v11, v62  }
0x13f: {  	v4 =	vmul.f32 v19, v4;
	v19 =	vsub.f32 $1.500000000e+00, v26  }
0x140: {  	v5 =	vsub.f32 $1.500000000e+00, v5;
	[tilespmem:s15+$0x17000] =	vst v11  }
0x141: {  	v4 =	vadd.f32 $1.000000010e-01, v4;
	v11 =	vmul.f32 v19, v14;
	v14 =	vld [tilespmem:s13+$0x1C000]  }
0x142: {  	v5 =	vmul.f32 v5, v23  }
0x143: {  	vm8 =	vgt.f32 v3, $0.0e+00;
	(erf) = vrcp.f32 v4;
	v4 =	vmul.f32 v11, v9;
	v9 =	vpop (erf)  }
0x144: {  	v5 =	vnsel vm8, $0x0, v5;
	v9 =	vmul.f32 v9, v21  }
0x145: {  	v19 =	vmul.f32 v5, v5;
	v4 =	vmul.f32 v4, v11  }
0x146: {  	v9 =	vmul.f32 v9, v14;
	v14 =	vmul.f32 v20, v27  }
0x147: {  	v3 =	vmul.f32 v19, v3;
	v19 =	vsub.f32 $1.500000000e+00, v22  }
0x148: {  	v4 =	vsub.f32 $1.500000000e+00, v4;
	[tilespmem:s13+$0x17000] =	vst v9;
	v9 =	vsub.f32 $1.500000000e+00, v14  }
0x149: {  	v16 =	vmul.f32 v24, v16;
	v63 =	vmul.f32 v25, v17;
	v3 =	vadd.f32 $1.000000010e-01, v3  }
0x14a: {  	v4 =	vmul.f32 v4, v11;
	v14 =	vmul.f32 v19, v15;
	v11 =	vld [tilespmem:s11+$0x1C000]  }
0x14b: {  	vm9 =	vgt.f32 v1, $0.0e+00;
	v15 =	vmul.f32 v16, v13;
	(erf) = vrcp.f32 v3  }
0x14c: {  	v4 =	vnsel vm9, $0x0, v4;
	v3 =	vmul.f32 v20, v9;
	v8 =	vmul.f32 v14, v8;
	v9 =	vpop (erf)  }
0x14d: {  	v9 =	vmul.f32 v9, v18;
	v18 =	vmul.f32 v4, v4  }
0x14e: {  	v15 =	vmul.f32 v15, v16;
	v8 =	vmul.f32 v8, v14  }
0x14f: {  	v19 =	vsub.f32 $1.500000000e+00, v63;
	v9 =	vmul.f32 v9, v11;
	v1 =	vmul.f32 v18, v1  }
0x150: {  	v8 =	vsub.f32 $1.500000000e+00, v8;
	v11 =	vsub.f32 $1.500000000e+00, v15;
	v15 =	vmul.f32 v3, v12  }
0x151: {  	v17 =	vmul.f32 v19, v17;
	[tilespmem:s11+$0x17000] =	vst v9;
	v1 =	vadd.f32 $1.000000010e-01, v1  }
0x152: {  	v8 =	vmul.f32 v8, v14;
	v9 =	vmul.f32 v11, v16;
	v11 =	vld [tilespmem:s9+$0x1C000]  }
0x153: {  	vm10 =	vgt.f32 v0, $0.0e+00;
	v14 =	vmul.f32 v15, v3;
	(erf) = vrcp.f32 v1  }
0x154: {  	v8 =	vnsel vm10, $0x0, v8;
	v1 =	vmul.f32 v17, v10;
	v13 =	vmul.f32 v9, v13;
	v15 =	vpop (erf)  }
0x155: {  	v5 =	vmul.f32 v15, v5;
	v15 =	vmul.f32 v8, v8  }
0x156: {  	v1 =	vmul.f32 v1, v17;
	v13 =	vmul.f32 v13, v9  }
0x157: {  	v14 =	vsub.f32 $1.500000000e+00, v14;
	v0 =	vmul.f32 v15, v0;
	v5 =	vmul.f32 v5, v11  }
0x158: {  	v1 =	vsub.f32 $1.500000000e+00, v1;
	v11 =	vsub.f32 $1.500000000e+00, v13  }
0x159: {  	v3 =	vmul.f32 v14, v3;
	v0 =	vadd.f32 $1.000000010e-01, v0;
	[tilespmem:s9+$0x17000] =	vst v5  }
0x15a: {  	v1 =	vmul.f32 v1, v17;
	v5 =	vmul.f32 v11, v9;
	v9 =	vld [tilespmem:s8+$0x1C000]  }
0x15b: {  	(erf) = vrcp.f32 v0;
	v0 =	vmul.f32 v3, v12  }
0x15c: {  	vm11 =	vgt.f32 v2, $0.0e+00;
	v10 =	vmul.f32 v1, v10;
	v11 =	vpop (erf)  }
0x15d: {  	v5 =	vnsel vm11, $0x0, v5;
	v0 =	vmul.f32 v0, v3;
	v4 =	vmul.f32 v11, v4  }
0x15e: {  	v11 =	vmul.f32 v5, v5;
	v10 =	vmul.f32 v10, v1  }
0x15f: {  	v4 =	vmul.f32 v4, v9  }
0x160: {  	v0 =	vsub.f32 $1.500000000e+00, v0;
	v2 =	vmul.f32 v11, v2;
	v9 =	vsub.f32 $1.500000000e+00, v10  }
0x161: {  	[tilespmem:s8+$0x17000] =	vst v4  }
0x162: {  	v0 =	vmul.f32 v0, v3;
	v2 =	vadd.f32 $1.000000010e-01, v2;
	v1 =	vmul.f32 v9, v1;
	v3 =	vld [tilespmem:s10+$0x1C000]  }
0x163: {  	vm12 =	vgt.f32 v6, $0.0e+00  }
0x164: {  	(erf) = vrcp.f32 v2;
	v2 =	vmul.f32 v0, v12;
	v4 =	vpop (erf);
	v1 =	vnsel vm12, $0x0, v1  }
0x165: {  	v4 =	vmul.f32 v4, v8;
	v8 =	vmul.f32 v1, v1  }
0x166: {  	v2 =	vmul.f32 v2, v0  }
0x167: {  	v3 =	vmul.f32 v4, v3;
	v4 =	vmul.f32 v8, v6;
	_ =	sdelay $0x1  }
0x168: {  	v2 =	vsub.f32 $1.500000000e+00, v2;
	[tilespmem:s10+$0x17000] =	vst v3;
	v3 =	vadd.f32 $1.000000010e-01, v4;
	_ =	sdelay $0x1  }
0x169: {  	v0 =	vmul.f32 v2, v0;
	v2 =	vld [tilespmem:s12+$0x1C000]  }
0x16a: {  	vm13 =	vgt.f32 v7, $0.0e+00  }
0x16b: {  	(erf) = vrcp.f32 v3;
	v0 =	vnsel vm13, $0x0, v0;
	v3 =	vpop (erf)  }
0x16c: {  	v4 =	vmul.f32 v0, v0;
	v3 =	vmul.f32 v3, v5;
	_ =	sdelay $0x1  }
0x16d: {  	v2 =	vmul.f32 v3, v2;
	v3 =	vmul.f32 v4, v7;
	_ =	sdelay $0x1  }
0x16e: {  	[tilespmem:s12+$0x17000] =	vst v2;
	v2 =	vadd.f32 $1.000000010e-01, v3;
	_ =	sdelay $0x1  }
0x16f: {  	v3 =	vld [tilespmem:s14+$0x1C000]  }
0x170: {  	(erf) = vrcp.f32 v2  }
0x171: {  	v2 =	vpop (erf)  }
0x172: {  	v1 =	vmul.f32 v2, v1;
	_ =	sdelay $0x1  }
0x173: {  	v1 =	vmul.f32 v1, v3;
	_ =	sdelay $0x1  }
0x174: {  	[tilespmem:s14+$0x17000] =	vst v1  }
0x175: {  	v1 =	vld [tilespmem:s17+$0x1C000];
	_ =	sdelay $0x1  }
0x176: {  	v2 =	vpop (erf)  }
0x177: {  	v0 =	vmul.f32 v2, v0;
	_ =	sdelay $0x1  }
0x178: {  	v0 =	vmul.f32 v0, v1;
	_ =	sdelay $0x1  }
0x179: {  	s7 =	sadd.s32 s7, s5;
	s30 =	simm.s32 $0x17000;
	s31 =	simm.s32 $0x5;
	[tilespmem:s17+$0x17000] =	vst v0  }
0x17a: {  	[spmem:s7] =	stream.linear.scatter [tilespmem:s30], [sflag:$0x5], $0x2800, $0x38;
	[tilespmem:$0x1E800] =	vst v63  }
0x17b: {  	_ =	swait.ge [sflag:s31], $0x2800  }
0x17c: {  	[sflag:s31] =	ssyncset.done $0x0  }
0x17d: {  	s12 =	simm.s32 $0x0;
	[sflag:s31] =	ssyncadd.s32 $0xFFFFD800  }
0x17e: {  	v4 =	vld [tilespmem:s12+$0x19800];
	_ =	sdelay $0x4  }
0x17f: {  	v0 =	vshra.s32 v4, $0x1;
	v3 =	vmul.f32 $5.000000000e-01, v4  }
0x180: {  	v0 =	vsub.s32 $0x5F3759DF, v0  }
0x181: {  	v1 =	vmul.f32 v0, v3;
	_ =	sdelay $0x1  }
0x182: {  	s9 =	simm.s32 $0x10;
	v1 =	vmul.f32 v0, v1  }
0x183: {  	v2 =	vld [tilespmem:s9+$0x19800]  }
0x184: {  	v1 =	vsub.f32 $1.500000000e+00, v1;
	_ =	sdelay $0x1  }
0x185: {  	v1 =	vmul.f32 v0, v1;
	_ =	sdelay $0x1  }
0x186: {  	v5 =	vmul.f32 $5.000000000e-01, v2;
	v0 =	vshra.s32 v2, $0x1;
	v6 =	vmul.f32 v1, v3  }
0x187: {  	v7 =	vsub.s32 $0x5F3759DF, v0  }
0x188: {  	v0 =	vmul.f32 v7, v5;
	v6 =	vmul.f32 v6, v1;
	_ =	sdelay $0x1  }
0x189: {  	v8 =	vmul.f32 v7, v0;
	v6 =	vsub.f32 $1.500000000e+00, v6  }
0x18a: {  	s8 =	simm.s32 $0x20  }
0x18b: {  	v0 =	vld [tilespmem:s8+$0x19800];
	v8 =	vsub.f32 $1.500000000e+00, v8;
	v6 =	vmul.f32 v6, v1;
	_ =	sdelay $0x1  }
0x18c: {  	v7 =	vmul.f32 v7, v8;
	v1 =	vmul.f32 v6, v3;
	_ =	sdelay $0x1  }
0x18d: {  	v8 =	vmul.f32 v7, v5;
	v1 =	vmul.f32 v1, v6  }
0x18e: {  	v9 =	vshra.s32 v0, $0x1;
	v10 =	vmul.f32 $5.000000000e-01, v0  }
0x18f: {  	v9 =	vsub.s32 $0x5F3759DF, v9;
	v8 =	vmul.f32 v8, v7;
	v11 =	vsub.f32 $1.500000000e+00, v1  }
0x190: {  	v12 =	vmul.f32 v9, v10  }
0x191: {  	v8 =	vsub.f32 $1.500000000e+00, v8;
	v6 =	vmul.f32 v11, v6  }
0x192: {  	s10 =	simm.s32 $0x30;
	v11 =	vmul.f32 v9, v12  }
0x193: {  	v1 =	vld [tilespmem:s10+$0x19800];
	v7 =	vmul.f32 v8, v7;
	v3 =	vmul.f32 v6, v3  }
0x194: {  	v8 =	vsub.f32 $1.500000000e+00, v11  }
0x195: {  	v11 =	vmul.f32 v7, v5;
	v3 =	vmul.f32 v3, v6  }
0x196: {  	v9 =	vmul.f32 v9, v8  }
0x197: {  	v11 =	vmul.f32 v11, v7;
	v3 =	vsub.f32 $1.500000000e+00, v3  }
0x198: {  	v12 =	vshra.s32 v1, $0x1;
	v8 =	vmul.f32 $5.000000000e-01, v1;
	v13 =	vmul.f32 v9, v10  }
0x199: {  	v12 =	vsub.s32 $0x5F3759DF, v12;
	v11 =	vsub.f32 $1.500000000e+00, v11;
	v6 =	vmul.f32 v3, v6  }
0x19a: {  	s11 =	simm.s32 $0x40;
	vm14 =	vgt.f32 v4, $0.0e+00;
	v14 =	vmul.f32 v12, v8;
	v13 =	vmul.f32 v13, v9  }
0x19b: {  	v3 =	vld [tilespmem:s11+$0x19800];
	v11 =	vmul.f32 v11, v7;
	v7 =	vnsel vm14, $0x0, v6  }
0x19c: {  	v14 =	vmul.f32 v12, v14;
	v6 =	vsub.f32 $1.500000000e+00, v13;
	v13 =	vmul.f32 v7, v7  }
0x19d: {  	v5 =	vmul.f32 v11, v5  }
0x19e: {  	v14 =	vsub.f32 $1.500000000e+00, v14;
	v15 =	vmul.f32 v6, v9;
	v9 =	vmul.f32 v13, v4  }
0x19f: {  	v5 =	vmul.f32 v5, v11  }
0x1a0: {  	v13 =	vmul.f32 v12, v14;
	v12 =	vshra.s32 v3, $0x1;
	v18 =	vadd.f32 $1.000000010e-01, v9  }
0x1a1: {  	v6 =	vmul.f32 $5.000000000e-01, v3;
	v14 =	vmul.f32 v15, v10;
	v17 =	vsub.s32 $0x5F3759DF, v12  }
0x1a2: {  	v5 =	vsub.f32 $1.500000000e+00, v5;
	v12 =	vmul.f32 v13, v8;
	(erf) = vrcp.f32 v18  }
0x1a3: {  	v16 =	vmul.f32 v17, v6;
	v14 =	vmul.f32 v14, v15  }
0x1a4: {  	s13 =	simm.s32 $0x50;
	v11 =	vmul.f32 v5, v11;
	v12 =	vmul.f32 v12, v13  }
0x1a5: {  	vm15 =	vgt.f32 v2, $0.0e+00;
	v5 =	vld [tilespmem:s13+$0x19800];
	v14 =	vsub.f32 $1.500000000e+00, v14  }
0x1a6: {  	v16 =	vmul.f32 v17, v16;
	v9 =	vnsel vm15, $0x0, v11;
	v19 =	vsub.f32 $1.500000000e+00, v12  }
0x1a7: {  	v12 =	vmul.f32 v14, v15;
	v14 =	vmul.f32 v9, v9  }
0x1a8: {  	v18 =	vsub.f32 $1.500000000e+00, v16;
	v11 =	vmul.f32 v19, v13  }
0x1a9: {  	v15 =	vmul.f32 v12, v10;
	v14 =	vmul.f32 v14, v2  }
0x1aa: {  	s14 =	simm.s32 $0x180;
	v16 =	vshra.s32 v5, $0x1;
	v13 =	vmul.f32 v17, v18;
	v10 =	vmul.f32 $5.000000000e-01, v5  }
.LBB2_7:
0x1ab: {  	p0 =	sne.s32 s14, $0x9FC0;
	v17 =	vmul.f32 v11, v8;
	v15 =	vmul.f32 v15, v12;
	v14 =	vadd.f32 $1.000000010e-01, v14;
	v18 =	vpop (erf);
	s15 =	smov.u32 s13  }
0x1ac: {  	v19 =	vsub.s32 $0x5F3759DF, v16;
	v16 =	vmul.f32 v13, v6;
	v18 =	vmul.f32 $2.000000030e-01, v18  }
0x1ad: {  	v17 =	vmul.f32 v17, v11;
	v15 =	vsub.f32 $1.500000000e+00, v15;
	(erf) = vrcp.f32 v14;
	v14 =	vld [tilespmem:s12+$0x1C000]  }
0x1ae: {  	v20 =	vmul.f32 v19, v10;
	v18 =	vmul.f32 v18, v4;
	v4 =	vmovc v2;
	v2 =	vmovc v0;
	v0 =	vmov v1  }
0x1af: {  	s13 =	sshra.s32 s14, $0x2;
	v16 =	vmul.f32 v16, v13;
	v1 =	vmovc v3;
	v3 =	vmovc v5;
	v17 =	vsub.f32 $1.500000000e+00, v17;
	v15 =	vmul.f32 v15, v12  }
0x1b0: {  	v20 =	vmul.f32 v19, v20;
	vm0 =	vgt.f32 v2, $0.0e+00;
	v5 =	vld [tilespmem:s13+$0x19800];
	v18 =	vmul.f32 v18, v7;
	v7 =	vmovc v9  }
.Ltmp3:
0x1b1: {  	v16 =	vsub.f32 $1.500000000e+00, v16;
	v12 =	vmul.f32 v17, v11;
	v9 =	vnsel vm0, $0x0, v15;
	(pc) =	sbr.rel @p0 .LBB2_7-.Ltmp3, $4  }
0x1b2: {  	v17 =	vmul.f32 v9, v9;
	v18 =	vmul.f32 v18, v14  }
0x1b3: {  	v20 =	vsub.f32 $1.500000000e+00, v20;
	v11 =	vmul.f32 v16, v13  }
0x1b4: {  	v15 =	vmul.f32 v12, v8;
	v8 =	vmovc v6;
	v6 =	vmov v10;
	v14 =	vmul.f32 v17, v2;
	[tilespmem:s12+$0x17000] =	vst v18;
	s12 =	smov.u32 s9;
	s9 =	smov.u32 s8;
	s8 =	smov.u32 s10  }
0x1b5: {  	s14 =	sadd.s32 $0x40, s14;
	v13 =	vmul.f32 v19, v20;
	s10 =	smov.u32 s11;
	s11 =	smov.u32 s15;
	v16 =	vshra.s32 v5, $0x1;
	v10 =	vmul.f32 $5.000000000e-01, v5  }
0x1b6: {  	v17 =	vmul.f32 v11, v8;
	v16 =	vsub.s32 $0x5F3759DF, v16  }
0x1b7: {  	v18 =	vmul.f32 v13, v6;
	v19 =	vmul.f32 v16, v10  }
0x1b8: {  	v15 =	vmul.f32 v15, v12;
	v17 =	vmul.f32 v17, v11  }
0x1b9: {  	v18 =	vmul.f32 v18, v13;
	v19 =	vmul.f32 v16, v19  }
0x1ba: {  	v20 =	vpop (erf);
	v15 =	vsub.f32 $1.500000000e+00, v15;
	v17 =	vsub.f32 $1.500000000e+00, v17  }
0x1bb: {  	v20 =	vmul.f32 $2.000000030e-01, v20;
	v18 =	vsub.f32 $1.500000000e+00, v18;
	v19 =	vsub.f32 $1.500000000e+00, v19  }
0x1bc: {  	v14 =	vadd.f32 $1.000000010e-01, v14;
	v26 =	vmul.f32 v15, v12;
	v27 =	vmul.f32 v17, v11  }
0x1bd: {  	v28 =	vmul.f32 v18, v13;
	v29 =	vmul.f32 v16, v19  }
0x1be: {  	vm0 =	vgt.f32 v0, $0.0e+00;
	(erf) = vrcp.f32 v14;
	v30 =	vmul.f32 v27, v8  }
0x1bf: {  	v12 =	vnsel vm0, $0x0, v26;
	v31 =	vmul.f32 v28, v6;
	v16 =	vmul.f32 v29, v10  }
0x1c0: {  	v32 =	vmul.f32 v12, v12;
	v8 =	vmul.f32 v30, v27  }
0x1c1: {  	v33 =	vld [tilespmem:s12+$0x1C000];
	v14 =	vmul.f32 v31, v28;
	v16 =	vmul.f32 v16, v29  }
0x1c2: {  	v4 =	vmul.f32 v20, v4;
	v17 =	vmul.f32 v32, v0;
	v8 =	vsub.f32 $1.500000000e+00, v8  }
0x1c3: {  	v14 =	vsub.f32 $1.500000000e+00, v14;
	v16 =	vsub.f32 $1.500000000e+00, v16  }
0x1c4: {  	v4 =	vmul.f32 v4, v7;
	v34 =	vadd.f32 $1.000000010e-01, v17;
	v8 =	vmul.f32 v8, v27  }
0x1c5: {  	v35 =	vmul.f32 v14, v28;
	v36 =	vmul.f32 v16, v29  }
0x1c6: {  	vm13 =	vgt.f32 v1, $0.0e+00;
	v4 =	vmul.f32 v4, v33;
	(erf) = vrcp.f32 v34  }
0x1c7: {  	v37 =	vpop (erf);
	v8 =	vnsel vm13, $0x0, v8;
	v38 =	vmul.f32 v35, v6;
	v39 =	vmul.f32 v36, v10  }
0x1c8: {  	[tilespmem:s12+$0x17000] =	vst v4;
	v40 =	vmul.f32 $2.000000030e-01, v37;
	v41 =	vmul.f32 v8, v8  }
0x1c9: {  	v42 =	vld [tilespmem:s9+$0x1C000];
	v6 =	vmul.f32 v38, v35;
	v14 =	vmul.f32 v39, v36  }
0x1ca: {  	v2 =	vmul.f32 v40, v2;
	v43 =	vmul.f32 v41, v1  }
0x1cb: {  	v6 =	vsub.f32 $1.500000000e+00, v6;
	v44 =	vsub.f32 $1.500000000e+00, v14  }
0x1cc: {  	v2 =	vmul.f32 v2, v9;
	v4 =	vadd.f32 $1.000000010e-01, v43  }
0x1cd: {  	v6 =	vmul.f32 v6, v35;
	v7 =	vmul.f32 v44, v36  }
0x1ce: {  	vm14 =	vgt.f32 v3, $0.0e+00;
	v2 =	vmul.f32 v2, v42;
	(erf) = vrcp.f32 v4  }
0x1cf: {  	v45 =	vpop (erf);
	v6 =	vnsel vm14, $0x0, v6;
	v46 =	vmul.f32 v7, v10  }
0x1d0: {  	[tilespmem:s9+$0x17000] =	vst v2;
	v47 =	vmul.f32 $2.000000030e-01, v45;
	v48 =	vmul.f32 v6, v6  }
0x1d1: {  	v49 =	vld [tilespmem:s8+$0x1C000];
	v9 =	vmul.f32 v46, v7  }
0x1d2: {  	v50 =	vmul.f32 v47, v0;
	v51 =	vmul.f32 v48, v3  }
0x1d3: {  	v52 =	vsub.f32 $1.500000000e+00, v9  }
0x1d4: {  	v0 =	vmul.f32 v50, v12;
	v2 =	vadd.f32 $1.000000010e-01, v51  }
0x1d5: {  	v4 =	vmul.f32 v52, v7  }
0x1d6: {  	vm15 =	vgt.f32 v5, $0.0e+00;
	v0 =	vmul.f32 v0, v49;
	(erf) = vrcp.f32 v2  }
0x1d7: {  	v53 =	vpop (erf);
	v4 =	vnsel vm15, $0x0, v4  }
0x1d8: {  	[tilespmem:s8+$0x17000] =	vst v0;
	v54 =	vmul.f32 $2.000000030e-01, v53;
	v55 =	vmul.f32 v4, v4  }
0x1d9: {  	v56 =	vld [tilespmem:s10+$0x1C000]  }
0x1da: {  	v0 =	vmul.f32 v54, v1;
	v57 =	vmul.f32 v55, v5;
	_ =	sdelay $0x1  }
0x1db: {  	v0 =	vmul.f32 v0, v8;
	v1 =	vadd.f32 $1.000000010e-01, v57;
	_ =	sdelay $0x1  }
0x1dc: {  	v0 =	vmul.f32 v0, v56;
	(erf) = vrcp.f32 v1  }
0x1dd: {  	v58 =	vpop (erf)  }
0x1de: {  	[tilespmem:s10+$0x17000] =	vst v0;
	v59 =	vmul.f32 $2.000000030e-01, v58  }
0x1df: {  	v60 =	vld [tilespmem:s11+$0x1C000]  }
0x1e0: {  	v0 =	vmul.f32 v59, v3;
	_ =	sdelay $0x1  }
0x1e1: {  	v0 =	vmul.f32 v0, v6;
	_ =	sdelay $0x1  }
0x1e2: {  	v0 =	vmul.f32 v0, v60  }
0x1e3: {  	v61 =	vpop (erf)  }
0x1e4: {  	[tilespmem:s11+$0x17000] =	vst v0;
	v62 =	vmul.f32 $2.000000030e-01, v61  }
0x1e5: {  	v63 =	vld [tilespmem:s13+$0x1C000]  }
0x1e6: {  	v0 =	vmul.f32 v62, v5;
	_ =	sdelay $0x1  }
0x1e7: {  	v0 =	vmul.f32 v0, v4;
	_ =	sdelay $0x1  }
0x1e8: {  	v0 =	vmul.f32 v0, v63;
	_ =	sdelay $0x1  }
0x1e9: {  	s23 =	simm.s32 $0x17000;
	s24 =	simm.s32 $0x5;
	[tilespmem:s13+$0x17000] =	vst v0  }
0x1ea: {  	[spmem:s6] =	stream.linear.scatter [tilespmem:s23], [sflag:$0x5], $0x2800, $0x38;
	[tilespmem:$0x1E800] =	vst v63  }
0x1eb: {  	_ =	swait.ge [sflag:s24], $0x2800  }
0x1ec: {  	[sflag:s24] =	ssyncset.done $0x0  }
0x1ed: {  	s25 =	simm.s32 $0x5000;
	[sflag:s24] =	ssyncadd.s32 $0xFFFFD800  }
0x1ee: {  	s8 =	simm.s32 $0x200;
	s11 =	simm.s32 $0xF000;
	[bflag:$0x0] =	sbarrier.arrive $0xFFFF  }
0x1ef: {  	[tilespmem:s11], [sflag:$0x1] =	stream.indirect.gather [spmem:s5], $0x10, s25, s8, $0xb8;
	[tilespmem:$0x1E800] =	vst v63  }
0x1f0: {  	s26 =	simm.s32 $0x5200;
	s12 =	simm.s32 $0x11000  }
0x1f1: {  	[tilespmem:s12], [sflag:$0x1] =	stream.indirect.gather [spmem:s5], $0x10, s26, s8, $0xb8;
	[tilespmem:$0x1E800] =	vst v63  }
0x1f2: {  	s28 =	simm.s32 $0x5400;
	s9 =	simm.s32 $0x13000  }
0x1f3: {  	[tilespmem:s9], [sflag:$0x2] =	stream.indirect.gather [spmem:s5], $0x10, s28, s8, $0xb8;
	[tilespmem:$0x1E800] =	vst v63  }
0x1f4: {  	s14 =	simm.s32 $0x5600;
	s10 =	simm.s32 $0x15000;
	s13 =	simm.s32 $0x1  }
0x1f5: {  	[tilespmem:s10], [sflag:$0x2] =	stream.indirect.gather [spmem:s5], $0x10, s14, s8, $0xb8;
	[tilespmem:$0x1E800] =	vst v63  }
0x1f6: {  	_ =	swait.ge [sflag:s13], $0x2000  }
0x1f7: {  	[sflag:s13] =	ssyncset.done $0x0  }
0x1f8: {  	[sflag:s13] =	ssyncadd.s32 $0xFFFFE000  }
0x1f9: {  	_ =	swait.ge [sflag:s13], $0x2000  }
0x1fa: {  	[sflag:s13] =	ssyncset.done $0x0  }
0x1fb: {  	s29 =	simm.s32 $0xA000;
	[sflag:s13] =	ssyncadd.s32 $0xFFFFE000  }
0x1fc: {  	[spmem:s4] =	stream.indirect.scatter.add.f32 [tilespmem:s11], [sflag:$0x3], $0x10, s29, s8, $0xb8;
	[tilespmem:$0x1E800] =	vst v63  }
0x1fd: {  	s15 =	simm.s32 $0xA200;
	s14 =	simm.s32 $0x3  }
0x1fe: {  	[spmem:s4] =	stream.indirect.scatter.add.f32 [tilespmem:s12], [sflag:$0x3], $0x10, s15, s8, $0xb8;
	[tilespmem:$0x1E800] =	vst v63  }
0x1ff: {  	_ =	swait.ge [sflag:s14], $0x2000  }
0x200: {  	[sflag:s14] =	ssyncset.done $0x0  }
0x201: {  	[sflag:s14] =	ssyncadd.s32 $0xFFFFE000  }
0x202: {  	_ =	swait.ge [sflag:s14], $0x2000  }
0x203: {  	[sflag:s14] =	ssyncset.done $0x0  }
0x204: {  	s30 =	simm.s32 $0x5800;
	[sflag:s14] =	ssyncadd.s32 $0xFFFFE000  }
0x205: {  	[tilespmem:s11], [sflag:$0x1] =	stream.indirect.gather [spmem:s5], $0x10, s30, s8, $0xb8;
	[tilespmem:$0x1E800] =	vst v63  }
0x206: {  	s16 =	simm.s32 $0x5A00;
	s15 =	simm.s32 $0x2  }
0x207: {  	[tilespmem:s12], [sflag:$0x1] =	stream.indirect.gather [spmem:s5], $0x10, s16, s8, $0xb8;
	[tilespmem:$0x1E800] =	vst v63  }
0x208: {  	_ =	swait.ge [sflag:s15], $0x2000  }
0x209: {  	[sflag:s15] =	ssyncset.done $0x0  }
0x20a: {  	[sflag:s15] =	ssyncadd.s32 $0xFFFFE000  }
0x20b: {  	_ =	swait.ge [sflag:s15], $0x2000  }
0x20c: {  	[sflag:s15] =	ssyncset.done $0x0  }
0x20d: {  	s31 =	simm.s32 $0xA400;
	[sflag:s15] =	ssyncadd.s32 $0xFFFFE000  }
0x20e: {  	[spmem:s4] =	stream.indirect.scatter.add.f32 [tilespmem:s9], [sflag:$0x4], $0x10, s31, s8, $0xb8;
	[tilespmem:$0x1E800] =	vst v63  }
0x20f: {  	s17 =	simm.s32 $0xA600;
	s16 =	simm.s32 $0x4  }
0x210: {  	[spmem:s4] =	stream.indirect.scatter.add.f32 [tilespmem:s10], [sflag:$0x4], $0x10, s17, s8, $0xb8;
	[tilespmem:$0x1E800] =	vst v63  }
0x211: {  	_ =	swait.ge [sflag:s16], $0x2000  }
0x212: {  	[sflag:s16] =	ssyncset.done $0x0  }
0x213: {  	[sflag:s16] =	ssyncadd.s32 $0xFFFFE000  }
0x214: {  	_ =	swait.ge [sflag:s16], $0x2000  }
0x215: {  	s20 =	simm.s32 $0x4000;
	s17 =	simm.s32 $0x800;
	[sflag:s16] =	ssyncset.done $0x0  }
.LBB2_9:
0x216: {  	s21 =	sadd.s32 $0x5400, s17  }
0x217: {  	[sflag:s16] =	ssyncadd.s32 $0xFFFFE000;
	s19 =	smov.u32 s20;
	s18 =	sadd.s32 $0x2000, s20  }
0x218: {  	[tilespmem:s9], [sflag:$0x2] =	stream.indirect.gather [spmem:s5], $0x10, s21, s8, $0xb8;
	[tilespmem:$0x1E800] =	vst v63  }
0x219: {  	p0 =	sne.s32 s20, $0x10000;
	s20 =	sadd.s32 $0x5600, s17  }
0x21a: {  	[tilespmem:s10], [sflag:$0x2] =	stream.indirect.gather [spmem:s5], $0x10, s20, s8, $0xb8;
	[tilespmem:$0x1E800] =	vst v63  }
0x21b: {  	_ =	swait.ge [sflag:s13], $0x2000  }
0x21c: {  	[sflag:s13] =	ssyncset.done $0x0  }
0x21d: {  	[sflag:s13] =	ssyncadd.s32 $0xFFFFE000  }
0x21e: {  	_ =	swait.ge [sflag:s13], $0x2000  }
0x21f: {  	[sflag:s13] =	ssyncset.done $0x0  }
0x220: {  	s20 =	sadd.s32 $0xA000, s17;
	[sflag:s13] =	ssyncadd.s32 $0xFFFFE000  }
0x221: {  	[spmem:s4] =	stream.indirect.scatter.add.f32 [tilespmem:s11], [sflag:$0x3], $0x10, s20, s8, $0xb8;
	[tilespmem:$0x1E800] =	vst v63  }
0x222: {  	s20 =	sadd.s32 $0xA200, s17  }
0x223: {  	[spmem:s4] =	stream.indirect.scatter.add.f32 [tilespmem:s12], [sflag:$0x3], $0x10, s20, s8, $0xb8;
	[tilespmem:$0x1E800] =	vst v63  }
0x224: {  	_ =	swait.ge [sflag:s14], $0x2000  }
0x225: {  	[sflag:s14] =	ssyncset.done $0x0  }
0x226: {  	[sflag:s14] =	ssyncadd.s32 $0xFFFFE000  }
0x227: {  	_ =	swait.ge [sflag:s14], $0x2000  }
0x228: {  	[sflag:s14] =	ssyncset.done $0x0  }
0x229: {  	s20 =	sadd.s32 $0x5800, s17;
	[sflag:s14] =	ssyncadd.s32 $0xFFFFE000  }
0x22a: {  	[tilespmem:s11], [sflag:$0x1] =	stream.indirect.gather [spmem:s5], $0x10, s20, s8, $0xb8;
	[tilespmem:$0x1E800] =	vst v63  }
0x22b: {  	s20 =	sadd.s32 $0x5A00, s17  }
0x22c: {  	[tilespmem:s12], [sflag:$0x1] =	stream.indirect.gather [spmem:s5], $0x10, s20, s8, $0xb8;
	[tilespmem:$0x1E800] =	vst v63  }
0x22d: {  	_ =	swait.ge [sflag:s15], $0x2000  }
0x22e: {  	[sflag:s15] =	ssyncset.done $0x0  }
0x22f: {  	[sflag:s15] =	ssyncadd.s32 $0xFFFFE000  }
0x230: {  	_ =	swait.ge [sflag:s15], $0x2000  }
0x231: {  	[sflag:s15] =	ssyncset.done $0x0  }
0x232: {  	s20 =	sadd.s32 $0xA400, s17;
	[sflag:s15] =	ssyncadd.s32 $0xFFFFE000  }
0x233: {  	[spmem:s4] =	stream.indirect.scatter.add.f32 [tilespmem:s9], [sflag:$0x4], $0x10, s20, s8, $0xb8;
	[tilespmem:$0x1E800] =	vst v63  }
0x234: {  	s17 =	sadd.s32 $0xA600, s17  }
0x235: {  	[spmem:s4] =	stream.indirect.scatter.add.f32 [tilespmem:s10], [sflag:$0x4], $0x10, s17, s8, $0xb8;
	[tilespmem:$0x1E800] =	vst v63  }
.Ltmp4:
0x236: {  	_ =	swait.ge [sflag:s16], $0x2000;
	(pc) =	sbr.rel @p0 .LBB2_9-.Ltmp4, $4  }
0x237: {  	[sflag:s16] =	ssyncset.done $0x0  }
0x238: {  	[sflag:s16] =	ssyncadd.s32 $0xFFFFE000  }
0x239: {  	_ =	swait.ge [sflag:s16], $0x2000  }
0x23a: {  	s20 =	smov.u32 s18;
	s17 =	sshra.s32 s19, $0x2;
	[sflag:s16] =	ssyncset.done $0x0  }
0x23b: {  	s18 =	sadd.s32 $0x5400, s17;
	[sflag:s16] =	ssyncadd.s32 $0xFFFFE000  }
0x23c: {  	[tilespmem:s9], [sflag:$0x2] =	stream.indirect.gather [spmem:s5], $0x10, s18, s8, $0xb8;
	[tilespmem:$0x1E800] =	vst v63  }
0x23d: {  	s26 =	sadd.s32 $0x5600, s17  }
0x23e: {  	[tilespmem:s10], [sflag:$0x2] =	stream.indirect.gather [spmem:s5], $0x10, s26, s8, $0xb8;
	[tilespmem:$0x1E800] =	vst v63  }
0x23f: {  	_ =	swait.ge [sflag:s13], $0x2000  }
0x240: {  	[sflag:s13] =	ssyncset.done $0x0  }
0x241: {  	[sflag:s13] =	ssyncadd.s32 $0xFFFFE000  }
0x242: {  	_ =	swait.ge [sflag:s13], $0x2000  }
0x243: {  	[sflag:s13] =	ssyncset.done $0x0  }
0x244: {  	s28 =	sadd.s32 $0xA000, s17;
	[sflag:s13] =	ssyncadd.s32 $0xFFFFE000  }
0x245: {  	[spmem:s4] =	stream.indirect.scatter.add.f32 [tilespmem:s11], [sflag:$0x3], $0x10, s28, s8, $0xb8;
	[tilespmem:$0x1E800] =	vst v63  }
0x246: {  	s29 =	sadd.s32 $0xA200, s17  }
0x247: {  	[spmem:s4] =	stream.indirect.scatter.add.f32 [tilespmem:s12], [sflag:$0x3], $0x10, s29, s8, $0xb8;
	[tilespmem:$0x1E800] =	vst v63  }
0x248: {  	_ =	swait.ge [sflag:s14], $0x2000  }
0x249: {  	[sflag:s14] =	ssyncset.done $0x0  }
0x24a: {  	[sflag:s14] =	ssyncadd.s32 $0xFFFFE000  }
0x24b: {  	_ =	swait.ge [sflag:s14], $0x2000  }
0x24c: {  	[sflag:s14] =	ssyncset.done $0x0  }
0x24d: {  	s30 =	sadd.s32 $0x5800, s17;
	[sflag:s14] =	ssyncadd.s32 $0xFFFFE000  }
0x24e: {  	[tilespmem:s11], [sflag:$0x1] =	stream.indirect.gather [spmem:s5], $0x10, s30, s8, $0xb8;
	[tilespmem:$0x1E800] =	vst v63  }
0x24f: {  	s31 =	sadd.s32 $0x5A00, s17  }
0x250: {  	[tilespmem:s12], [sflag:$0x1] =	stream.indirect.gather [spmem:s5], $0x10, s31, s8, $0xb8;
	[tilespmem:$0x1E800] =	vst v63  }
0x251: {  	_ =	swait.ge [sflag:s15], $0x2000  }
0x252: {  	[sflag:s15] =	ssyncset.done $0x0  }
0x253: {  	[sflag:s15] =	ssyncadd.s32 $0xFFFFE000  }
0x254: {  	_ =	swait.ge [sflag:s15], $0x2000  }
0x255: {  	[sflag:s15] =	ssyncset.done $0x0  }
0x256: {  	s12 =	sadd.s32 $0xA400, s17;
	[sflag:s15] =	ssyncadd.s32 $0xFFFFE000  }
0x257: {  	[spmem:s4] =	stream.indirect.scatter.add.f32 [tilespmem:s9], [sflag:$0x4], $0x10, s12, s8, $0xb8;
	[tilespmem:$0x1E800] =	vst v63  }
0x258: {  	s13 =	sadd.s32 $0xA600, s17  }
0x259: {  	[spmem:s4] =	stream.indirect.scatter.add.f32 [tilespmem:s10], [sflag:$0x4], $0x10, s13, s8, $0xb8;
	[tilespmem:$0x1E800] =	vst v63  }
0x25a: {  	_ =	swait.ge [sflag:s16], $0x2000  }
0x25b: {  	[sflag:s16] =	ssyncset.done $0x0  }
0x25c: {  	[sflag:s16] =	ssyncadd.s32 $0xFFFFE000  }
0x25d: {  	_ =	swait.ge [sflag:s16], $0x2000  }
0x25e: {  	s14 =	simm.s32 $0x200;
	[sflag:s16] =	ssyncset.done $0x0  }
0x25f: {  	s15 =	simm.s32 $0x9C00;
	[sflag:s16] =	ssyncadd.s32 $0xFFFFE000;
	s16 =	simm.s32 $0x13000  }
0x260: {  	[tilespmem:s16], [sflag:$0x2] =	stream.indirect.gather [spmem:s5], $0x10, s15, s14, $0xb8;
	[tilespmem:$0x1E800] =	vst v63  }
0x261: {  	s19 =	simm.s32 $0x1;
	s18 =	simm.s32 $0x15000;
	s17 =	simm.s32 $0x9E00  }
0x262: {  	[tilespmem:s18], [sflag:$0x2] =	stream.indirect.gather [spmem:s5], $0x10, s17, s14, $0xb8;
	[tilespmem:$0x1E800] =	vst v63  }
0x263: {  	_ =	swait.ge [sflag:s19], $0x2000  }
0x264: {  	[sflag:s19] =	ssyncset.done $0x0  }
0x265: {  	[sflag:s19] =	ssyncadd.s32 $0xFFFFE000  }
0x266: {  	_ =	swait.ge [sflag:s19], $0x2000  }
0x267: {  	[sflag:s19] =	ssyncset.done $0x0  }
0x268: {  	s20 =	simm.s32 $0xE800;
	s21 =	simm.s32 $0xF000;
	[sflag:s19] =	ssyncadd.s32 $0xFFFFE000  }
0x269: {  	[spmem:s4] =	stream.indirect.scatter.add.f32 [tilespmem:s21], [sflag:$0x3], $0x10, s20, s14, $0xb8;
	[tilespmem:$0x1E800] =	vst v63  }
0x26a: {  	s22 =	simm.s32 $0xEA00;
	s23 =	simm.s32 $0x11000;
	s24 =	simm.s32 $0x3  }
0x26b: {  	[spmem:s4] =	stream.indirect.scatter.add.f32 [tilespmem:s23], [sflag:$0x3], $0x10, s22, s14, $0xb8;
	[tilespmem:$0x1E800] =	vst v63  }
0x26c: {  	_ =	swait.ge [sflag:s24], $0x2000  }
0x26d: {  	[sflag:s24] =	ssyncset.done $0x0  }
0x26e: {  	[sflag:s24] =	ssyncadd.s32 $0xFFFFE000  }
0x26f: {  	_ =	swait.ge [sflag:s24], $0x2000  }
0x270: {  	[sflag:s24] =	ssyncset.done $0x0  }
0x271: {  	s25 =	simm.s32 $0x2;
	[sflag:s24] =	ssyncadd.s32 $0xFFFFE000  }
0x272: {  	_ =	swait.ge [sflag:s25], $0x2000  }
0x273: {  	[sflag:s25] =	ssyncset.done $0x0  }
0x274: {  	[sflag:s25] =	ssyncadd.s32 $0xFFFFE000  }
0x275: {  	_ =	swait.ge [sflag:s25], $0x2000  }
0x276: {  	[sflag:s25] =	ssyncset.done $0x0  }
0x277: {  	s26 =	simm.s32 $0xEC00;
	[sflag:s25] =	ssyncadd.s32 $0xFFFFE000  }
0x278: {  	[spmem:s4] =	stream.indirect.scatter.add.f32 [tilespmem:s16], [sflag:$0x4], $0x10, s26, s14, $0xb8;
	[tilespmem:$0x1E800] =	vst v63  }
0x279: {  	s28 =	simm.s32 $0xEE00;
	s29 =	simm.s32 $0x4  }
0x27a: {  	[spmem:s4] =	stream.indirect.scatter.add.f32 [tilespmem:s18], [sflag:$0x4], $0x10, s28, s14, $0xb8;
	[tilespmem:$0x1E800] =	vst v63  }
0x27b: {  	_ =	swait.ge [sflag:s29], $0x2000  }
0x27c: {  	[sflag:s29] =	ssyncset.done $0x0  }
0x27d: {  	[sflag:s29] =	ssyncadd.s32 $0xFFFFE000  }
0x27e: {  	_ =	swait.ge [sflag:s29], $0x2000  }
0x27f: {  	[sflag:s29] =	ssyncset.done $0x0  }
0x280: {  	[sflag:s29] =	ssyncadd.s32 $0xFFFFE000  }
0x281: {  	s30 =	simm.s32 $0x17000;
	s31 =	simm.s32 $0x5;
	[bflag:$0x0] =	sbarrier.arrive $0xFFFF  }
0x282: {  	[tilespmem:s30], [sflag:$0x5] =	stream.linear.gather [spmem:s6], $0x2800, $0x38;
	[tilespmem:$0x1E800] =	vst v63  }
0x283: {  	_ =	swait.ge [sflag:s31], $0x2800  }
0x284: {  	[sflag:s31] =	ssyncset.done $0x0  }
0x285: {  	s15 =	simm.s32 $0x0;
	[sflag:s31] =	ssyncadd.s32 $0xFFFFD800  }
0x286: {  	v2 =	vld [tilespmem:s15+$0x19800];
	_ =	sdelay $0x4  }
0x287: {  	v0 =	vshra.s32 v2, $0x1;
	v1 =	vmul.f32 $5.000000000e-01, v2  }
0x288: {  	s12 =	simm.s32 $0x10;
	v0 =	vsub.s32 $0x5F3759DF, v0  }
0x289: {  	v4 =	vld [tilespmem:s12+$0x19800];
	v3 =	vmul.f32 v0, v1;
	_ =	sdelay $0x1  }
0x28a: {  	v3 =	vmul.f32 v0, v3;
	_ =	sdelay $0x1  }
0x28b: {  	v3 =	vsub.f32 $1.500000000e+00, v3  }
0x28c: {  	s11 =	simm.s32 $0x20;
	v5 =	vshra.s32 v4, $0x1;
	v6 =	vmul.f32 $5.000000000e-01, v4  }
0x28d: {  	v7 =	vsub.s32 $0x5F3759DF, v5;
	v5 =	vld [tilespmem:s11+$0x19800];
	v0 =	vmul.f32 v0, v3  }
0x28e: {  	v3 =	vmul.f32 v7, v6  }
0x28f: {  	v8 =	vmul.f32 v0, v1  }
0x290: {  	v3 =	vmul.f32 v7, v3  }
0x291: {  	v8 =	vmul.f32 v8, v0  }
0x292: {  	v9 =	vshra.s32 v5, $0x1;
	v10 =	vmul.f32 $5.000000000e-01, v5;
	v3 =	vsub.f32 $1.500000000e+00, v3  }
0x293: {  	s9 =	simm.s32 $0x30;
	v9 =	vsub.s32 $0x5F3759DF, v9;
	v8 =	vsub.f32 $1.500000000e+00, v8  }
0x294: {  	v11 =	vmul.f32 v9, v10;
	v7 =	vmul.f32 v7, v3;
	v3 =	vld [tilespmem:s9+$0x19800]  }
0x295: {  	v8 =	vmul.f32 v8, v0  }
0x296: {  	v11 =	vmul.f32 v9, v11;
	v0 =	vmul.f32 v7, v6  }
0x297: {  	v12 =	vmul.f32 v8, v1  }
0x298: {  	v11 =	vsub.f32 $1.500000000e+00, v11;
	v0 =	vmul.f32 v0, v7  }
0x299: {  	v13 =	vshra.s32 v3, $0x1;
	v17 =	vmul.f32 $5.000000000e-01, v3;
	v12 =	vmul.f32 v12, v8  }
0x29a: {  	s8 =	simm.s32 $0x40;
	v9 =	vmul.f32 v9, v11;
	v14 =	vsub.f32 $1.500000000e+00, v0;
	v13 =	vsub.s32 $0x5F3759DF, v13  }
0x29b: {  	v0 =	vld [tilespmem:s8+$0x19800];
	v11 =	vsub.f32 $1.500000000e+00, v12;
	v12 =	vmul.f32 v13, v17  }
0x29c: {  	v7 =	vmul.f32 v14, v7;
	v14 =	vmul.f32 v9, v10  }
0x29d: {  	v11 =	vmul.f32 v11, v8;
	v12 =	vmul.f32 v13, v12  }
0x29e: {  	v8 =	vmul.f32 v7, v6;
	v14 =	vmul.f32 v14, v9  }
0x29f: {  	v1 =	vmul.f32 v11, v1;
	v12 =	vsub.f32 $1.500000000e+00, v12  }
0x2a0: {  	v16 =	vmul.f32 v8, v7;
	v8 =	vmul.f32 $5.000000000e-01, v0;
	v14 =	vsub.f32 $1.500000000e+00, v14  }
0x2a1: {  	s10 =	simm.s32 $0x50;
	v15 =	vshra.s32 v0, $0x1;
	v18 =	vmul.f32 v1, v11;
	v12 =	vmul.f32 v13, v12  }
0x2a2: {  	v15 =	vsub.s32 $0x5F3759DF, v15;
	v1 =	vld [tilespmem:s10+$0x19800];
	v13 =	vsub.f32 $1.500000000e+00, v16;
	v9 =	vmul.f32 v14, v9  }
0x2a3: {  	v16 =	vmul.f32 v15, v8;
	v18 =	vsub.f32 $1.500000000e+00, v18;
	v14 =	vmul.f32 v12, v17  }
0x2a4: {  	v7 =	vmul.f32 v13, v7;
	v13 =	vmul.f32 v9, v10  }
0x2a5: {  	v11 =	vmul.f32 v18, v11;
	v14 =	vmul.f32 v14, v12  }
0x2a6: {  	vm0 =	vgt.f32 v2, $0.0e+00;
	v18 =	vmul.f32 v7, v6;
	v13 =	vmul.f32 v13, v9  }
0x2a7: {  	v6 =	vmul.f32 $5.000000000e-01, v1;
	v23 =	vnsel vm0, $0x0, v11;
	v11 =	vmul.f32 v15, v16  }
0x2a8: {  	v16 =	vshra.s32 v1, $0x1;
	v18 =	vmul.f32 v18, v7;
	v19 =	vmul.f32 v23, v23  }
0x2a9: {  	v14 =	vsub.f32 $1.500000000e+00, v14;
	v16 =	vsub.s32 $0x5F3759DF, v16;
	v11 =	vsub.f32 $1.500000000e+00, v11  }
0x2aa: {  	s13 =	simm.s32 $0x60;
	v18 =	vsub.f32 $1.500000000e+00, v18;
	v20 =	vmul.f32 v16, v6;
	v19 =	vmul.f32 v19, v2  }
0x2ab: {  	v2 =	vld [tilespmem:s13+$0x19800];
	v15 =	vmul.f32 v15, v11;
	v11 =	vsub.f32 $1.500000000e+00, v13;
	v13 =	vmul.f32 v14, v12  }
0x2ac: {  	v7 =	vmul.f32 v18, v7;
	v12 =	vadd.f32 $1.000000010e-01, v19;
	v19 =	vmul.f32 v16, v20  }
0x2ad: {  	vm14 =	vgt.f32 v4, $0.0e+00;
	v14 =	vmul.f32 v15, v8;
	v9 =	vmul.f32 v11, v9  }
0x2ae: {  	v18 =	vmul.f32 v13, v17;
	v11 =	vnsel vm14, $0x0, v7;
	(erf) = vrcp.f32 v12  }
0x2af: {  	v20 =	vmul.f32 v11, v11;
	v19 =	vsub.f32 $1.500000000e+00, v19;
	v10 =	vmul.f32 v9, v10  }
0x2b0: {  	v14 =	vmul.f32 v14, v15;
	v7 =	vmul.f32 $5.000000000e-01, v2;
	v12 =	vshra.s32 v2, $0x1  }
0x2b1: {  	v18 =	vmul.f32 v18, v13;
	v12 =	vsub.s32 $0x5F3759DF, v12;
	v10 =	vmul.f32 v10, v9  }
0x2b2: {  	v20 =	vmul.f32 v20, v4;
	v16 =	vmul.f32 v16, v19;
	v14 =	vsub.f32 $1.500000000e+00, v14  }
0x2b3: {  	s14 =	simm.s32 $0x70;
	v21 =	vmul.f32 v12, v7;
	v18 =	vsub.f32 $1.500000000e+00, v18;
	v10 =	vsub.f32 $1.500000000e+00, v10  }
0x2b4: {  	v4 =	vld [tilespmem:s14+$0x19800];
	v19 =	vmul.f32 v16, v6;
	v14 =	vmul.f32 v14, v15  }
0x2b5: {  	v15 =	vmul.f32 v18, v13;
	v9 =	vmul.f32 v10, v9;
	v10 =	vadd.f32 $1.000000010e-01, v20  }
0x2b6: {  	v21 =	vmul.f32 v12, v21;
	v18 =	vmul.f32 v19, v16  }
0x2b7: {  	v19 =	vmul.f32 v15, v17;
	(erf) = vrcp.f32 v10  }
0x2b8: {  	vm15 =	vgt.f32 v5, $0.0e+00;
	v22 =	vmul.f32 v14, v8  }
0x2b9: {  	v17 =	vshra.s32 v4, $0x1;
	v21 =	vsub.f32 $1.500000000e+00, v21;
	v13 =	vpop (erf);
	v24 =	vmul.f32 v19, v15;
	v19 =	vld [tilespmem:s15+$0x17000]  }
0x2ba: {  	v10 =	vnsel vm15, $0x0, v9;
	v9 =	vmul.f32 $5.000000000e-01, v4;
	v25 =	vmul.f32 v13, v23  }
0x2bb: {  	v17 =	vsub.s32 $0x5F3759DF, v17;
	v22 =	vmul.f32 v22, v14;
	v20 =	vmul.f32 v10, v10  }
0x2bc: {  	s16 =	simm.s32 $0x200;
	v18 =	vsub.f32 $1.500000000e+00, v18;
	v13 =	vmul.f32 v17, v9;
	v23 =	vmul.f32 v25, v23  }
.LBB2_11:
0x2bd: {  	s17 =	sshra.s32 s16, $0x2;
	p0 =	sne.s32 s16, $0x9FC0;
	s16 =	sadd.s32 $0x40, s16;
	v24 =	vsub.f32 $1.500000000e+00, v24;
	v20 =	vmul.f32 v20, v5;
	v5 =	vmovc v3;
	v3 =	vmovc v0;
	v0 =	vmov v1  }
0x2be: {  	v1 =	vmovc v2;
	v2 =	vmovc v4;
	v21 =	vmul.f32 v12, v21;
	v25 =	vsub.f32 $1.500000000e+00, v22;
	v19 =	vmul.f32 v23, v19;
	v4 =	vld [tilespmem:s17+$0x19800]  }
0x2bf: {  	v18 =	vmul.f32 v18, v16;
	v12 =	vmovc v17;
	v24 =	vmul.f32 v24, v15;
	v20 =	vadd.f32 $1.000000010e-01, v20  }
0x2c0: {  	vm0 =	vgt.f32 v5, $0.0e+00;
	v17 =	vmul.f32 v21, v7;
	v15 =	vmul.f32 v25, v14;
	v22 =	vpop (erf);
	[tilespmem:s15+$0x17000] =	vst v19;
	s15 =	smov.u32 s12;
	s12 =	smov.u32 s11;
	s11 =	smov.u32 s9  }
0x2c1: {  	v23 =	vmul.f32 v18, v6;
	v16 =	vmovc v21;
	v14 =	vmovc v18;
	s9 =	smov.u32 s8;
	s8 =	smov.u32 s10;
	s10 =	smov.u32 s13;
	v25 =	vnsel vm0, $0x0, v24;
	(erf) = vrcp.f32 v20  }
.Ltmp5:
0x2c2: {  	s13 =	smov.u32 s14;
	s14 =	smov.u32 s17;
	v18 =	vmul.f32 v17, v16;
	v21 =	vmul.f32 v15, v8;
	v8 =	vmovc v6;
	v6 =	vmovc v7;
	v7 =	vmov v9;
	(pc) =	sbr.rel @p0 .LBB2_11-.Ltmp5, $4  }
0x2c3: {  	v20 =	vmul.f32 v25, v25;
	v17 =	vshra.s32 v4, $0x1;
	v9 =	vmul.f32 $5.000000000e-01, v4;
	v19 =	vld [tilespmem:s15+$0x17000]  }
0x2c4: {  	v26 =	vmul.f32 v12, v13;
	v27 =	vmul.f32 v22, v11;
	v17 =	vsub.s32 $0x5F3759DF, v17  }
0x2c5: {  	v18 =	vsub.f32 $1.500000000e+00, v18;
	v24 =	vmul.f32 v21, v15;
	v13 =	vmul.f32 v17, v9  }
0x2c6: {  	v22 =	vmul.f32 v23, v14;
	v23 =	vmul.f32 v27, v11;
	v11 =	vmovc v10;
	v10 =	vmovc v25;
	v21 =	vsub.f32 $1.500000000e+00, v26  }
0x2c7: {  	v5 =	vmul.f32 v20, v5  }
0x2c8: {  	v24 =	vsub.f32 $1.500000000e+00, v24;
	v16 =	vmul.f32 v18, v16;
	v61 =	vsub.f32 $1.500000000e+00, v22  }
0x2c9: {  	v12 =	vmul.f32 v12, v21;
	v19 =	vmul.f32 v23, v19;
	v5 =	vadd.f32 $1.000000010e-01, v5  }
0x2ca: {  	v15 =	vmul.f32 v24, v15;
	v14 =	vmul.f32 v61, v14  }
0x2cb: {  	vm0 =	vgt.f32 v3, $0.0e+00;
	v13 =	vmul.f32 v17, v13;
	v18 =	vmul.f32 v12, v7  }
0x2cc: {  	[tilespmem:s15+$0x17000] =	vst v19;
	(erf) = vrcp.f32 v5;
	v15 =	vnsel vm0, $0x0, v15;
	v8 =	vmul.f32 v14, v8  }
0x2cd: {  	v19 =	vmul.f32 v16, v6;
	v62 =	vld [tilespmem:s12+$0x17000];
	v63 =	vmul.f32 v15, v15;
	v5 =	vpop (erf)  }
0x2ce: {  	v5 =	vmul.f32 v5, v11;
	v8 =	vmul.f32 v8, v14  }
0x2cf: {  	v13 =	vsub.f32 $1.500000000e+00, v13;
	v18 =	vmul.f32 v18, v12;
	v3 =	vmul.f32 v63, v3  }
0x2d0: {  	v19 =	vmul.f32 v19, v16;
	v5 =	vmul.f32 v5, v11;
	v8 =	vsub.f32 $1.500000000e+00, v8  }
0x2d1: {  	v13 =	vmul.f32 v17, v13;
	v11 =	vsub.f32 $1.500000000e+00, v18;
	v3 =	vadd.f32 $1.000000010e-01, v3  }
0x2d2: {  	v17 =	vsub.f32 $1.500000000e+00, v19;
	v5 =	vmul.f32 v5, v62;
	v8 =	vmul.f32 v8, v14  }
0x2d3: {  	vm10 =	vgt.f32 v0, $0.0e+00;
	v11 =	vmul.f32 v11, v12;
	v12 =	vmul.f32 v13, v9  }
0x2d4: {  	v14 =	vmul.f32 v17, v16;
	(erf) = vrcp.f32 v3;
	[tilespmem:s12+$0x17000] =	vst v5;
	v8 =	vnsel vm10, $0x0, v8  }
0x2d5: {  	v5 =	vmul.f32 v11, v7;
	v3 =	vpop (erf);
	v16 =	vld [tilespmem:s11+$0x17000];
	v17 =	vmul.f32 v8, v8  }
0x2d6: {  	v6 =	vmul.f32 v14, v6;
	v3 =	vmul.f32 v3, v10  }
0x2d7: {  	v12 =	vmul.f32 v12, v13;
	v0 =	vmul.f32 v17, v0  }
0x2d8: {  	v6 =	vmul.f32 v6, v14;
	v3 =	vmul.f32 v3, v10  }
0x2d9: {  	v5 =	vmul.f32 v5, v11;
	v0 =	vadd.f32 $1.000000010e-01, v0  }
0x2da: {  	v12 =	vsub.f32 $1.500000000e+00, v12;
	v6 =	vsub.f32 $1.500000000e+00, v6;
	v3 =	vmul.f32 v3, v16  }
0x2db: {  	v5 =	vsub.f32 $1.500000000e+00, v5  }
0x2dc: {  	v10 =	vmul.f32 v12, v13;
	v6 =	vmul.f32 v6, v14;
	[tilespmem:s11+$0x17000] =	vst v3  }
0x2dd: {  	v5 =	vmul.f32 v5, v11;
	(erf) = vrcp.f32 v0;
	v0 =	vpop (erf);
	v11 =	vld [tilespmem:s9+$0x17000]  }
0x2de: {  	vm11 =	vgt.f32 v1, $0.0e+00;
	v0 =	vmul.f32 v0, v15  }
0x2df: {  	v3 =	vmul.f32 v10, v9;
	v6 =	vnsel vm11, $0x0, v6;
	v7 =	vmul.f32 v5, v7  }
0x2e0: {  	v12 =	vmul.f32 v6, v6;
	v0 =	vmul.f32 v0, v15  }
0x2e1: {  	v7 =	vmul.f32 v7, v5;
	v3 =	vmul.f32 v3, v10  }
0x2e2: {  	v1 =	vmul.f32 v12, v1;
	v0 =	vmul.f32 v0, v11  }
0x2e3: {  	v7 =	vsub.f32 $1.500000000e+00, v7;
	v3 =	vsub.f32 $1.500000000e+00, v3  }
0x2e4: {  	v1 =	vadd.f32 $1.000000010e-01, v1  }
0x2e5: {  	v5 =	vmul.f32 v7, v5;
	v3 =	vmul.f32 v3, v10;
	[tilespmem:s9+$0x17000] =	vst v0  }
0x2e6: {  	vm12 =	vgt.f32 v2, $0.0e+00;
	(erf) = vrcp.f32 v1;
	v7 =	vld [tilespmem:s8+$0x17000];
	v0 =	vpop (erf)  }
0x2e7: {  	v1 =	vnsel vm12, $0x0, v5;
	v5 =	vmul.f32 v3, v9;
	v0 =	vmul.f32 v0, v8  }
0x2e8: {  	v9 =	vmul.f32 v1, v1  }
0x2e9: {  	v5 =	vmul.f32 v5, v3;
	v0 =	vmul.f32 v0, v8;
	_ =	sdelay $0x1  }
0x2ea: {  	v2 =	vmul.f32 v9, v2;
	v5 =	vsub.f32 $1.500000000e+00, v5;
	v0 =	vmul.f32 v0, v7;
	_ =	sdelay $0x1  }
0x2eb: {  	v2 =	vadd.f32 $1.000000010e-01, v2;
	v3 =	vmul.f32 v5, v3  }
0x2ec: {  	vm13 =	vgt.f32 v4, $0.0e+00;
	[tilespmem:s8+$0x17000] =	vst v0  }
0x2ed: {  	(erf) = vrcp.f32 v2;
	v2 =	vnsel vm13, $0x0, v3;
	v3 =	vld [tilespmem:s10+$0x17000];
	v0 =	vpop (erf)  }
0x2ee: {  	v0 =	vmul.f32 v0, v6;
	_ =	sdelay $0x1  }
0x2ef: {  	v5 =	vmul.f32 v2, v2;
	v0 =	vmul.f32 v0, v6;
	_ =	sdelay $0x1  }
0x2f0: {  	v4 =	vmul.f32 v5, v4;
	v0 =	vmul.f32 v0, v3;
	_ =	sdelay $0x1  }
0x2f1: {  	v3 =	vadd.f32 $1.000000010e-01, v4  }
0x2f2: {  	[tilespmem:s10+$0x17000] =	vst v0  }
0x2f3: {  	(erf) = vrcp.f32 v3;
	v3 =	vld [tilespmem:s13+$0x17000];
	v0 =	vpop (erf)  }
0x2f4: {  	v0 =	vmul.f32 v0, v1;
	_ =	sdelay $0x1  }
0x2f5: {  	v0 =	vmul.f32 v0, v1;
	_ =	sdelay $0x1  }
0x2f6: {  	v0 =	vmul.f32 v0, v3;
	_ =	sdelay $0x2  }
0x2f7: {  	[tilespmem:s13+$0x17000] =	vst v0  }
0x2f8: {  	v1 =	vld [tilespmem:s14+$0x17000];
	v0 =	vpop (erf)  }
0x2f9: {  	v0 =	vmul.f32 v0, v2;
	_ =	sdelay $0x1  }
0x2fa: {  	v0 =	vmul.f32 v0, v2;
	_ =	sdelay $0x1  }
0x2fb: {  	v0 =	vmul.f32 v0, v1;
	_ =	sdelay $0x1  }
0x2fc: {  	s30 =	simm.s32 $0x17000;
	s31 =	simm.s32 $0x5;
	[tilespmem:s14+$0x17000] =	vst v0  }
0x2fd: {  	[spmem:s7] =	stream.linear.scatter [tilespmem:s30], [sflag:$0x5], $0x2800, $0x38;
	[tilespmem:$0x1E800] =	vst v63  }
0x2fe: {  	_ =	swait.ge [sflag:s31], $0x2800  }
0x2ff: {  	[sflag:s31] =	ssyncset.done $0x0  }
0x300: {  	s11 =	simm.s32 $0x0;
	[sflag:s31] =	ssyncadd.s32 $0xFFFFD800  }
0x301: {  	v4 =	vld [tilespmem:s11+$0x19800];
	_ =	sdelay $0x4  }
0x302: {  	v0 =	vshra.s32 v4, $0x1;
	v3 =	vmul.f32 $5.000000000e-01, v4  }
0x303: {  	v0 =	vsub.s32 $0x5F3759DF, v0  }
0x304: {  	v1 =	vmul.f32 v0, v3;
	_ =	sdelay $0x1  }
0x305: {  	s8 =	simm.s32 $0x10;
	v1 =	vmul.f32 v0, v1  }
0x306: {  	v2 =	vld [tilespmem:s8+$0x19800]  }
0x307: {  	v1 =	vsub.f32 $1.500000000e+00, v1;
	_ =	sdelay $0x1  }
0x308: {  	v1 =	vmul.f32 v0, v1;
	_ =	sdelay $0x1  }
0x309: {  	v5 =	vmul.f32 $5.000000000e-01, v2;
	v0 =	vshra.s32 v2, $0x1;
	v6 =	vmul.f32 v1, v3  }
0x30a: {  	v7 =	vsub.s32 $0x5F3759DF, v0  }
0x30b: {  	v0 =	vmul.f32 v7, v5;
	v6 =	vmul.f32 v6, v1;
	_ =	sdelay $0x1  }
0x30c: {  	v8 =	vmul.f32 v7, v0;
	v6 =	vsub.f32 $1.500000000e+00, v6  }
0x30d: {  	s7 =	simm.s32 $0x20  }
0x30e: {  	v0 =	vld [tilespmem:s7+$0x19800];
	v8 =	vsub.f32 $1.500000000e+00, v8;
	v6 =	vmul.f32 v6, v1;
	_ =	sdelay $0x1  }
0x30f: {  	v7 =	vmul.f32 v7, v8;
	v1 =	vmul.f32 v6, v3;
	_ =	sdelay $0x1  }
0x310: {  	v8 =	vmul.f32 v7, v5;
	v1 =	vmul.f32 v1, v6  }
0x311: {  	v9 =	vshra.s32 v0, $0x1;
	v10 =	vmul.f32 $5.000000000e-01, v0  }
0x312: {  	v9 =	vsub.s32 $0x5F3759DF, v9;
	v8 =	vmul.f32 v8, v7;
	v11 =	vsub.f32 $1.500000000e+00, v1  }
0x313: {  	v12 =	vmul.f32 v9, v10  }
0x314: {  	v8 =	vsub.f32 $1.500000000e+00, v8;
	v6 =	vmul.f32 v11, v6  }
0x315: {  	s9 =	simm.s32 $0x30;
	v11 =	vmul.f32 v9, v12  }
0x316: {  	v1 =	vld [tilespmem:s9+$0x19800];
	v7 =	vmul.f32 v8, v7;
	v3 =	vmul.f32 v6, v3  }
0x317: {  	v8 =	vsub.f32 $1.500000000e+00, v11  }
0x318: {  	v11 =	vmul.f32 v7, v5;
	v3 =	vmul.f32 v3, v6  }
0x319: {  	v9 =	vmul.f32 v9, v8  }
0x31a: {  	v11 =	vmul.f32 v11, v7;
	v3 =	vsub.f32 $1.500000000e+00, v3  }
0x31b: {  	v12 =	vshra.s32 v1, $0x1;
	v8 =	vmul.f32 $5.000000000e-01, v1;
	v13 =	vmul.f32 v9, v10  }
0x31c: {  	v12 =	vsub.s32 $0x5F3759DF, v12;
	v11 =	vsub.f32 $1.500000000e+00, v11;
	v6 =	vmul.f32 v3, v6  }
0x31d: {  	s10 =	simm.s32 $0x40;
	vm14 =	vgt.f32 v4, $0.0e+00;
	v14 =	vmul.f32 v12, v8;
	v13 =	vmul.f32 v13, v9  }
0x31e: {  	v3 =	vld [tilespmem:s10+$0x19800];
	v11 =	vmul.f32 v11, v7;
	v7 =	vnsel vm14, $0x0, v6  }
0x31f: {  	v14 =	vmul.f32 v12, v14;
	v6 =	vsub.f32 $1.500000000e+00, v13;
	v13 =	vmul.f32 v7, v7  }
0x320: {  	v5 =	vmul.f32 v11, v5  }
0x321: {  	v14 =	vsub.f32 $1.500000000e+00, v14;
	v15 =	vmul.f32 v6, v9;
	v9 =	vmul.f32 v13, v4  }
0x322: {  	v5 =	vmul.f32 v5, v11  }
0x323: {  	v13 =	vmul.f32 v12, v14;
	v12 =	vshra.s32 v3, $0x1;
	v18 =	vadd.f32 $1.000000010e-01, v9  }
0x324: {  	v6 =	vmul.f32 $5.000000000e-01, v3;
	v14 =	vmul.f32 v15, v10;
	v17 =	vsub.s32 $0x5F3759DF, v12  }
0x325: {  	v5 =	vsub.f32 $1.500000000e+00, v5;
	v12 =	vmul.f32 v13, v8;
	(erf) = vrcp.f32 v18  }
0x326: {  	v16 =	vmul.f32 v17, v6;
	v14 =	vmul.f32 v14, v15  }
0x327: {  	s12 =	simm.s32 $0x50;
	v11 =	vmul.f32 v5, v11;
	v12 =	vmul.f32 v12, v13  }
0x328: {  	vm15 =	vgt.f32 v2, $0.0e+00;
	v5 =	vld [tilespmem:s12+$0x19800];
	v14 =	vsub.f32 $1.500000000e+00, v14  }
0x329: {  	v16 =	vmul.f32 v17, v16;
	v9 =	vnsel vm15, $0x0, v11;
	v19 =	vsub.f32 $1.500000000e+00, v12  }
0x32a: {  	v12 =	vmul.f32 v14, v15;
	v14 =	vmul.f32 v9, v9  }
0x32b: {  	v18 =	vsub.f32 $1.500000000e+00, v16;
	v11 =	vmul.f32 v19, v13  }
0x32c: {  	v15 =	vmul.f32 v12, v10;
	v14 =	vmul.f32 v14, v2  }
0x32d: {  	s13 =	simm.s32 $0x180;
	v16 =	vshra.s32 v5, $0x1;
	v13 =	vmul.f32 v17, v18;
	v10 =	vmul.f32 $5.000000000e-01, v5  }
.LBB2_13:
0x32e: {  	p0 =	sne.s32 s13, $0x9FC0;
	v17 =	vmul.f32 v11, v8;
	v15 =	vmul.f32 v15, v12;
	v14 =	vadd.f32 $1.000000010e-01, v14;
	v18 =	vpop (erf);
	s14 =	smov.u32 s12  }
0x32f: {  	v19 =	vsub.s32 $0x5F3759DF, v16;
	v16 =	vmul.f32 v13, v6;
	v18 =	vmul.f32 $2.000000030e-01, v18  }
0x330: {  	v17 =	vmul.f32 v17, v11;
	v15 =	vsub.f32 $1.500000000e+00, v15;
	(erf) = vrcp.f32 v14;
	v14 =	vld [tilespmem:s11+$0x1C000]  }
0x331: {  	v20 =	vmul.f32 v19, v10;
	v18 =	vmul.f32 v18, v4;
	v4 =	vmovc v2;
	v2 =	vmovc v0;
	v0 =	vmov v1  }
0x332: {  	s12 =	sshra.s32 s13, $0x2;
	v16 =	vmul.f32 v16, v13;
	v1 =	vmovc v3;
	v3 =	vmovc v5;
	v17 =	vsub.f32 $1.500000000e+00, v17;
	v15 =	vmul.f32 v15, v12  }
0x333: {  	v20 =	vmul.f32 v19, v20;
	vm0 =	vgt.f32 v2, $0.0e+00;
	v5 =	vld [tilespmem:s12+$0x19800];
	v18 =	vmul.f32 v18, v7;
	v7 =	vmovc v9  }
.Ltmp6:
0x334: {  	v16 =	vsub.f32 $1.500000000e+00, v16;
	v12 =	vmul.f32 v17, v11;
	v9 =	vnsel vm0, $0x0, v15;
	(pc) =	sbr.rel @p0 .LBB2_13-.Ltmp6, $4  }
0x335: {  	v17 =	vmul.f32 v9, v9;
	v18 =	vmul.f32 v18, v14  }
0x336: {  	v20 =	vsub.f32 $1.500000000e+00, v20;
	v11 =	vmul.f32 v16, v13  }
0x337: {  	v15 =	vmul.f32 v12, v8;
	v8 =	vmovc v6;
	v6 =	vmov v10;
	v14 =	vmul.f32 v17, v2;
	[tilespmem:s11+$0x17000] =	vst v18;
	s11 =	smov.u32 s8;
	s8 =	smov.u32 s7;
	s7 =	smov.u32 s9  }
0x338: {  	s13 =	sadd.s32 $0x40, s13;
	v13 =	vmul.f32 v19, v20;
	s9 =	smov.u32 s10;
	s10 =	smov.u32 s14;
	v16 =	vshra.s32 v5, $0x1;
	v10 =	vmul.f32 $5.000000000e-01, v5  }
0x339: {  	v17 =	vmul.f32 v11, v8;
	v16 =	vsub.s32 $0x5F3759DF, v16  }
0x33a: {  	v18 =	vmul.f32 v13, v6;
	v19 =	vmul.f32 v16, v10  }
0x33b: {  	v15 =	vmul.f32 v15, v12;
	v17 =	vmul.f32 v17, v11  }
0x33c: {  	v18 =	vmul.f32 v18, v13;
	v19 =	vmul.f32 v16, v19  }
0x33d: {  	v20 =	vpop (erf);
	v15 =	vsub.f32 $1.500000000e+00, v15;
	v17 =	vsub.f32 $1.500000000e+00, v17  }
0x33e: {  	v20 =	vmul.f32 $2.000000030e-01, v20;
	v18 =	vsub.f32 $1.500000000e+00, v18;
	v19 =	vsub.f32 $1.500000000e+00, v19  }
0x33f: {  	v14 =	vadd.f32 $1.000000010e-01, v14;
	v26 =	vmul.f32 v15, v12;
	v27 =	vmul.f32 v17, v11  }
0x340: {  	v28 =	vmul.f32 v18, v13;
	v29 =	vmul.f32 v16, v19  }
0x341: {  	vm0 =	vgt.f32 v0, $0.0e+00;
	(erf) = vrcp.f32 v14;
	v30 =	vmul.f32 v27, v8  }
0x342: {  	v12 =	vnsel vm0, $0x0, v26;
	v31 =	vmul.f32 v28, v6;
	v16 =	vmul.f32 v29, v10  }
0x343: {  	v32 =	vmul.f32 v12, v12;
	v8 =	vmul.f32 v30, v27  }
0x344: {  	v33 =	vld [tilespmem:s11+$0x1C000];
	v14 =	vmul.f32 v31, v28;
	v16 =	vmul.f32 v16, v29  }
0x345: {  	v4 =	vmul.f32 v20, v4;
	v17 =	vmul.f32 v32, v0;
	v8 =	vsub.f32 $1.500000000e+00, v8  }
0x346: {  	v14 =	vsub.f32 $1.500000000e+00, v14;
	v16 =	vsub.f32 $1.500000000e+00, v16  }
0x347: {  	v4 =	vmul.f32 v4, v7;
	v34 =	vadd.f32 $1.000000010e-01, v17;
	v8 =	vmul.f32 v8, v27  }
0x348: {  	v35 =	vmul.f32 v14, v28;
	v36 =	vmul.f32 v16, v29  }
0x349: {  	vm13 =	vgt.f32 v1, $0.0e+00;
	v4 =	vmul.f32 v4, v33;
	(erf) = vrcp.f32 v34  }
0x34a: {  	v37 =	vpop (erf);
	v8 =	vnsel vm13, $0x0, v8;
	v38 =	vmul.f32 v35, v6;
	v39 =	vmul.f32 v36, v10  }
0x34b: {  	[tilespmem:s11+$0x17000] =	vst v4;
	v40 =	vmul.f32 $2.000000030e-01, v37;
	v41 =	vmul.f32 v8, v8  }
0x34c: {  	v42 =	vld [tilespmem:s8+$0x1C000];
	v6 =	vmul.f32 v38, v35;
	v14 =	vmul.f32 v39, v36  }
0x34d: {  	v2 =	vmul.f32 v40, v2;
	v43 =	vmul.f32 v41, v1  }
0x34e: {  	v6 =	vsub.f32 $1.500000000e+00, v6;
	v44 =	vsub.f32 $1.500000000e+00, v14  }
0x34f: {  	v2 =	vmul.f32 v2, v9;
	v4 =	vadd.f32 $1.000000010e-01, v43  }
0x350: {  	v6 =	vmul.f32 v6, v35;
	v7 =	vmul.f32 v44, v36  }
0x351: {  	vm14 =	vgt.f32 v3, $0.0e+00;
	v2 =	vmul.f32 v2, v42;
	(erf) = vrcp.f32 v4  }
0x352: {  	v45 =	vpop (erf);
	v6 =	vnsel vm14, $0x0, v6;
	v46 =	vmul.f32 v7, v10  }
0x353: {  	[tilespmem:s8+$0x17000] =	vst v2;
	v47 =	vmul.f32 $2.000000030e-01, v45;
	v48 =	vmul.f32 v6, v6  }
0x354: {  	v49 =	vld [tilespmem:s7+$0x1C000];
	v9 =	vmul.f32 v46, v7  }
0x355: {  	v50 =	vmul.f32 v47, v0;
	v51 =	vmul.f32 v48, v3  }
0x356: {  	v52 =	vsub.f32 $1.500000000e+00, v9  }
0x357: {  	v0 =	vmul.f32 v50, v12;
	v2 =	vadd.f32 $1.000000010e-01, v51  }
0x358: {  	v4 =	vmul.f32 v52, v7  }
0x359: {  	vm15 =	vgt.f32 v5, $0.0e+00;
	v0 =	vmul.f32 v0, v49;
	(erf) = vrcp.f32 v2  }
0x35a: {  	v53 =	vpop (erf);
	v4 =	vnsel vm15, $0x0, v4  }
0x35b: {  	[tilespmem:s7+$0x17000] =	vst v0;
	v54 =	vmul.f32 $2.000000030e-01, v53;
	v55 =	vmul.f32 v4, v4  }
0x35c: {  	v56 =	vld [tilespmem:s9+$0x1C000]  }
0x35d: {  	v0 =	vmul.f32 v54, v1;
	v57 =	vmul.f32 v55, v5;
	_ =	sdelay $0x1  }
0x35e: {  	v0 =	vmul.f32 v0, v8;
	v1 =	vadd.f32 $1.000000010e-01, v57;
	_ =	sdelay $0x1  }
0x35f: {  	v0 =	vmul.f32 v0, v56;
	(erf) = vrcp.f32 v1  }
0x360: {  	v58 =	vpop (erf)  }
0x361: {  	[tilespmem:s9+$0x17000] =	vst v0;
	v59 =	vmul.f32 $2.000000030e-01, v58  }
0x362: {  	v60 =	vld [tilespmem:s10+$0x1C000]  }
0x363: {  	v0 =	vmul.f32 v59, v3;
	_ =	sdelay $0x1  }
0x364: {  	v0 =	vmul.f32 v0, v6;
	_ =	sdelay $0x1  }
0x365: {  	v0 =	vmul.f32 v0, v60  }
0x366: {  	v61 =	vpop (erf)  }
0x367: {  	[tilespmem:s10+$0x17000] =	vst v0;
	v62 =	vmul.f32 $2.000000030e-01, v61  }
0x368: {  	v63 =	vld [tilespmem:s12+$0x1C000]  }
0x369: {  	v0 =	vmul.f32 v62, v5;
	_ =	sdelay $0x1  }
0x36a: {  	v0 =	vmul.f32 v0, v4;
	_ =	sdelay $0x1  }
0x36b: {  	v0 =	vmul.f32 v0, v63;
	_ =	sdelay $0x1  }
0x36c: {  	s23 =	simm.s32 $0x17000;
	s24 =	simm.s32 $0x5;
	[tilespmem:s12+$0x17000] =	vst v0  }
0x36d: {  	[spmem:s6] =	stream.linear.scatter [tilespmem:s23], [sflag:$0x5], $0x2800, $0x38;
	[tilespmem:$0x1E800] =	vst v63  }
0x36e: {  	_ =	swait.ge [sflag:s24], $0x2800  }
0x36f: {  	[sflag:s24] =	ssyncset.done $0x0  }
0x370: {  	s25 =	simm.s32 $0x5000;
	[sflag:s24] =	ssyncadd.s32 $0xFFFFD800  }
0x371: {  	s7 =	simm.s32 $0x200;
	s10 =	simm.s32 $0xF000;
	[bflag:$0x0] =	sbarrier.arrive $0xFFFF  }
0x372: {  	[tilespmem:s10], [sflag:$0x1] =	stream.indirect.gather [spmem:s5], $0x10, s25, s7, $0xb8;
	[tilespmem:$0x1E800] =	vst v63  }
0x373: {  	s26 =	simm.s32 $0x5200;
	s11 =	simm.s32 $0x11000  }
0x374: {  	[tilespmem:s11], [sflag:$0x1] =	stream.indirect.gather [spmem:s5], $0x10, s26, s7, $0xb8;
	[tilespmem:$0x1E800] =	vst v63  }
0x375: {  	s28 =	simm.s32 $0x5400;
	s8 =	simm.s32 $0x13000  }
0x376: {  	[tilespmem:s8], [sflag:$0x2] =	stream.indirect.gather [spmem:s5], $0x10, s28, s7, $0xb8;
	[tilespmem:$0x1E800] =	vst v63  }
0x377: {  	s13 =	simm.s32 $0x5600;
	s9 =	simm.s32 $0x15000;
	s12 =	simm.s32 $0x1  }
0x378: {  	[tilespmem:s9], [sflag:$0x2] =	stream.indirect.gather [spmem:s5], $0x10, s13, s7, $0xb8;
	[tilespmem:$0x1E800] =	vst v63  }
0x379: {  	_ =	swait.ge [sflag:s12], $0x2000  }
0x37a: {  	[sflag:s12] =	ssyncset.done $0x0  }
0x37b: {  	[sflag:s12] =	ssyncadd.s32 $0xFFFFE000  }
0x37c: {  	_ =	swait.ge [sflag:s12], $0x2000  }
0x37d: {  	[sflag:s12] =	ssyncset.done $0x0  }
0x37e: {  	s29 =	simm.s32 $0xA000;
	[sflag:s12] =	ssyncadd.s32 $0xFFFFE000  }
0x37f: {  	[spmem:s4] =	stream.indirect.scatter.add.f32 [tilespmem:s10], [sflag:$0x3], $0x10, s29, s7, $0xb8;
	[tilespmem:$0x1E800] =	vst v63  }
0x380: {  	s14 =	simm.s32 $0xA200;
	s13 =	simm.s32 $0x3  }
0x381: {  	[spmem:s4] =	stream.indirect.scatter.add.f32 [tilespmem:s11], [sflag:$0x3], $0x10, s14, s7, $0xb8;
	[tilespmem:$0x1E800] =	vst v63  }
0x382: {  	_ =	swait.ge [sflag:s13], $0x2000  }
0x383: {  	[sflag:s13] =	ssyncset.done $0x0  }
0x384: {  	[sflag:s13] =	ssyncadd.s32 $0xFFFFE000  }
0x385: {  	_ =	swait.ge [sflag:s13], $0x2000  }
0x386: {  	[sflag:s13] =	ssyncset.done $0x0  }
0x387: {  	s30 =	simm.s32 $0x5800;
	[sflag:s13] =	ssyncadd.s32 $0xFFFFE000  }
0x388: {  	[tilespmem:s10], [sflag:$0x1] =	stream.indirect.gather [spmem:s5], $0x10, s30, s7, $0xb8;
	[tilespmem:$0x1E800] =	vst v63  }
0x389: {  	s15 =	simm.s32 $0x5A00;
	s14 =	simm.s32 $0x2  }
0x38a: {  	[tilespmem:s11], [sflag:$0x1] =	stream.indirect.gather [spmem:s5], $0x10, s15, s7, $0xb8;
	[tilespmem:$0x1E800] =	vst v63  }
0x38b: {  	_ =	swait.ge [sflag:s14], $0x2000  }
0x38c: {  	[sflag:s14] =	ssyncset.done $0x0  }
0x38d: {  	[sflag:s14] =	ssyncadd.s32 $0xFFFFE000  }
0x38e: {  	_ =	swait.ge [sflag:s14], $0x2000  }
0x38f: {  	[sflag:s14] =	ssyncset.done $0x0  }
0x390: {  	s31 =	simm.s32 $0xA400;
	[sflag:s14] =	ssyncadd.s32 $0xFFFFE000  }
0x391: {  	[spmem:s4] =	stream.indirect.scatter.add.f32 [tilespmem:s8], [sflag:$0x4], $0x10, s31, s7, $0xb8;
	[tilespmem:$0x1E800] =	vst v63  }
0x392: {  	s16 =	simm.s32 $0xA600;
	s15 =	simm.s32 $0x4  }
0x393: {  	[spmem:s4] =	stream.indirect.scatter.add.f32 [tilespmem:s9], [sflag:$0x4], $0x10, s16, s7, $0xb8;
	[tilespmem:$0x1E800] =	vst v63  }
0x394: {  	_ =	swait.ge [sflag:s15], $0x2000  }
0x395: {  	[sflag:s15] =	ssyncset.done $0x0  }
0x396: {  	[sflag:s15] =	ssyncadd.s32 $0xFFFFE000  }
0x397: {  	_ =	swait.ge [sflag:s15], $0x2000  }
0x398: {  	s19 =	simm.s32 $0x4000;
	s16 =	simm.s32 $0x800;
	[sflag:s15] =	ssyncset.done $0x0  }
.LBB2_15:
0x399: {  	s20 =	sadd.s32 $0x5400, s16  }
0x39a: {  	[sflag:s15] =	ssyncadd.s32 $0xFFFFE000;
	s18 =	smov.u32 s19;
	s17 =	sadd.s32 $0x2000, s19  }
0x39b: {  	[tilespmem:s8], [sflag:$0x2] =	stream.indirect.gather [spmem:s5], $0x10, s20, s7, $0xb8;
	[tilespmem:$0x1E800] =	vst v63  }
0x39c: {  	p0 =	sne.s32 s19, $0x10000;
	s19 =	sadd.s32 $0x5600, s16  }
0x39d: {  	[tilespmem:s9], [sflag:$0x2] =	stream.indirect.gather [spmem:s5], $0x10, s19, s7, $0xb8;
	[tilespmem:$0x1E800] =	vst v63  }
0x39e: {  	_ =	swait.ge [sflag:s12], $0x2000  }
0x39f: {  	[sflag:s12] =	ssyncset.done $0x0  }
0x3a0: {  	[sflag:s12] =	ssyncadd.s32 $0xFFFFE000  }
0x3a1: {  	_ =	swait.ge [sflag:s12], $0x2000  }
0x3a2: {  	[sflag:s12] =	ssyncset.done $0x0  }
0x3a3: {  	s19 =	sadd.s32 $0xA000, s16;
	[sflag:s12] =	ssyncadd.s32 $0xFFFFE000  }
0x3a4: {  	[spmem:s4] =	stream.indirect.scatter.add.f32 [tilespmem:s10], [sflag:$0x3], $0x10, s19, s7, $0xb8;
	[tilespmem:$0x1E800] =	vst v63  }
0x3a5: {  	s19 =	sadd.s32 $0xA200, s16  }
0x3a6: {  	[spmem:s4] =	stream.indirect.scatter.add.f32 [tilespmem:s11], [sflag:$0x3], $0x10, s19, s7, $0xb8;
	[tilespmem:$0x1E800] =	vst v63  }
0x3a7: {  	_ =	swait.ge [sflag:s13], $0x2000  }
0x3a8: {  	[sflag:s13] =	ssyncset.done $0x0  }
0x3a9: {  	[sflag:s13] =	ssyncadd.s32 $0xFFFFE000  }
0x3aa: {  	_ =	swait.ge [sflag:s13], $0x2000  }
0x3ab: {  	[sflag:s13] =	ssyncset.done $0x0  }
0x3ac: {  	s19 =	sadd.s32 $0x5800, s16;
	[sflag:s13] =	ssyncadd.s32 $0xFFFFE000  }
0x3ad: {  	[tilespmem:s10], [sflag:$0x1] =	stream.indirect.gather [spmem:s5], $0x10, s19, s7, $0xb8;
	[tilespmem:$0x1E800] =	vst v63  }
0x3ae: {  	s19 =	sadd.s32 $0x5A00, s16  }
0x3af: {  	[tilespmem:s11], [sflag:$0x1] =	stream.indirect.gather [spmem:s5], $0x10, s19, s7, $0xb8;
	[tilespmem:$0x1E800] =	vst v63  }
0x3b0: {  	_ =	swait.ge [sflag:s14], $0x2000  }
0x3b1: {  	[sflag:s14] =	ssyncset.done $0x0  }
0x3b2: {  	[sflag:s14] =	ssyncadd.s32 $0xFFFFE000  }
0x3b3: {  	_ =	swait.ge [sflag:s14], $0x2000  }
0x3b4: {  	[sflag:s14] =	ssyncset.done $0x0  }
0x3b5: {  	s19 =	sadd.s32 $0xA400, s16;
	[sflag:s14] =	ssyncadd.s32 $0xFFFFE000  }
0x3b6: {  	[spmem:s4] =	stream.indirect.scatter.add.f32 [tilespmem:s8], [sflag:$0x4], $0x10, s19, s7, $0xb8;
	[tilespmem:$0x1E800] =	vst v63  }
0x3b7: {  	s16 =	sadd.s32 $0xA600, s16  }
0x3b8: {  	[spmem:s4] =	stream.indirect.scatter.add.f32 [tilespmem:s9], [sflag:$0x4], $0x10, s16, s7, $0xb8;
	[tilespmem:$0x1E800] =	vst v63  }
.Ltmp7:
0x3b9: {  	_ =	swait.ge [sflag:s15], $0x2000;
	(pc) =	sbr.rel @p0 .LBB2_15-.Ltmp7, $4  }
0x3ba: {  	[sflag:s15] =	ssyncset.done $0x0  }
0x3bb: {  	[sflag:s15] =	ssyncadd.s32 $0xFFFFE000  }
0x3bc: {  	_ =	swait.ge [sflag:s15], $0x2000  }
0x3bd: {  	s19 =	smov.u32 s17;
	s16 =	sshra.s32 s18, $0x2;
	[sflag:s15] =	ssyncset.done $0x0  }
0x3be: {  	s17 =	sadd.s32 $0x5400, s16;
	[sflag:s15] =	ssyncadd.s32 $0xFFFFE000  }
0x3bf: {  	[tilespmem:s8], [sflag:$0x2] =	stream.indirect.gather [spmem:s5], $0x10, s17, s7, $0xb8;
	[tilespmem:$0x1E800] =	vst v63  }
0x3c0: {  	s26 =	sadd.s32 $0x5600, s16  }
0x3c1: {  	[tilespmem:s9], [sflag:$0x2] =	stream.indirect.gather [spmem:s5], $0x10, s26, s7, $0xb8;
	[tilespmem:$0x1E800] =	vst v63  }
0x3c2: {  	_ =	swait.ge [sflag:s12], $0x2000  }
0x3c3: {  	[sflag:s12] =	ssyncset.done $0x0  }
0x3c4: {  	[sflag:s12] =	ssyncadd.s32 $0xFFFFE000  }
0x3c5: {  	_ =	swait.ge [sflag:s12], $0x2000  }
0x3c6: {  	[sflag:s12] =	ssyncset.done $0x0  }
0x3c7: {  	s28 =	sadd.s32 $0xA000, s16;
	[sflag:s12] =	ssyncadd.s32 $0xFFFFE000  }
0x3c8: {  	[spmem:s4] =	stream.indirect.scatter.add.f32 [tilespmem:s10], [sflag:$0x3], $0x10, s28, s7, $0xb8;
	[tilespmem:$0x1E800] =	vst v63  }
0x3c9: {  	s29 =	sadd.s32 $0xA200, s16  }
0x3ca: {  	[spmem:s4] =	stream.indirect.scatter.add.f32 [tilespmem:s11], [sflag:$0x3], $0x10, s29, s7, $0xb8;
	[tilespmem:$0x1E800] =	vst v63  }
0x3cb: {  	_ =	swait.ge [sflag:s13], $0x2000  }
0x3cc: {  	[sflag:s13] =	ssyncset.done $0x0  }
0x3cd: {  	[sflag:s13] =	ssyncadd.s32 $0xFFFFE000  }
0x3ce: {  	_ =	swait.ge [sflag:s13], $0x2000  }
0x3cf: {  	[sflag:s13] =	ssyncset.done $0x0  }
0x3d0: {  	s30 =	sadd.s32 $0x5800, s16;
	[sflag:s13] =	ssyncadd.s32 $0xFFFFE000  }
0x3d1: {  	[tilespmem:s10], [sflag:$0x1] =	stream.indirect.gather [spmem:s5], $0x10, s30, s7, $0xb8;
	[tilespmem:$0x1E800] =	vst v63  }
0x3d2: {  	s31 =	sadd.s32 $0x5A00, s16  }
0x3d3: {  	[tilespmem:s11], [sflag:$0x1] =	stream.indirect.gather [spmem:s5], $0x10, s31, s7, $0xb8;
	[tilespmem:$0x1E800] =	vst v63  }
0x3d4: {  	_ =	swait.ge [sflag:s14], $0x2000  }
0x3d5: {  	[sflag:s14] =	ssyncset.done $0x0  }
0x3d6: {  	[sflag:s14] =	ssyncadd.s32 $0xFFFFE000  }
0x3d7: {  	_ =	swait.ge [sflag:s14], $0x2000  }
0x3d8: {  	[sflag:s14] =	ssyncset.done $0x0  }
0x3d9: {  	s12 =	sadd.s32 $0xA400, s16;
	[sflag:s14] =	ssyncadd.s32 $0xFFFFE000  }
0x3da: {  	[spmem:s4] =	stream.indirect.scatter.add.f32 [tilespmem:s8], [sflag:$0x4], $0x10, s12, s7, $0xb8;
	[tilespmem:$0x1E800] =	vst v63  }
0x3db: {  	s13 =	sadd.s32 $0xA600, s16  }
0x3dc: {  	[spmem:s4] =	stream.indirect.scatter.add.f32 [tilespmem:s9], [sflag:$0x4], $0x10, s13, s7, $0xb8;
	[tilespmem:$0x1E800] =	vst v63  }
0x3dd: {  	_ =	swait.ge [sflag:s15], $0x2000  }
0x3de: {  	[sflag:s15] =	ssyncset.done $0x0  }
0x3df: {  	[sflag:s15] =	ssyncadd.s32 $0xFFFFE000  }
0x3e0: {  	_ =	swait.ge [sflag:s15], $0x2000  }
0x3e1: {  	s16 =	simm.s32 $0x13000;
	[sflag:s15] =	ssyncset.done $0x0  }
0x3e2: {  	s14 =	simm.s32 $0x200;
	[sflag:s15] =	ssyncadd.s32 $0xFFFFE000;
	s15 =	simm.s32 $0x9C00  }
0x3e3: {  	[tilespmem:s16], [sflag:$0x2] =	stream.indirect.gather [spmem:s5], $0x10, s15, s14, $0xb8;
	[tilespmem:$0x1E800] =	vst v63  }
0x3e4: {  	s18 =	simm.s32 $0x15000;
	s19 =	simm.s32 $0x1;
	s17 =	simm.s32 $0x9E00  }
0x3e5: {  	[tilespmem:s18], [sflag:$0x2] =	stream.indirect.gather [spmem:s5], $0x10, s17, s14, $0xb8;
	[tilespmem:$0x1E800] =	vst v63  }
0x3e6: {  	_ =	swait.ge [sflag:s19], $0x2000  }
0x3e7: {  	[sflag:s19] =	ssyncset.done $0x0  }
0x3e8: {  	[sflag:s19] =	ssyncadd.s32 $0xFFFFE000  }
0x3e9: {  	_ =	swait.ge [sflag:s19], $0x2000  }
0x3ea: {  	[sflag:s19] =	ssyncset.done $0x0  }
0x3eb: {  	s20 =	simm.s32 $0xE800;
	s21 =	simm.s32 $0xF000;
	[sflag:s19] =	ssyncadd.s32 $0xFFFFE000  }
0x3ec: {  	[spmem:s4] =	stream.indirect.scatter.add.f32 [tilespmem:s21], [sflag:$0x3], $0x10, s20, s14, $0xb8;
	[tilespmem:$0x1E800] =	vst v63  }
0x3ed: {  	s22 =	simm.s32 $0xEA00;
	s23 =	simm.s32 $0x11000;
	s24 =	simm.s32 $0x3  }
0x3ee: {  	[spmem:s4] =	stream.indirect.scatter.add.f32 [tilespmem:s23], [sflag:$0x3], $0x10, s22, s14, $0xb8;
	[tilespmem:$0x1E800] =	vst v63  }
0x3ef: {  	_ =	swait.ge [sflag:s24], $0x2000  }
0x3f0: {  	[sflag:s24] =	ssyncset.done $0x0  }
0x3f1: {  	[sflag:s24] =	ssyncadd.s32 $0xFFFFE000  }
0x3f2: {  	_ =	swait.ge [sflag:s24], $0x2000  }
0x3f3: {  	[sflag:s24] =	ssyncset.done $0x0  }
0x3f4: {  	s25 =	simm.s32 $0x2;
	[sflag:s24] =	ssyncadd.s32 $0xFFFFE000  }
0x3f5: {  	_ =	swait.ge [sflag:s25], $0x2000  }
0x3f6: {  	[sflag:s25] =	ssyncset.done $0x0  }
0x3f7: {  	[sflag:s25] =	ssyncadd.s32 $0xFFFFE000  }
0x3f8: {  	_ =	swait.ge [sflag:s25], $0x2000  }
0x3f9: {  	[sflag:s25] =	ssyncset.done $0x0  }
0x3fa: {  	s26 =	simm.s32 $0xEC00;
	[sflag:s25] =	ssyncadd.s32 $0xFFFFE000  }
0x3fb: {  	[spmem:s4] =	stream.indirect.scatter.add.f32 [tilespmem:s16], [sflag:$0x4], $0x10, s26, s14, $0xb8;
	[tilespmem:$0x1E800] =	vst v63  }
0x3fc: {  	s28 =	simm.s32 $0xEE00;
	s29 =	simm.s32 $0x4  }
0x3fd: {  	[spmem:s4] =	stream.indirect.scatter.add.f32 [tilespmem:s18], [sflag:$0x4], $0x10, s28, s14, $0xb8;
	[tilespmem:$0x1E800] =	vst v63  }
0x3fe: {  	_ =	swait.ge [sflag:s29], $0x2000  }
0x3ff: {  	[sflag:s29] =	ssyncset.done $0x0  }
0x400: {  	[sflag:s29] =	ssyncadd.s32 $0xFFFFE000  }
0x401: {  	_ =	swait.ge [sflag:s29], $0x2000  }
0x402: {  	[sflag:s29] =	ssyncset.done $0x0  }
0x403: {  	[sflag:s29] =	ssyncadd.s32 $0xFFFFE000  }
0x404: {  	s30 =	simm.s32 $0x17000;
	s31 =	simm.s32 $0x5;
	[bflag:$0x0] =	sbarrier.arrive $0xFFFF  }
0x405: {  	[tilespmem:s30], [sflag:$0x5] =	stream.linear.gather [spmem:s6], $0x2800, $0x38;
	[tilespmem:$0x1E800] =	vst v63  }
0x406: {  	_ =	swait.ge [sflag:s31], $0x2800  }
0x407: {  	[sflag:s31] =	ssyncset.done $0x0  }
0x408: {  	s11 =	simm.s32 $0x0;
	[sflag:s31] =	ssyncadd.s32 $0xFFFFD800  }
0x409: {  	v3 =	vld [tilespmem:s11+$0x19800];
	_ =	sdelay $0x4  }
0x40a: {  	v0 =	vshra.s32 v3, $0x1;
	v1 =	vmul.f32 $5.000000000e-01, v3  }
0x40b: {  	s10 =	simm.s32 $0x10;
	v0 =	vsub.s32 $0x5F3759DF, v0  }
0x40c: {  	v9 =	vld [tilespmem:s10+$0x19800];
	v2 =	vmul.f32 v0, v1;
	_ =	sdelay $0x1  }
0x40d: {  	v2 =	vmul.f32 v0, v2;
	_ =	sdelay $0x1  }
0x40e: {  	v2 =	vsub.f32 $1.500000000e+00, v2  }
0x40f: {  	v4 =	vshra.s32 v9, $0x1;
	v6 =	vmul.f32 $5.000000000e-01, v9  }
0x410: {  	s8 =	simm.s32 $0x20;
	v4 =	vsub.s32 $0x5F3759DF, v4;
	v0 =	vmul.f32 v0, v2  }
0x411: {  	v5 =	vld [tilespmem:s8+$0x19800];
	v2 =	vmul.f32 v4, v6  }
0x412: {  	v7 =	vmul.f32 v0, v1  }
0x413: {  	v2 =	vmul.f32 v4, v2  }
0x414: {  	v7 =	vmul.f32 v7, v0  }
0x415: {  	v2 =	vsub.f32 $1.500000000e+00, v2  }
0x416: {  	v8 =	vshra.s32 v5, $0x1;
	v12 =	vmul.f32 $5.000000000e-01, v5;
	v7 =	vsub.f32 $1.500000000e+00, v7  }
0x417: {  	s6 =	simm.s32 $0x30;
	v8 =	vsub.s32 $0x5F3759DF, v8;
	v10 =	vmul.f32 v4, v2  }
0x418: {  	v2 =	vmul.f32 v8, v12;
	v4 =	vld [tilespmem:s6+$0x19800];
	v0 =	vmul.f32 v7, v0  }
0x419: {  	v7 =	vmul.f32 v10, v6  }
0x41a: {  	v2 =	vmul.f32 v8, v2;
	v11 =	vmul.f32 v0, v1  }
0x41b: {  	v7 =	vmul.f32 v7, v10  }
0x41c: {  	v13 =	vsub.f32 $1.500000000e+00, v2;
	v11 =	vmul.f32 v11, v0  }
0x41d: {  	s4 =	simm.s32 $0x40;
	v2 =	vshra.s32 v4, $0x1;
	v16 =	vmul.f32 $5.000000000e-01, v4;
	v7 =	vsub.f32 $1.500000000e+00, v7  }
0x41e: {  	v14 =	vsub.s32 $0x5F3759DF, v2;
	v2 =	vld [tilespmem:s4+$0x19800];
	v13 =	vmul.f32 v8, v13;
	v11 =	vsub.f32 $1.500000000e+00, v11  }
0x41f: {  	v8 =	vmul.f32 v14, v16;
	v7 =	vmul.f32 v7, v10  }
0x420: {  	v10 =	vmul.f32 v13, v12;
	v0 =	vmul.f32 v11, v0  }
0x421: {  	v8 =	vmul.f32 v14, v8;
	v11 =	vmul.f32 v7, v6  }
0x422: {  	v10 =	vmul.f32 v10, v13;
	v1 =	vmul.f32 v0, v1  }
0x423: {  	v15 =	vshra.s32 v2, $0x1;
	v17 =	vsub.f32 $1.500000000e+00, v8;
	v11 =	vmul.f32 v11, v7  }
0x424: {  	s5 =	simm.s32 $0x50;
	v8 =	vmul.f32 $5.000000000e-01, v2;
	v10 =	vsub.f32 $1.500000000e+00, v10;
	v18 =	vmul.f32 v1, v0  }
0x425: {  	v15 =	vsub.s32 $0x5F3759DF, v15;
	v14 =	vmul.f32 v14, v17;
	v11 =	vsub.f32 $1.500000000e+00, v11;
	v1 =	vld [tilespmem:s5+$0x19800]  }
0x426: {  	v17 =	vmul.f32 v15, v8;
	v10 =	vmul.f32 v10, v13;
	v13 =	vsub.f32 $1.500000000e+00, v18  }
0x427: {  	v18 =	vmul.f32 v11, v7;
	v7 =	vmul.f32 v14, v16  }
0x428: {  	v19 =	vmul.f32 v10, v12;
	v11 =	vmul.f32 v13, v0  }
0x429: {  	vm0 =	vgt.f32 v3, $0.0e+00;
	v0 =	vmul.f32 v15, v17;
	v13 =	vmul.f32 v7, v14  }
0x42a: {  	v17 =	vmul.f32 v19, v10;
	v6 =	vmul.f32 v18, v6;
	v19 =	vshra.s32 v1, $0x1  }
0x42b: {  	v7 =	vmul.f32 $5.000000000e-01, v1;
	v19 =	vsub.s32 $0x5F3759DF, v19;
	v13 =	vsub.f32 $1.500000000e+00, v13  }
0x42c: {  	s7 =	simm.s32 $0x60;
	v17 =	vsub.f32 $1.500000000e+00, v17;
	v21 =	vsub.f32 $1.500000000e+00, v0;
	v6 =	vmul.f32 v6, v18  }
0x42d: {  	v22 =	vnsel vm0, $0x0, v11;
	v0 =	vld [tilespmem:s7+$0x19800];
	v20 =	vmul.f32 v19, v7;
	v13 =	vmul.f32 v13, v14  }
0x42e: {  	v14 =	vmul.f32 v22, v22;
	v15 =	vmul.f32 v15, v21  }
0x42f: {  	v21 =	vmul.f32 v17, v10;
	v6 =	vsub.f32 $1.500000000e+00, v6;
	v17 =	vmul.f32 v13, v16  }
0x430: {  	v3 =	vmul.f32 v14, v3;
	v14 =	vmul.f32 v15, v8  }
0x431: {  	v10 =	vmul.f32 v6, v18;
	v18 =	vmul.f32 v19, v20  }
0x432: {  	v12 =	vmul.f32 v21, v12;
	v6 =	vmul.f32 $5.000000000e-01, v0  }
0x433: {  	v20 =	vshra.s32 v0, $0x1;
	v17 =	vmul.f32 v17, v13;
	v3 =	vadd.f32 $1.000000010e-01, v3  }
0x434: {  	v22 =	vmul.f32 v14, v15;
	v14 =	vsub.s32 $0x5F3759DF, v20;
	v12 =	vmul.f32 v12, v21  }
0x435: {  	vm1 =	vgt.f32 v9, $0.0e+00;
	v20 =	vmul.f32 v14, v6;
	(erf) = vrcp.f32 v3  }
0x436: {  	v3 =	vsub.f32 $1.500000000e+00, v17;
	v17 =	vsub.f32 $1.500000000e+00, v22;
	v22 =	vnsel vm1, $0x0, v10  }
0x437: {  	v18 =	vsub.f32 $1.500000000e+00, v18;
	v22 =	vmul.f32 v22, v22  }
0x438: {  	s9 =	simm.s32 $0x70;
	v12 =	vsub.f32 $1.500000000e+00, v12;
	v20 =	vmul.f32 v14, v20;
	v15 =	vmul.f32 v17, v15  }
0x439: {  	vm0 =	vmmov vm0;
	v13 =	vmul.f32 v3, v13;
	v3 =	vld [tilespmem:s9+$0x19800];
	v17 =	vmul.f32 v19, v18  }
0x43a: {  	vm2 =	vmmov vm0;
	v12 =	vmul.f32 v12, v21;
	v18 =	vmul.f32 v15, v8  }
0x43b: {  	vm0 =	vgt.f32 v5, $0.0e+00;
	v9 =	vmul.f32 v22, v9;
	v19 =	vmul.f32 v17, v7  }
0x43c: {  	vm1 =	vmmov vm1;
	v24 =	vmul.f32 v13, v16;
	v21 =	vmul.f32 v18, v15  }
0x43d: {  	v26 =	vnsel vm0, $0x0, v12;
	v18 =	vadd.f32 $1.000000010e-01, v9;
	v25 =	vmul.f32 v19, v17  }
0x43e: {  	v22 =	vshra.s32 v3, $0x1;
	v9 =	vmul.f32 $5.000000000e-01, v3;
	v23 =	vsub.f32 $1.500000000e+00, v21;
	v21 =	vld [tilespmem:s11+$0x17000]  }
0x43f: {  	v19 =	vld [tilespmem:s11+$0x1C000];
	v16 =	vsub.s32 $0x5F3759DF, v22;
	(erf) = vrcp.f32 v18;
	v22 =	vmul.f32 v24, v13;
	v27 =	vpop (erf)  }
0x440: {  	s12 =	simm.s32 $0x200;
	v25 =	vsub.f32 $1.500000000e+00, v25;
	v18 =	vmul.f32 v16, v9;
	v24 =	vmul.f32 $2.000000030e-01, v27  }
.LBB2_17:
0x441: {  	v20 =	vsub.f32 $1.500000000e+00, v20;
	v23 =	vmul.f32 v23, v15  }
0x442: {  	s13 =	sshra.s32 s12, $0x2;
	p0 =	sne.s32 s12, $0x9FC0;
	s12 =	sadd.s32 $0x40, s12;
	v26 =	vmul.f32 v26, v26;
	v27 =	vmovc v9;
	vm3 =	vmmov vm2;
	vm2 =	vmmov vm1  }
0x443: {  	vm1 =	vmmov vm0;
	v28 =	vld [tilespmem:s13+$0x19800];
	v15 =	vmul.f32 v25, v17;
	v9 =	vmul.f32 v11, v21;
	v11 =	vmovc v10;
	v10 =	vmovc v12  }
0x444: {  	v12 =	vsub.f32 $1.500000000e+00, v22;
	v19 =	vmul.f32 v24, v19;
	v17 =	vmul.f32 v14, v20;
	v14 =	vmovc v16  }
0x445: {  	vm0 =	vgt.f32 v4, $0.0e+00;
	v21 =	vmul.f32 v26, v5;
	v5 =	vmovc v4;
	v4 =	vmovc v2;
	v16 =	vmul.f32 v15, v7  }
0x446: {  	v12 =	vmul.f32 v12, v13;
	v9 =	vsel vm3, v9, v19;
	v13 =	vmovc v23;
	v22 =	vmul.f32 v17, v6  }
.Ltmp8:
0x447: {  	v2 =	vmovc v1;
	v20 =	vmul.f32 v14, v18;
	v18 =	vadd.f32 $1.000000010e-01, v21;
	v23 =	vmul.f32 v16, v15;
	v19 =	vld [tilespmem:s10+$0x1C000];
	[tilespmem:s11+$0x17000] =	vst v9;
	s11 =	smov.u32 s10;
	s10 =	smov.u32 s8;
	(pc) =	sbr.rel @p0 .LBB2_17-.Ltmp8, $4  }
0x448: {  	v29 =	vmul.f32 v13, v8;
	s8 =	smov.u32 s6;
	s6 =	smov.u32 s4;
	s4 =	smov.u32 s5;
	v26 =	vshra.s32 v28, $0x1;
	v9 =	vmul.f32 $5.000000000e-01, v28;
	v21 =	vld [tilespmem:s11+$0x17000];
	v24 =	vpop (erf)  }
0x449: {  	v1 =	vmovc v0;
	v0 =	vmovc v3;
	s5 =	smov.u32 s7;
	s7 =	smov.u32 s9;
	s9 =	smov.u32 s13;
	v25 =	vmul.f32 v22, v17;
	v16 =	vsub.s32 $0x5F3759DF, v26;
	(erf) = vrcp.f32 v18  }
0x44a: {  	v8 =	vmovc v7;
	v22 =	vmul.f32 v29, v13;
	v3 =	vmovc v28;
	v23 =	vsub.f32 $1.500000000e+00, v23;
	v18 =	vmul.f32 v16, v9  }
0x44b: {  	v7 =	vmovc v6;
	v6 =	vmovc v27;
	v26 =	vnsel vm0, $0x0, v12;
	v24 =	vmul.f32 $2.000000030e-01, v24;
	v25 =	vsub.f32 $1.500000000e+00, v25  }
0x44c: {  	v26 =	vmul.f32 v26, v26  }
0x44d: {  	v11 =	vmul.f32 v11, v21;
	v19 =	vmul.f32 v24, v19  }
0x44e: {  	vm2 =	vmmov vm2  }
0x44f: {  	v20 =	vsub.f32 $1.500000000e+00, v20;
	v5 =	vmul.f32 v26, v5;
	v11 =	vsel vm2, v11, v19  }
0x450: {  	v57 =	vld [tilespmem:s10+$0x1C000];
	v15 =	vmul.f32 v23, v15;
	v58 =	vsub.f32 $1.500000000e+00, v22;
	v18 =	vmul.f32 v16, v18;
	[tilespmem:s11+$0x17000] =	vst v11  }
0x451: {  	v17 =	vmul.f32 v25, v17;
	v14 =	vmul.f32 v14, v20;
	v5 =	vadd.f32 $1.000000010e-01, v5;
	v61 =	vld [tilespmem:s10+$0x17000]  }
0x452: {  	vm9 =	vgt.f32 v4, $0.0e+00;
	v13 =	vmul.f32 v58, v13;
	v63 =	vmul.f32 v15, v8  }
0x453: {  	v18 =	vsub.f32 $1.500000000e+00, v18;
	v59 =	vmul.f32 v17, v7;
	v62 =	vpop (erf);
	(erf) = vrcp.f32 v5  }
0x454: {  	v60 =	vmul.f32 v14, v6;
	v24 =	vnsel vm9, $0x0, v13;
	v20 =	vmul.f32 $2.000000030e-01, v62  }
0x455: {  	v32 =	vmul.f32 v16, v18;
	v8 =	vmul.f32 v24, v24  }
0x456: {  	vm1 =	vmmov vm1;
	v19 =	vmul.f32 v20, v57;
	v10 =	vmul.f32 v10, v61  }
0x457: {  	vm1 =	vmmov vm1;
	v11 =	vmul.f32 v59, v17;
	v5 =	vmul.f32 v63, v15  }
0x458: {  	v21 =	vmul.f32 v60, v14;
	v26 =	vmul.f32 v8, v4;
	v27 =	vsel vm1, v10, v19  }
0x459: {  	v28 =	vld [tilespmem:s8+$0x1C000];
	v11 =	vsub.f32 $1.500000000e+00, v11;
	v5 =	vsub.f32 $1.500000000e+00, v5;
	[tilespmem:s10+$0x17000] =	vst v27  }
0x45a: {  	v35 =	vmul.f32 v32, v9;
	v25 =	vsub.f32 $1.500000000e+00, v21;
	v4 =	vadd.f32 $1.000000010e-01, v26;
	v31 =	vld [tilespmem:s8+$0x17000]  }
0x45b: {  	v29 =	vmul.f32 v11, v17;
	v5 =	vmul.f32 v5, v15  }
0x45c: {  	vm10 =	vgt.f32 v2, $0.0e+00;
	v30 =	vmul.f32 v25, v14;
	v34 =	vpop (erf);
	(erf) = vrcp.f32 v4  }
0x45d: {  	v37 =	vmul.f32 v29, v7;
	v36 =	vnsel vm10, $0x0, v5;
	v17 =	vmul.f32 $2.000000030e-01, v34  }
0x45e: {  	vm0 =	vmmov vm0;
	v33 =	vmul.f32 v30, v6;
	v18 =	vmul.f32 v36, v36  }
0x45f: {  	vm0 =	vmmov vm0;
	v10 =	vmul.f32 v17, v28;
	v12 =	vmul.f32 v12, v31  }
0x460: {  	vm0 =	vmmov vm0;
	v7 =	vmul.f32 v37, v29;
	v38 =	vmul.f32 v33, v30  }
0x461: {  	v4 =	vmul.f32 v35, v32;
	v39 =	vmul.f32 v18, v2;
	v10 =	vsel vm0, v12, v10  }
0x462: {  	v40 =	vld [tilespmem:s6+$0x1C000];
	v7 =	vsub.f32 $1.500000000e+00, v7;
	v41 =	vsub.f32 $1.500000000e+00, v38;
	[tilespmem:s8+$0x17000] =	vst v10  }
0x463: {  	v4 =	vsub.f32 $1.500000000e+00, v4;
	v2 =	vadd.f32 $1.000000010e-01, v39;
	v42 =	vld [tilespmem:s6+$0x17000]  }
0x464: {  	v7 =	vmul.f32 v7, v29;
	v43 =	vmul.f32 v41, v30  }
0x465: {  	vm11 =	vgt.f32 v1, $0.0e+00;
	v4 =	vmul.f32 v4, v32;
	v44 =	vpop (erf);
	(erf) = vrcp.f32 v2  }
0x466: {  	v46 =	vnsel vm11, $0x0, v7;
	v47 =	vmul.f32 v43, v6;
	v10 =	vmul.f32 $2.000000030e-01, v44  }
0x467: {  	vm2 =	vmmov vm9;
	v11 =	vmul.f32 v46, v46;
	v45 =	vmul.f32 v4, v9  }
0x468: {  	vm2 =	vmmov vm2;
	v10 =	vmul.f32 v10, v40;
	v13 =	vmul.f32 v13, v42  }
0x469: {  	vm2 =	vmmov vm2;
	v6 =	vmul.f32 v47, v43  }
0x46a: {  	v48 =	vmul.f32 v11, v1;
	v2 =	vmul.f32 v45, v4;
	v10 =	vsel vm2, v13, v10  }
0x46b: {  	v49 =	vld [tilespmem:s4+$0x1C000];
	v6 =	vsub.f32 $1.500000000e+00, v6;
	[tilespmem:s6+$0x17000] =	vst v10  }
0x46c: {  	v1 =	vadd.f32 $1.000000010e-01, v48;
	v2 =	vsub.f32 $1.500000000e+00, v2;
	v10 =	vld [tilespmem:s4+$0x17000]  }
0x46d: {  	v6 =	vmul.f32 v6, v43  }
0x46e: {  	vm12 =	vgt.f32 v0, $0.0e+00;
	v2 =	vmul.f32 v2, v4;
	v50 =	vpop (erf);
	(erf) = vrcp.f32 v1  }
0x46f: {  	v51 =	vnsel vm12, $0x0, v6;
	v4 =	vmul.f32 $2.000000030e-01, v50  }
0x470: {  	vm1 =	vmmov vm10;
	v52 =	vmul.f32 v2, v9;
	v1 =	vmul.f32 v51, v51  }
0x471: {  	vm1 =	vmmov vm1;
	v4 =	vmul.f32 v4, v49;
	v5 =	vmul.f32 v5, v10  }
0x472: {  	vm1 =	vmmov vm1;
	v8 =	vmul.f32 v52, v2  }
0x473: {  	v53 =	vmul.f32 v1, v0;
	v54 =	vsel vm1, v5, v4  }
0x474: {  	v55 =	vld [tilespmem:s5+$0x1C000];
	v56 =	vsub.f32 $1.500000000e+00, v8;
	[tilespmem:s4+$0x17000] =	vst v54  }
0x475: {  	v0 =	vadd.f32 $1.000000010e-01, v53;
	v1 =	vld [tilespmem:s5+$0x17000]  }
0x476: {  	v2 =	vmul.f32 v56, v2  }
0x477: {  	vm13 =	vgt.f32 v3, $0.0e+00;
	v57 =	vpop (erf);
	(erf) = vrcp.f32 v0  }
0x478: {  	v58 =	vnsel vm13, $0x0, v2;
	v5 =	vmul.f32 $2.000000030e-01, v57  }
0x479: {  	vm0 =	vmmov vm11;
	v0 =	vmul.f32 v58, v58  }
0x47a: {  	vm0 =	vmmov vm0;
	v4 =	vmul.f32 v5, v55;
	v1 =	vmul.f32 v7, v1  }
0x47b: {  	vm0 =	vmmov vm0  }
0x47c: {  	v0 =	vmul.f32 v0, v3;
	v1 =	vsel vm0, v1, v4  }
0x47d: {  	v59 =	vld [tilespmem:s7+$0x1C000];
	[tilespmem:s5+$0x17000] =	vst v1  }
0x47e: {  	v0 =	vadd.f32 $1.000000010e-01, v0;
	v1 =	vld [tilespmem:s7+$0x17000];
	_ =	sdelay $0x1  }
0x47f: {  	v60 =	vpop (erf);
	(erf) = vrcp.f32 v0  }
0x480: {  	v61 =	vmul.f32 $2.000000030e-01, v60  }
0x481: {  	vm14 =	vmmov vm12  }
0x482: {  	vm0 =	vmmov vm14;
	v0 =	vmul.f32 v61, v59;
	v1 =	vmul.f32 v6, v1  }
0x483: {  	vm0 =	vmmov vm0  }
0x484: {  	v0 =	vsel vm0, v1, v0  }
0x485: {  	v62 =	vld [tilespmem:s9+$0x1C000];
	[tilespmem:s7+$0x17000] =	vst v0  }
0x486: {  	v0 =	vld [tilespmem:s9+$0x17000];
	_ =	sdelay $0x1  }
0x487: {  	v63 =	vpop (erf)  }
0x488: {  	v3 =	vmul.f32 $2.000000030e-01, v63  }
0x489: {  	vm15 =	vmmov vm13  }
0x48a: {  	vm0 =	vmmov vm15;
	v1 =	vmul.f32 v3, v62;
	v0 =	vmul.f32 v2, v0  }
0x48b: {  	vm0 =	vmmov vm0  }
0x48c: {  	s2 =	sadd.s32 s3, s2;
	v0 =	vsel vm0, v0, v1  }
0x48d: {  	s29 =	simm.s32 $0x0;
	s30 =	simm.s32 $0x17000;
	s31 =	simm.s32 $0x5;
	[tilespmem:s9+$0x17000] =	vst v0  }
0x48e: {  	[hbm4b:s2+s29] =	stream.linear.scatter [tilespmem:s30], [sflag:$0x5], $0x2800, $0x38;
	[tilespmem:$0x1E800] =	vst v63  }
0x48f: {  	_ =	swait.ge [sflag:s31], $0x2800  }
0x490: {  	[sflag:s31] =	ssyncset.done $0x0  }
0x491: {  	[sflag:s31] =	ssyncadd.s32 $0xFFFFD800  }
0x492: {  	_ =	sfence.sel $0x180000  }
0x493: {  	[bflag:$0x0] =	sbarrier.arrive $0xFFFF  }
0x494: {  	p0 =	sne.s32 s1, $0x0;
	_ =	strace $0x90000047  }
0x495: {  	s0 =	sadd.s32 @!p0 $0x100000, s0;
	[bflag:$0x2] =	sbarrier.arrive $0xFFFF  }
0x496: {  	[sflag:s0] =	ssyncadd.tile.s32 @!p0 $0x1;
	_ =	shalt  }
.Lfunc_end2:
_tile_overlayer_lowered:
.L_overlay_start_2:
0x497: {  	(tag) =	ssettag $0x2  }
0x498: {  	s0 =	rddreg [dreg:$0x0];
	s2 =	stileid.u32  }
0x499: {  	s1 =	rddreg [dreg:$0x1];
	p0 =	sne.s32 s2, $0x0  }
0x49a: {  	s3 =	rddreg [dreg:$0x2];
	[bflag:$0x3] =	sbarrier.arrive $0xFFFF;
	s2 =	simm.s32 @!p0 $0x1C05  }
0x49b: {  	[timem:s3], [sflag:s2] =	dma.local @!p0 [hbm:s0], s1  }
0x49c: {  	s0 =	simm.s32 @!p0 $0x5  }
0x49d: {  	_ =	swait.ge @!p0 [sflag:s0], s1  }
0x49e: {  	s1 =	ssub.s32 @!p0 $0x0, s1;
	[sflag:s0] =	ssyncset.done @!p0 $0x0  }
0x49f: {  	[sflag:s0] =	ssyncadd.s32 @!p0 s1  }
0x4a0: {  	[bflag:$0x3] =	sbarrier.arrive $0xFFFF  }
0x4a1: {  	_ =	shalt  }

</sc_bundles>
